<compile_context>
chip_gen: v7x
topology: tpu7x:2x2x1
jax: 0.10.2.dev20260603
libtpu: 0.0.44.dev20260713+nightly
codegen_flags: <defaults>
</compile_context>

<pallas_src>
import functools

import jax
import jax.numpy as jnp
from jax import lax
from jax.experimental import pallas as pl
from jax.experimental.pallas import tpu as pltpu
from jax.experimental.pallas import tpu_sc as plsc

B = 16384
D = 64
OUT_D = 4 * D
NUM_CORES = 2
NUM_SUBCORES = 16
NW = NUM_CORES * NUM_SUBCORES
BPW = B // NW
G = 16
NGROUP = BPW // G


@functools.partial(
    pl.kernel,
    mesh=plsc.VectorSubcoreMesh(core_axis_name="c", subcore_axis_name="s"),
    out_type=jax.ShapeDtypeStruct((B, D), jnp.float32),
    scratch_types=[
        pltpu.VMEM((BPW,), jnp.int32),
        pltpu.VMEM((2 * G, 8, D), jnp.float32),
        pltpu.VMEM((BPW, D), jnp.float32),
        pltpu.SemaphoreType.DMA,
    ],
)
def _sc_gather(idx_hbm, table3, out, idx_v, tiles_v, rows_v, sem):
    wid = lax.axis_index("s") * NUM_CORES + lax.axis_index("c")
    base = wid * BPW
    pltpu.sync_copy(idx_hbm.at[pl.ds(base, BPW)], idx_v)

    def issue_group(g, hb):
        vec = idx_v[pl.ds(g * G, G)]
        tvec = lax.shift_right_logical(vec, 3)
        for j in range(G):
            pltpu.async_copy(
                table3.at[pl.ds(tvec[j], 1)], tiles_v.at[pl.ds(hb + j, 1)],
                sem)

    issue_group(0, 0)

    def group_body(g, _):
        gbase = g * G
        hb = (g & 1) * G
        for j in range(G):
            pltpu.make_async_copy(
                table3.at[pl.ds(0, 1)], tiles_v.at[pl.ds(hb + j, 1)],
                sem).wait()

        @pl.when(g + 1 < NGROUP)
        def _():
            issue_group(g + 1, G - hb)

        vec = idx_v[pl.ds(gbase, G)]
        rvec = vec & 7
        for j in range(G):
            for k in range(D // 16):
                rows_v[gbase + j, pl.ds(k * 16, 16)] = (
                    tiles_v[hb + j, rvec[j], pl.ds(k * 16, 16)])
        return 0

    lax.fori_loop(0, NGROUP, group_body, 0)
    pltpu.sync_copy(rows_v, out.at[pl.ds(base, BPW)])


def _concat_body(z_src_ref, z_dst_ref, pos_ref, t_ref, out_ref):
    out_ref[...] = jnp.concatenate(
        [z_src_ref[...], z_dst_ref[...], pos_ref[...], t_ref[...]], axis=-1)


_R = 2048
_concat = pl.pallas_call(
    _concat_body,
    grid=(B // _R,),
    in_specs=[pl.BlockSpec((_R, D), lambda i: (i, 0))] * 4,
    out_specs=pl.BlockSpec((_R, OUT_D), lambda i: (i, 0)),
    out_shape=jax.ShapeDtypeStruct((B, OUT_D), jnp.float32),
)


def kernel(z_src, z_dst, raw_msg, t_enc, embedding_weight):
    idx = raw_msg.astype(jnp.int32)
    table3 = embedding_weight.reshape(125000, 8, D)
    pos_msg = _sc_gather(idx, table3)
    return _concat(z_src, z_dst, pos_msg, t_enc)

# --- scband reference (transcript-rebuilt; emitter-appended) ---
"""Pipeline reference for scband-position-message-50010599194851 (READ-ONLY COPY).

The authoritative reference and input builder live on the scoring server;
editing this copy changes nothing except your own understanding.
"""

import jax, jax.numpy as jnp
import numpy as np

NUM_NODES = 1000000
POS_DIM = 64
MEM_DIM = 64
TIME_DIM = 64
BATCH = 16384


def setup_inputs(seed: int = 0) -> dict:
    key = jax.random.key(seed)
    k1, k2, k3, k4, k5 = jax.random.split(key, 5)
    z_src = jax.random.normal(k1, (BATCH, MEM_DIM), dtype=jnp.float32)
    z_dst = jax.random.normal(k2, (BATCH, MEM_DIM), dtype=jnp.float32)
    raw_msg = jax.random.randint(k3, (BATCH,), 0, NUM_NODES, dtype=jnp.int64 if jax.config.jax_enable_x64 else jnp.int32)
    t_enc = jax.random.normal(k4, (BATCH, TIME_DIM), dtype=jnp.float32)
    # learned embedding table, matches nn.Embedding(num_nodes, pos_embedding_dim)
    embedding_weight = jax.random.normal(k5, (NUM_NODES, POS_DIM), dtype=jnp.float32)
    return {"z_src": z_src, "z_dst": z_dst, "raw_msg": raw_msg, "t_enc": t_enc, "embedding_weight": embedding_weight}


def reference(z_src, z_dst, raw_msg, t_enc, embedding_weight):
    # pos_msg = self.embedding(raw_msg.int()).reshape(z_src.shape[0], z_src.shape[1])
    idx = raw_msg.astype(jnp.int32)
    pos_msg = jnp.take(embedding_weight, idx, axis=0)
    pos_msg = pos_msg.reshape(z_src.shape[0], z_src.shape[1])
    return jnp.concatenate([z_src, z_dst, pos_msg, t_enc], axis=-1)

if __name__ == "__main__":
    import jax
    _d = setup_inputs()
    print(jax.jit(kernel)(*tuple(_d.values())))

</pallas_src>

<mosaic_0001>
#map = affine_map<(d0, d1) -> (0)>
#map1 = affine_map<(d0, d1) -> (0, 0, 0)>
#map2 = affine_map<(d0, d1) -> (0, 0)>
module attributes {stable_mosaic.version = 14 : i64} {
  func.func @_sc_gather(%arg0: i32, %arg1: i32, %arg2: memref<16384xi32, #tpu.memory_space<hbm>>, %arg3: memref<125000x8x64xf32, #tpu.memory_space<hbm>>, %arg4: memref<16384x64xf32, #tpu.memory_space<hbm>>, %arg5: memref<512xi32, #tpu.memory_space<vmem>>, %arg6: memref<32x8x64xf32, #tpu.memory_space<vmem>>, %arg7: memref<512x64xf32, #tpu.memory_space<vmem>>, %arg8: memref<!tpu.dma_semaphore, #tpu.memory_space<semaphore_mem>>) attributes {dimension_semantics = [#tpu.dimension_semantics<core_parallel>, #tpu.dimension_semantics<subcore_parallel>], iteration_bounds = array<i64: 2, 16>, scalar_prefetch = 0 : i64, scratch_operands = 4 : i64, tpu.core_type = #tpu.core_type<sc_vector_subcore>, window_params = [{transform_indices = #map}, {transform_indices = #map1}, {transform_indices = #map2}]} {
    %mul3A = arith.constant 2 : i32
    %mul3A_0 = arith.muli %arg1, %mul3A : i32
    %add3A = arith.addi %mul3A_0, %arg0 : i32
    %mul3A_1 = arith.constant 512 : i32
    %mul3A_2 = arith.muli %add3A, %mul3A_1 : i32
    "tpu.region"() ({
      %run_scoped3A = tpu.sem_alloc : memref<!tpu.dma_semaphore, #tpu.memory_space<semaphore_mem>>
      %dma_start3A_266 = tpu.memref_slice %arg2[%mul3A_2] : memref<16384xi32, #tpu.memory_space<hbm>> -> memref<512xi32, #tpu.memory_space<hbm>>
      %dma_start3A_267 = tpu.memref_slice %arg2[%mul3A_2] : memref<16384xi32, #tpu.memory_space<hbm>> -> memref<512xi32, #tpu.memory_space<hbm>>
      tpu.enqueue_dma source(%dma_start3A_267 : memref<512xi32, #tpu.memory_space<hbm>>) target(%arg5 : memref<512xi32, #tpu.memory_space<vmem>>) target_semaphore(%run_scoped3A : memref<!tpu.dma_semaphore, #tpu.memory_space<semaphore_mem>>)
      %dma_wait3A = tpu.memref_slice %arg2[%mul3A_2] : memref<16384xi32, #tpu.memory_space<hbm>> -> memref<512xi32, #tpu.memory_space<hbm>>
      %dma_wait3A_268 = tpu.memref_slice %arg2[%mul3A_2] : memref<16384xi32, #tpu.memory_space<hbm>> -> memref<512xi32, #tpu.memory_space<hbm>>
      tpu.wait_dma2 semaphore(%run_scoped3A : memref<!tpu.dma_semaphore, #tpu.memory_space<semaphore_mem>>) src(%dma_wait3A_268 : memref<512xi32, #tpu.memory_space<hbm>>) dst(%arg5 : memref<512xi32, #tpu.memory_space<vmem>>)
      tpu.yield
    }) : () -> ()
    %get3A = arith.constant 0 : index
    %get3A_3 = tpu.vector_load %arg5[%get3A] {strides = array<i32>} : memref<512xi32, #tpu.memory_space<vmem>>, vector<16xi32>,
    %get3A_4 = vector.shape_cast %get3A_3 : vector<16xi32> to vector<16xi32>
    %shift_right_logical3A = arith.constant 3 : i32
    %shift_right_logical3A_5 = vector.broadcast %shift_right_logical3A : i32 to vector<16xi32>
    %shift_right_logical3A_6 = arith.shrui %get3A_4, %shift_right_logical3A_5 : vector<16xi32>
    %slice3A = vector.extract_strided_slice %shift_right_logical3A_6 {offsets = [0], sizes = [1], strides = [1]} : vector<16xi32> to vector<1xi32>
    %squeeze3A = vector.extract %slice3A[0] : i32 from vector<1xi32>
    %dma_start3A = arith.constant 0 : i32
    %dma_start3A_7 = arith.constant 0 : i32
    %dma_start3A_8 = arith.constant 0 : i32
    %dma_start3A_9 = tpu.memref_slice %arg6[%dma_start3A, %dma_start3A_7, %dma_start3A_8] : memref<32x8x64xf32, #tpu.memory_space<vmem>> -> memref<1x8x64xf32, #tpu.memory_space<vmem>>
    %dma_start3A_10 = arith.constant 0 : i32
    %dma_start3A_11 = arith.constant 0 : i32
    %dma_start3A_12 = tpu.memref_slice %arg3[%squeeze3A, %dma_start3A_10, %dma_start3A_11] : memref<125000x8x64xf32, #tpu.memory_space<hbm>> -> memref<1x8x64xf32, #tpu.memory_space<hbm>>
    %dma_start3A_13 = arith.constant 0 : i32
    %dma_start3A_14 = arith.constant 0 : i32
    %dma_start3A_15 = arith.constant 0 : i32
    %dma_start3A_16 = tpu.memref_slice %arg6[%dma_start3A_13, %dma_start3A_14, %dma_start3A_15] : memref<32x8x64xf32, #tpu.memory_space<vmem>> -> memref<1x8x64xf32, #tpu.memory_space<vmem>>
    %dma_start3A_17 = arith.constant 0 : i32
    %dma_start3A_18 = arith.constant 0 : i32
    %dma_start3A_19 = tpu.memref_slice %arg3[%squeeze3A, %dma_start3A_17, %dma_start3A_18] : memref<125000x8x64xf32, #tpu.memory_space<hbm>> -> memref<1x8x64xf32, #tpu.memory_space<hbm>>
    tpu.enqueue_dma source(%dma_start3A_19 : memref<1x8x64xf32, #tpu.memory_space<hbm>>) target(%dma_start3A_16 : memref<1x8x64xf32, #tpu.memory_space<vmem>>) target_semaphore(%arg8 : memref<!tpu.dma_semaphore, #tpu.memory_space<semaphore_mem>>)
    %slice3A_20 = vector.extract_strided_slice %shift_right_logical3A_6 {offsets = [1], sizes = [1], strides = [1]} : vector<16xi32> to vector<1xi32>
    %squeeze3A_21 = vector.extract %slice3A_20[0] : i32 from vector<1xi32>
    %dma_start3A_22 = arith.constant 1 : i32
    %dma_start3A_23 = arith.constant 0 : i32
    %dma_start3A_24 = arith.constant 0 : i32
    %dma_start3A_25 = tpu.memref_slice %arg6[%dma_start3A_22, %dma_start3A_23, %dma_start3A_24] : memref<32x8x64xf32, #tpu.memory_space<vmem>> -> memref<1x8x64xf32, #tpu.memory_space<vmem>>
    %dma_start3A_26 = arith.constant 0 : i32
    %dma_start3A_27 = arith.constant 0 : i32
    %dma_start3A_28 = tpu.memref_slice %arg3[%squeeze3A_21, %dma_start3A_26, %dma_start3A_27] : memref<125000x8x64xf32, #tpu.memory_space<hbm>> -> memref<1x8x64xf32, #tpu.memory_space<hbm>>
    %dma_start3A_29 = arith.constant 1 : i32
    %dma_start3A_30 = arith.constant 0 : i32
    %dma_start3A_31 = arith.constant 0 : i32
    %dma_start3A_32 = tpu.memref_slice %arg6[%dma_start3A_29, %dma_start3A_30, %dma_start3A_31] : memref<32x8x64xf32, #tpu.memory_space<vmem>> -> memref<1x8x64xf32, #tpu.memory_space<vmem>>
    %dma_start3A_33 = arith.constant 0 : i32
    %dma_start3A_34 = arith.constant 0 : i32
    %dma_start3A_35 = tpu.memref_slice %arg3[%squeeze3A_21, %dma_start3A_33, %dma_start3A_34] : memref<125000x8x64xf32, #tpu.memory_space<hbm>> -> memref<1x8x64xf32, #tpu.memory_space<hbm>>
    tpu.enqueue_dma source(%dma_start3A_35 : memref<1x8x64xf32, #tpu.memory_space<hbm>>) target(%dma_start3A_32 : memref<1x8x64xf32, #tpu.memory_space<vmem>>) target_semaphore(%arg8 : memref<!tpu.dma_semaphore, #tpu.memory_space<semaphore_mem>>)
    %slice3A_36 = vector.extract_strided_slice %shift_right_logical3A_6 {offsets = [2], sizes = [1], strides = [1]} : vector<16xi32> to vector<1xi32>
    %squeeze3A_37 = vector.extract %slice3A_36[0] : i32 from vector<1xi32>
    %dma_start3A_38 = arith.constant 2 : i32
    %dma_start3A_39 = arith.constant 0 : i32
    %dma_start3A_40 = arith.constant 0 : i32
    %dma_start3A_41 = tpu.memref_slice %arg6[%dma_start3A_38, %dma_start3A_39, %dma_start3A_40] : memref<32x8x64xf32, #tpu.memory_space<vmem>> -> memref<1x8x64xf32, #tpu.memory_space<vmem>>
    %dma_start3A_42 = arith.constant 0 : i32
    %dma_start3A_43 = arith.constant 0 : i32
    %dma_start3A_44 = tpu.memref_slice %arg3[%squeeze3A_37, %dma_start3A_42, %dma_start3A_43] : memref<125000x8x64xf32, #tpu.memory_space<hbm>> -> memref<1x8x64xf32, #tpu.memory_space<hbm>>
    %dma_start3A_45 = arith.constant 2 : i32
    %dma_start3A_46 = arith.constant 0 : i32
    %dma_start3A_47 = arith.constant 0 : i32
    %dma_start3A_48 = tpu.memref_slice %arg6[%dma_start3A_45, %dma_start3A_46, %dma_start3A_47] : memref<32x8x64xf32, #tpu.memory_space<vmem>> -> memref<1x8x64xf32, #tpu.memory_space<vmem>>
    %dma_start3A_49 = arith.constant 0 : i32
    %dma_start3A_50 = arith.constant 0 : i32
    %dma_start3A_51 = tpu.memref_slice %arg3[%squeeze3A_37, %dma_start3A_49, %dma_start3A_50] : memref<125000x8x64xf32, #tpu.memory_space<hbm>> -> memref<1x8x64xf32, #tpu.memory_space<hbm>>
    tpu.enqueue_dma source(%dma_start3A_51 : memref<1x8x64xf32, #tpu.memory_space<hbm>>) target(%dma_start3A_48 : memref<1x8x64xf32, #tpu.memory_space<vmem>>) target_semaphore(%arg8 : memref<!tpu.dma_semaphore, #tpu.memory_space<semaphore_mem>>)
    %slice3A_52 = vector.extract_strided_slice %shift_right_logical3A_6 {offsets = [3], sizes = [1], strides = [1]} : vector<16xi32> to vector<1xi32>
    %squeeze3A_53 = vector.extract %slice3A_52[0] : i32 from vector<1xi32>
    %dma_start3A_54 = arith.constant 3 : i32
    %dma_start3A_55 = arith.constant 0 : i32
    %dma_start3A_56 = arith.constant 0 : i32
    %dma_start3A_57 = tpu.memref_slice %arg6[%dma_start3A_54, %dma_start3A_55, %dma_start3A_56] : memref<32x8x64xf32, #tpu.memory_space<vmem>> -> memref<1x8x64xf32, #tpu.memory_space<vmem>>
    %dma_start3A_58 = arith.constant 0 : i32
    %dma_start3A_59 = arith.constant 0 : i32
    %dma_start3A_60 = tpu.memref_slice %arg3[%squeeze3A_53, %dma_start3A_58, %dma_start3A_59] : memref<125000x8x64xf32, #tpu.memory_space<hbm>> -> memref<1x8x64xf32, #tpu.memory_space<hbm>>
    %dma_start3A_61 = arith.constant 3 : i32
    %dma_start3A_62 = arith.constant 0 : i32
    %dma_start3A_63 = arith.constant 0 : i32
    %dma_start3A_64 = tpu.memref_slice %arg6[%dma_start3A_61, %dma_start3A_62, %dma_start3A_63] : memref<32x8x64xf32, #tpu.memory_space<vmem>> -> memref<1x8x64xf32, #tpu.memory_space<vmem>>
    %dma_start3A_65 = arith.constant 0 : i32
    %dma_start3A_66 = arith.constant 0 : i32
    %dma_start3A_67 = tpu.memref_slice %arg3[%squeeze3A_53, %dma_start3A_65, %dma_start3A_66] : memref<125000x8x64xf32, #tpu.memory_space<hbm>> -> memref<1x8x64xf32, #tpu.memory_space<hbm>>
    tpu.enqueue_dma source(%dma_start3A_67 : memref<1x8x64xf32, #tpu.memory_space<hbm>>) target(%dma_start3A_64 : memref<1x8x64xf32, #tpu.memory_space<vmem>>) target_semaphore(%arg8 : memref<!tpu.dma_semaphore, #tpu.memory_space<semaphore_mem>>)
    %slice3A_68 = vector.extract_strided_slice %shift_right_logical3A_6 {offsets = [4], sizes = [1], strides = [1]} : vector<16xi32> to vector<1xi32>
    %squeeze3A_69 = vector.extract %slice3A_68[0] : i32 from vector<1xi32>
    %dma_start3A_70 = arith.constant 4 : i32
    %dma_start3A_71 = arith.constant 0 : i32
    %dma_start3A_72 = arith.constant 0 : i32
    %dma_start3A_73 = tpu.memref_slice %arg6[%dma_start3A_70, %dma_start3A_71, %dma_start3A_72] : memref<32x8x64xf32, #tpu.memory_space<vmem>> -> memref<1x8x64xf32, #tpu.memory_space<vmem>>
    %dma_start3A_74 = arith.constant 0 : i32
    %dma_start3A_75 = arith.constant 0 : i32
    %dma_start3A_76 = tpu.memref_slice %arg3[%squeeze3A_69, %dma_start3A_74, %dma_start3A_75] : memref<125000x8x64xf32, #tpu.memory_space<hbm>> -> memref<1x8x64xf32, #tpu.memory_space<hbm>>
    %dma_start3A_77 = arith.constant 4 : i32
    %dma_start3A_78 = arith.constant 0 : i32
    %dma_start3A_79 = arith.constant 0 : i32
    %dma_start3A_80 = tpu.memref_slice %arg6[%dma_start3A_77, %dma_start3A_78, %dma_start3A_79] : memref<32x8x64xf32, #tpu.memory_space<vmem>> -> memref<1x8x64xf32, #tpu.memory_space<vmem>>
    %dma_start3A_81 = arith.constant 0 : i32
    %dma_start3A_82 = arith.constant 0 : i32
    %dma_start3A_83 = tpu.memref_slice %arg3[%squeeze3A_69, %dma_start3A_81, %dma_start3A_82] : memref<125000x8x64xf32, #tpu.memory_space<hbm>> -> memref<1x8x64xf32, #tpu.memory_space<hbm>>
    tpu.enqueue_dma source(%dma_start3A_83 : memref<1x8x64xf32, #tpu.memory_space<hbm>>) target(%dma_start3A_80 : memref<1x8x64xf32, #tpu.memory_space<vmem>>) target_semaphore(%arg8 : memref<!tpu.dma_semaphore, #tpu.memory_space<semaphore_mem>>)
    %slice3A_84 = vector.extract_strided_slice %shift_right_logical3A_6 {offsets = [5], sizes = [1], strides = [1]} : vector<16xi32> to vector<1xi32>
    %squeeze3A_85 = vector.extract %slice3A_84[0] : i32 from vector<1xi32>
    %dma_start3A_86 = arith.constant 5 : i32
    %dma_start3A_87 = arith.constant 0 : i32
    %dma_start3A_88 = arith.constant 0 : i32
    %dma_start3A_89 = tpu.memref_slice %arg6[%dma_start3A_86, %dma_start3A_87, %dma_start3A_88] : memref<32x8x64xf32, #tpu.memory_space<vmem>> -> memref<1x8x64xf32, #tpu.memory_space<vmem>>
    %dma_start3A_90 = arith.constant 0 : i32
    %dma_start3A_91 = arith.constant 0 : i32
    %dma_start3A_92 = tpu.memref_slice %arg3[%squeeze3A_85, %dma_start3A_90, %dma_start3A_91] : memref<125000x8x64xf32, #tpu.memory_space<hbm>> -> memref<1x8x64xf32, #tpu.memory_space<hbm>>
    %dma_start3A_93 = arith.constant 5 : i32
    %dma_start3A_94 = arith.constant 0 : i32
    %dma_start3A_95 = arith.constant 0 : i32
    %dma_start3A_96 = tpu.memref_slice %arg6[%dma_start3A_93, %dma_start3A_94, %dma_start3A_95] : memref<32x8x64xf32, #tpu.memory_space<vmem>> -> memref<1x8x64xf32, #tpu.memory_space<vmem>>
    %dma_start3A_97 = arith.constant 0 : i32
    %dma_start3A_98 = arith.constant 0 : i32
    %dma_start3A_99 = tpu.memref_slice %arg3[%squeeze3A_85, %dma_start3A_97, %dma_start3A_98] : memref<125000x8x64xf32, #tpu.memory_space<hbm>> -> memref<1x8x64xf32, #tpu.memory_space<hbm>>
    tpu.enqueue_dma source(%dma_start3A_99 : memref<1x8x64xf32, #tpu.memory_space<hbm>>) target(%dma_start3A_96 : memref<1x8x64xf32, #tpu.memory_space<vmem>>) target_semaphore(%arg8 : memref<!tpu.dma_semaphore, #tpu.memory_space<semaphore_mem>>)
    %slice3A_100 = vector.extract_strided_slice %shift_right_logical3A_6 {offsets = [6], sizes = [1], strides = [1]} : vector<16xi32> to vector<1xi32>
    %squeeze3A_101 = vector.extract %slice3A_100[0] : i32 from vector<1xi32>
    %dma_start3A_102 = arith.constant 6 : i32
    %dma_start3A_103 = arith.constant 0 : i32
    %dma_start3A_104 = arith.constant 0 : i32
    %dma_start3A_105 = tpu.memref_slice %arg6[%dma_start3A_102, %dma_start3A_103, %dma_start3A_104] : memref<32x8x64xf32, #tpu.memory_space<vmem>> -> memref<1x8x64xf32, #tpu.memory_space<vmem>>
    %dma_start3A_106 = arith.constant 0 : i32
    %dma_start3A_107 = arith.constant 0 : i32
    %dma_start3A_108 = tpu.memref_slice %arg3[%squeeze3A_101, %dma_start3A_106, %dma_start3A_107] : memref<125000x8x64xf32, #tpu.memory_space<hbm>> -> memref<1x8x64xf32, #tpu.memory_space<hbm>>
    %dma_start3A_109 = arith.constant 6 : i32
    %dma_start3A_110 = arith.constant 0 : i32
    %dma_start3A_111 = arith.constant 0 : i32
    %dma_start3A_112 = tpu.memref_slice %arg6[%dma_start3A_109, %dma_start3A_110, %dma_start3A_111] : memref<32x8x64xf32, #tpu.memory_space<vmem>> -> memref<1x8x64xf32, #tpu.memory_space<vmem>>
    %dma_start3A_113 = arith.constant 0 : i32
    %dma_start3A_114 = arith.constant 0 : i32
    %dma_start3A_115 = tpu.memref_slice %arg3[%squeeze3A_101, %dma_start3A_113, %dma_start3A_114] : memref<125000x8x64xf32, #tpu.memory_space<hbm>> -> memref<1x8x64xf32, #tpu.memory_space<hbm>>
    tpu.enqueue_dma source(%dma_start3A_115 : memref<1x8x64xf32, #tpu.memory_space<hbm>>) target(%dma_start3A_112 : memref<1x8x64xf32, #tpu.memory_space<vmem>>) target_semaphore(%arg8 : memref<!tpu.dma_semaphore, #tpu.memory_space<semaphore_mem>>)
    %slice3A_116 = vector.extract_strided_slice %shift_right_logical3A_6 {offsets = [7], sizes = [1], strides = [1]} : vector<16xi32> to vector<1xi32>
    %squeeze3A_117 = vector.extract %slice3A_116[0] : i32 from vector<1xi32>
    %dma_start3A_118 = arith.constant 7 : i32
    %dma_start3A_119 = arith.constant 0 : i32
    %dma_start3A_120 = arith.constant 0 : i32
    %dma_start3A_121 = tpu.memref_slice %arg6[%dma_start3A_118, %dma_start3A_119, %dma_start3A_120] : memref<32x8x64xf32, #tpu.memory_space<vmem>> -> memref<1x8x64xf32, #tpu.memory_space<vmem>>
    %dma_start3A_122 = arith.constant 0 : i32
    %dma_start3A_123 = arith.constant 0 : i32
    %dma_start3A_124 = tpu.memref_slice %arg3[%squeeze3A_117, %dma_start3A_122, %dma_start3A_123] : memref<125000x8x64xf32, #tpu.memory_space<hbm>> -> memref<1x8x64xf32, #tpu.memory_space<hbm>>
    %dma_start3A_125 = arith.constant 7 : i32
    %dma_start3A_126 = arith.constant 0 : i32
    %dma_start3A_127 = arith.constant 0 : i32
    %dma_start3A_128 = tpu.memref_slice %arg6[%dma_start3A_125, %dma_start3A_126, %dma_start3A_127] : memref<32x8x64xf32, #tpu.memory_space<vmem>> -> memref<1x8x64xf32, #tpu.memory_space<vmem>>
    %dma_start3A_129 = arith.constant 0 : i32
    %dma_start3A_130 = arith.constant 0 : i32
    %dma_start3A_131 = tpu.memref_slice %arg3[%squeeze3A_117, %dma_start3A_129, %dma_start3A_130] : memref<125000x8x64xf32, #tpu.memory_space<hbm>> -> memref<1x8x64xf32, #tpu.memory_space<hbm>>
    tpu.enqueue_dma source(%dma_start3A_131 : memref<1x8x64xf32, #tpu.memory_space<hbm>>) target(%dma_start3A_128 : memref<1x8x64xf32, #tpu.memory_space<vmem>>) target_semaphore(%arg8 : memref<!tpu.dma_semaphore, #tpu.memory_space<semaphore_mem>>)
    %slice3A_132 = vector.extract_strided_slice %shift_right_logical3A_6 {offsets = [8], sizes = [1], strides = [1]} : vector<16xi32> to vector<1xi32>
    %squeeze3A_133 = vector.extract %slice3A_132[0] : i32 from vector<1xi32>
    %dma_start3A_134 = arith.constant 8 : i32
    %dma_start3A_135 = arith.constant 0 : i32
    %dma_start3A_136 = arith.constant 0 : i32
    %dma_start3A_137 = tpu.memref_slice %arg6[%dma_start3A_134, %dma_start3A_135, %dma_start3A_136] : memref<32x8x64xf32, #tpu.memory_space<vmem>> -> memref<1x8x64xf32, #tpu.memory_space<vmem>>
    %dma_start3A_138 = arith.constant 0 : i32
    %dma_start3A_139 = arith.constant 0 : i32
    %dma_start3A_140 = tpu.memref_slice %arg3[%squeeze3A_133, %dma_start3A_138, %dma_start3A_139] : memref<125000x8x64xf32, #tpu.memory_space<hbm>> -> memref<1x8x64xf32, #tpu.memory_space<hbm>>
    %dma_start3A_141 = arith.constant 8 : i32
    %dma_start3A_142 = arith.constant 0 : i32
    %dma_start3A_143 = arith.constant 0 : i32
    %dma_start3A_144 = tpu.memref_slice %arg6[%dma_start3A_141, %dma_start3A_142, %dma_start3A_143] : memref<32x8x64xf32, #tpu.memory_space<vmem>> -> memref<1x8x64xf32, #tpu.memory_space<vmem>>
    %dma_start3A_145 = arith.constant 0 : i32
    %dma_start3A_146 = arith.constant 0 : i32
    %dma_start3A_147 = tpu.memref_slice %arg3[%squeeze3A_133, %dma_start3A_145, %dma_start3A_146] : memref<125000x8x64xf32, #tpu.memory_space<hbm>> -> memref<1x8x64xf32, #tpu.memory_space<hbm>>
    tpu.enqueue_dma source(%dma_start3A_147 : memref<1x8x64xf32, #tpu.memory_space<hbm>>) target(%dma_start3A_144 : memref<1x8x64xf32, #tpu.memory_space<vmem>>) target_semaphore(%arg8 : memref<!tpu.dma_semaphore, #tpu.memory_space<semaphore_mem>>)
    %slice3A_148 = vector.extract_strided_slice %shift_right_logical3A_6 {offsets = [9], sizes = [1], strides = [1]} : vector<16xi32> to vector<1xi32>
    %squeeze3A_149 = vector.extract %slice3A_148[0] : i32 from vector<1xi32>
    %dma_start3A_150 = arith.constant 9 : i32
    %dma_start3A_151 = arith.constant 0 : i32
    %dma_start3A_152 = arith.constant 0 : i32
    %dma_start3A_153 = tpu.memref_slice %arg6[%dma_start3A_150, %dma_start3A_151, %dma_start3A_152] : memref<32x8x64xf32, #tpu.memory_space<vmem>> -> memref<1x8x64xf32, #tpu.memory_space<vmem>>
    %dma_start3A_154 = arith.constant 0 : i32
    %dma_start3A_155 = arith.constant 0 : i32
    %dma_start3A_156 = tpu.memref_slice %arg3[%squeeze3A_149, %dma_start3A_154, %dma_start3A_155] : memref<125000x8x64xf32, #tpu.memory_space<hbm>> -> memref<1x8x64xf32, #tpu.memory_space<hbm>>
    %dma_start3A_157 = arith.constant 9 : i32
    %dma_start3A_158 = arith.constant 0 : i32
    %dma_start3A_159 = arith.constant 0 : i32
    %dma_start3A_160 = tpu.memref_slice %arg6[%dma_start3A_157, %dma_start3A_158, %dma_start3A_159] : memref<32x8x64xf32, #tpu.memory_space<vmem>> -> memref<1x8x64xf32, #tpu.memory_space<vmem>>
    %dma_start3A_161 = arith.constant 0 : i32
    %dma_start3A_162 = arith.constant 0 : i32
    %dma_start3A_163 = tpu.memref_slice %arg3[%squeeze3A_149, %dma_start3A_161, %dma_start3A_162] : memref<125000x8x64xf32, #tpu.memory_space<hbm>> -> memref<1x8x64xf32, #tpu.memory_space<hbm>>
    tpu.enqueue_dma source(%dma_start3A_163 : memref<1x8x64xf32, #tpu.memory_space<hbm>>) target(%dma_start3A_160 : memref<1x8x64xf32, #tpu.memory_space<vmem>>) target_semaphore(%arg8 : memref<!tpu.dma_semaphore, #tpu.memory_space<semaphore_mem>>)
    %slice3A_164 = vector.extract_strided_slice %shift_right_logical3A_6 {offsets = [10], sizes = [1], strides = [1]} : vector<16xi32> to vector<1xi32>
    %squeeze3A_165 = vector.extract %slice3A_164[0] : i32 from vector<1xi32>
    %dma_start3A_166 = arith.constant 10 : i32
    %dma_start3A_167 = arith.constant 0 : i32
    %dma_start3A_168 = arith.constant 0 : i32
    %dma_start3A_169 = tpu.memref_slice %arg6[%dma_start3A_166, %dma_start3A_167, %dma_start3A_168] : memref<32x8x64xf32, #tpu.memory_space<vmem>> -> memref<1x8x64xf32, #tpu.memory_space<vmem>>
    %dma_start3A_170 = arith.constant 0 : i32
    %dma_start3A_171 = arith.constant 0 : i32
    %dma_start3A_172 = tpu.memref_slice %arg3[%squeeze3A_165, %dma_start3A_170, %dma_start3A_171] : memref<125000x8x64xf32, #tpu.memory_space<hbm>> -> memref<1x8x64xf32, #tpu.memory_space<hbm>>
    %dma_start3A_173 = arith.constant 10 : i32
    %dma_start3A_174 = arith.constant 0 : i32
    %dma_start3A_175 = arith.constant 0 : i32
    %dma_start3A_176 = tpu.memref_slice %arg6[%dma_start3A_173, %dma_start3A_174, %dma_start3A_175] : memref<32x8x64xf32, #tpu.memory_space<vmem>> -> memref<1x8x64xf32, #tpu.memory_space<vmem>>
    %dma_start3A_177 = arith.constant 0 : i32
    %dma_start3A_178 = arith.constant 0 : i32
    %dma_start3A_179 = tpu.memref_slice %arg3[%squeeze3A_165, %dma_start3A_177, %dma_start3A_178] : memref<125000x8x64xf32, #tpu.memory_space<hbm>> -> memref<1x8x64xf32, #tpu.memory_space<hbm>>
    tpu.enqueue_dma source(%dma_start3A_179 : memref<1x8x64xf32, #tpu.memory_space<hbm>>) target(%dma_start3A_176 : memref<1x8x64xf32, #tpu.memory_space<vmem>>) target_semaphore(%arg8 : memref<!tpu.dma_semaphore, #tpu.memory_space<semaphore_mem>>)
    %slice3A_180 = vector.extract_strided_slice %shift_right_logical3A_6 {offsets = [11], sizes = [1], strides = [1]} : vector<16xi32> to vector<1xi32>
    %squeeze3A_181 = vector.extract %slice3A_180[0] : i32 from vector<1xi32>
    %dma_start3A_182 = arith.constant 11 : i32
    %dma_start3A_183 = arith.constant 0 : i32
    %dma_start3A_184 = arith.constant 0 : i32
    %dma_start3A_185 = tpu.memref_slice %arg6[%dma_start3A_182, %dma_start3A_183, %dma_start3A_184] : memref<32x8x64xf32, #tpu.memory_space<vmem>> -> memref<1x8x64xf32, #tpu.memory_space<vmem>>
    %dma_start3A_186 = arith.constant 0 : i32
    %dma_start3A_187 = arith.constant 0 : i32
    %dma_start3A_188 = tpu.memref_slice %arg3[%squeeze3A_181, %dma_start3A_186, %dma_start3A_187] : memref<125000x8x64xf32, #tpu.memory_space<hbm>> -> memref<1x8x64xf32, #tpu.memory_space<hbm>>
    %dma_start3A_189 = arith.constant 11 : i32
    %dma_start3A_190 = arith.constant 0 : i32
    %dma_start3A_191 = arith.constant 0 : i32
    %dma_start3A_192 = tpu.memref_slice %arg6[%dma_start3A_189, %dma_start3A_190, %dma_start3A_191] : memref<32x8x64xf32, #tpu.memory_space<vmem>> -> memref<1x8x64xf32, #tpu.memory_space<vmem>>
    %dma_start3A_193 = arith.constant 0 : i32
    %dma_start3A_194 = arith.constant 0 : i32
    %dma_start3A_195 = tpu.memref_slice %arg3[%squeeze3A_181, %dma_start3A_193, %dma_start3A_194] : memref<125000x8x64xf32, #tpu.memory_space<hbm>> -> memref<1x8x64xf32, #tpu.memory_space<hbm>>
    tpu.enqueue_dma source(%dma_start3A_195 : memref<1x8x64xf32, #tpu.memory_space<hbm>>) target(%dma_start3A_192 : memref<1x8x64xf32, #tpu.memory_space<vmem>>) target_semaphore(%arg8 : memref<!tpu.dma_semaphore, #tpu.memory_space<semaphore_mem>>)
    %slice3A_196 = vector.extract_strided_slice %shift_right_logical3A_6 {offsets = [12], sizes = [1], strides = [1]} : vector<16xi32> to vector<1xi32>
    %squeeze3A_197 = vector.extract %slice3A_196[0] : i32 from vector<1xi32>
    %dma_start3A_198 = arith.constant 12 : i32
    %dma_start3A_199 = arith.constant 0 : i32
    %dma_start3A_200 = arith.constant 0 : i32
    %dma_start3A_201 = tpu.memref_slice %arg6[%dma_start3A_198, %dma_start3A_199, %dma_start3A_200] : memref<32x8x64xf32, #tpu.memory_space<vmem>> -> memref<1x8x64xf32, #tpu.memory_space<vmem>>
    %dma_start3A_202 = arith.constant 0 : i32
    %dma_start3A_203 = arith.constant 0 : i32
    %dma_start3A_204 = tpu.memref_slice %arg3[%squeeze3A_197, %dma_start3A_202, %dma_start3A_203] : memref<125000x8x64xf32, #tpu.memory_space<hbm>> -> memref<1x8x64xf32, #tpu.memory_space<hbm>>
    %dma_start3A_205 = arith.constant 12 : i32
    %dma_start3A_206 = arith.constant 0 : i32
    %dma_start3A_207 = arith.constant 0 : i32
    %dma_start3A_208 = tpu.memref_slice %arg6[%dma_start3A_205, %dma_start3A_206, %dma_start3A_207] : memref<32x8x64xf32, #tpu.memory_space<vmem>> -> memref<1x8x64xf32, #tpu.memory_space<vmem>>
    %dma_start3A_209 = arith.constant 0 : i32
    %dma_start3A_210 = arith.constant 0 : i32
    %dma_start3A_211 = tpu.memref_slice %arg3[%squeeze3A_197, %dma_start3A_209, %dma_start3A_210] : memref<125000x8x64xf32, #tpu.memory_space<hbm>> -> memref<1x8x64xf32, #tpu.memory_space<hbm>>
    tpu.enqueue_dma source(%dma_start3A_211 : memref<1x8x64xf32, #tpu.memory_space<hbm>>) target(%dma_start3A_208 : memref<1x8x64xf32, #tpu.memory_space<vmem>>) target_semaphore(%arg8 : memref<!tpu.dma_semaphore, #tpu.memory_space<semaphore_mem>>)
    %slice3A_212 = vector.extract_strided_slice %shift_right_logical3A_6 {offsets = [13], sizes = [1], strides = [1]} : vector<16xi32> to vector<1xi32>
    %squeeze3A_213 = vector.extract %slice3A_212[0] : i32 from vector<1xi32>
    %dma_start3A_214 = arith.constant 13 : i32
    %dma_start3A_215 = arith.constant 0 : i32
    %dma_start3A_216 = arith.constant 0 : i32
    %dma_start3A_217 = tpu.memref_slice %arg6[%dma_start3A_214, %dma_start3A_215, %dma_start3A_216] : memref<32x8x64xf32, #tpu.memory_space<vmem>> -> memref<1x8x64xf32, #tpu.memory_space<vmem>>
    %dma_start3A_218 = arith.constant 0 : i32
    %dma_start3A_219 = arith.constant 0 : i32
    %dma_start3A_220 = tpu.memref_slice %arg3[%squeeze3A_213, %dma_start3A_218, %dma_start3A_219] : memref<125000x8x64xf32, #tpu.memory_space<hbm>> -> memref<1x8x64xf32, #tpu.memory_space<hbm>>
    %dma_start3A_221 = arith.constant 13 : i32
    %dma_start3A_222 = arith.constant 0 : i32
    %dma_start3A_223 = arith.constant 0 : i32
    %dma_start3A_224 = tpu.memref_slice %arg6[%dma_start3A_221, %dma_start3A_222, %dma_start3A_223] : memref<32x8x64xf32, #tpu.memory_space<vmem>> -> memref<1x8x64xf32, #tpu.memory_space<vmem>>
    %dma_start3A_225 = arith.constant 0 : i32
    %dma_start3A_226 = arith.constant 0 : i32
    %dma_start3A_227 = tpu.memref_slice %arg3[%squeeze3A_213, %dma_start3A_225, %dma_start3A_226] : memref<125000x8x64xf32, #tpu.memory_space<hbm>> -> memref<1x8x64xf32, #tpu.memory_space<hbm>>
    tpu.enqueue_dma source(%dma_start3A_227 : memref<1x8x64xf32, #tpu.memory_space<hbm>>) target(%dma_start3A_224 : memref<1x8x64xf32, #tpu.memory_space<vmem>>) target_semaphore(%arg8 : memref<!tpu.dma_semaphore, #tpu.memory_space<semaphore_mem>>)
    %slice3A_228 = vector.extract_strided_slice %shift_right_logical3A_6 {offsets = [14], sizes = [1], strides = [1]} : vector<16xi32> to vector<1xi32>
    %squeeze3A_229 = vector.extract %slice3A_228[0] : i32 from vector<1xi32>
    %dma_start3A_230 = arith.constant 14 : i32
    %dma_start3A_231 = arith.constant 0 : i32
    %dma_start3A_232 = arith.constant 0 : i32
    %dma_start3A_233 = tpu.memref_slice %arg6[%dma_start3A_230, %dma_start3A_231, %dma_start3A_232] : memref<32x8x64xf32, #tpu.memory_space<vmem>> -> memref<1x8x64xf32, #tpu.memory_space<vmem>>
    %dma_start3A_234 = arith.constant 0 : i32
    %dma_start3A_235 = arith.constant 0 : i32
    %dma_start3A_236 = tpu.memref_slice %arg3[%squeeze3A_229, %dma_start3A_234, %dma_start3A_235] : memref<125000x8x64xf32, #tpu.memory_space<hbm>> -> memref<1x8x64xf32, #tpu.memory_space<hbm>>
    %dma_start3A_237 = arith.constant 14 : i32
    %dma_start3A_238 = arith.constant 0 : i32
    %dma_start3A_239 = arith.constant 0 : i32
    %dma_start3A_240 = tpu.memref_slice %arg6[%dma_start3A_237, %dma_start3A_238, %dma_start3A_239] : memref<32x8x64xf32, #tpu.memory_space<vmem>> -> memref<1x8x64xf32, #tpu.memory_space<vmem>>
    %dma_start3A_241 = arith.constant 0 : i32
    %dma_start3A_242 = arith.constant 0 : i32
    %dma_start3A_243 = tpu.memref_slice %arg3[%squeeze3A_229, %dma_start3A_241, %dma_start3A_242] : memref<125000x8x64xf32, #tpu.memory_space<hbm>> -> memref<1x8x64xf32, #tpu.memory_space<hbm>>
    tpu.enqueue_dma source(%dma_start3A_243 : memref<1x8x64xf32, #tpu.memory_space<hbm>>) target(%dma_start3A_240 : memref<1x8x64xf32, #tpu.memory_space<vmem>>) target_semaphore(%arg8 : memref<!tpu.dma_semaphore, #tpu.memory_space<semaphore_mem>>)
    %slice3A_244 = vector.extract_strided_slice %shift_right_logical3A_6 {offsets = [15], sizes = [1], strides = [1]} : vector<16xi32> to vector<1xi32>
    %squeeze3A_245 = vector.extract %slice3A_244[0] : i32 from vector<1xi32>
    %dma_start3A_246 = arith.constant 15 : i32
    %dma_start3A_247 = arith.constant 0 : i32
    %dma_start3A_248 = arith.constant 0 : i32
    %dma_start3A_249 = tpu.memref_slice %arg6[%dma_start3A_246, %dma_start3A_247, %dma_start3A_248] : memref<32x8x64xf32, #tpu.memory_space<vmem>> -> memref<1x8x64xf32, #tpu.memory_space<vmem>>
    %dma_start3A_250 = arith.constant 0 : i32
    %dma_start3A_251 = arith.constant 0 : i32
    %dma_start3A_252 = tpu.memref_slice %arg3[%squeeze3A_245, %dma_start3A_250, %dma_start3A_251] : memref<125000x8x64xf32, #tpu.memory_space<hbm>> -> memref<1x8x64xf32, #tpu.memory_space<hbm>>
    %dma_start3A_253 = arith.constant 15 : i32
    %dma_start3A_254 = arith.constant 0 : i32
    %dma_start3A_255 = arith.constant 0 : i32
    %dma_start3A_256 = tpu.memref_slice %arg6[%dma_start3A_253, %dma_start3A_254, %dma_start3A_255] : memref<32x8x64xf32, #tpu.memory_space<vmem>> -> memref<1x8x64xf32, #tpu.memory_space<vmem>>
    %dma_start3A_257 = arith.constant 0 : i32
    %dma_start3A_258 = arith.constant 0 : i32
    %dma_start3A_259 = tpu.memref_slice %arg3[%squeeze3A_245, %dma_start3A_257, %dma_start3A_258] : memref<125000x8x64xf32, #tpu.memory_space<hbm>> -> memref<1x8x64xf32, #tpu.memory_space<hbm>>
    tpu.enqueue_dma source(%dma_start3A_259 : memref<1x8x64xf32, #tpu.memory_space<hbm>>) target(%dma_start3A_256 : memref<1x8x64xf32, #tpu.memory_space<vmem>>) target_semaphore(%arg8 : memref<!tpu.dma_semaphore, #tpu.memory_space<semaphore_mem>>)
    %scan3A = arith.constant 0 : i32
    %scan3A_260 = arith.constant 0 : i32
    %scan3A_261 = arith.constant 32 : i32
    %scan3A_262 = arith.addi %scan3A_260, %scan3A_261 : i32
    %scan3A_263 = arith.constant 1 : i32
    %scan3A_264 = scf.for %scan3A_266 = %scan3A_260 to %scan3A_262 step %scan3A_263 iter_args(%scan3A_267 = %scan3A) -> (i32)  : i32 {
      %mul3A_268 = arith.constant 16 : i32
      %mul3A_269 = arith.muli %scan3A_266, %mul3A_268 : i32
      %and3A = arith.constant 1 : i32
      %and3A_270 = arith.andi %scan3A_266, %and3A : i32
      %mul3A_271 = arith.constant 16 : i32
      %mul3A_272 = arith.muli %and3A_270, %mul3A_271 : i32
      %add3A_273 = arith.constant 0 : i32
      %add3A_274 = arith.addi %mul3A_272, %add3A_273 : i32
      %dma_wait3A = arith.constant 0 : i32
      %dma_wait3A_275 = arith.constant 0 : i32
      %dma_wait3A_276 = tpu.memref_slice %arg6[%add3A_274, %dma_wait3A, %dma_wait3A_275] : memref<32x8x64xf32, #tpu.memory_space<vmem>> -> memref<1x8x64xf32, #tpu.memory_space<vmem>>
      %dma_wait3A_277 = arith.constant 0 : i32
      %dma_wait3A_278 = arith.constant 0 : i32
      %dma_wait3A_279 = arith.constant 0 : i32
      %dma_wait3A_280 = tpu.memref_slice %arg3[%dma_wait3A_277, %dma_wait3A_278, %dma_wait3A_279] : memref<125000x8x64xf32, #tpu.memory_space<hbm>> -> memref<1x8x64xf32, #tpu.memory_space<hbm>>
      %dma_wait3A_281 = arith.constant 0 : i32
      %dma_wait3A_282 = arith.constant 0 : i32
      %dma_wait3A_283 = tpu.memref_slice %arg6[%add3A_274, %dma_wait3A_281, %dma_wait3A_282] : memref<32x8x64xf32, #tpu.memory_space<vmem>> -> memref<1x8x64xf32, #tpu.memory_space<vmem>>
      %dma_wait3A_284 = arith.constant 0 : i32
      %dma_wait3A_285 = arith.constant 0 : i32
      %dma_wait3A_286 = arith.constant 0 : i32
      %dma_wait3A_287 = tpu.memref_slice %arg3[%dma_wait3A_284, %dma_wait3A_285, %dma_wait3A_286] : memref<125000x8x64xf32, #tpu.memory_space<hbm>> -> memref<1x8x64xf32, #tpu.memory_space<hbm>>
      tpu.wait_dma2 semaphore(%arg8 : memref<!tpu.dma_semaphore, #tpu.memory_space<semaphore_mem>>) src(%dma_wait3A_287 : memref<1x8x64xf32, #tpu.memory_space<hbm>>) dst(%dma_wait3A_283 : memref<1x8x64xf32, #tpu.memory_space<vmem>>)
      %add3A_288 = arith.constant 1 : i32
      %add3A_289 = arith.addi %mul3A_272, %add3A_288 : i32
      %dma_wait3A_290 = arith.constant 0 : i32
      %dma_wait3A_291 = arith.constant 0 : i32
      %dma_wait3A_292 = tpu.memref_slice %arg6[%add3A_289, %dma_wait3A_290, %dma_wait3A_291] : memref<32x8x64xf32, #tpu.memory_space<vmem>> -> memref<1x8x64xf32, #tpu.memory_space<vmem>>
      %dma_wait3A_293 = arith.constant 0 : i32
      %dma_wait3A_294 = arith.constant 0 : i32
      %dma_wait3A_295 = arith.constant 0 : i32
      %dma_wait3A_296 = tpu.memref_slice %arg3[%dma_wait3A_293, %dma_wait3A_294, %dma_wait3A_295] : memref<125000x8x64xf32, #tpu.memory_space<hbm>> -> memref<1x8x64xf32, #tpu.memory_space<hbm>>
      %dma_wait3A_297 = arith.constant 0 : i32
      %dma_wait3A_298 = arith.constant 0 : i32
      %dma_wait3A_299 = tpu.memref_slice %arg6[%add3A_289, %dma_wait3A_297, %dma_wait3A_298] : memref<32x8x64xf32, #tpu.memory_space<vmem>> -> memref<1x8x64xf32, #tpu.memory_space<vmem>>
      %dma_wait3A_300 = arith.constant 0 : i32
      %dma_wait3A_301 = arith.constant 0 : i32
      %dma_wait3A_302 = arith.constant 0 : i32
      %dma_wait3A_303 = tpu.memref_slice %arg3[%dma_wait3A_300, %dma_wait3A_301, %dma_wait3A_302] : memref<125000x8x64xf32, #tpu.memory_space<hbm>> -> memref<1x8x64xf32, #tpu.memory_space<hbm>>
      tpu.wait_dma2 semaphore(%arg8 : memref<!tpu.dma_semaphore, #tpu.memory_space<semaphore_mem>>) src(%dma_wait3A_303 : memref<1x8x64xf32, #tpu.memory_space<hbm>>) dst(%dma_wait3A_299 : memref<1x8x64xf32, #tpu.memory_space<vmem>>)
      %add3A_304 = arith.constant 2 : i32
      %add3A_305 = arith.addi %mul3A_272, %add3A_304 : i32
      %dma_wait3A_306 = arith.constant 0 : i32
      %dma_wait3A_307 = arith.constant 0 : i32
      %dma_wait3A_308 = tpu.memref_slice %arg6[%add3A_305, %dma_wait3A_306, %dma_wait3A_307] : memref<32x8x64xf32, #tpu.memory_space<vmem>> -> memref<1x8x64xf32, #tpu.memory_space<vmem>>
      %dma_wait3A_309 = arith.constant 0 : i32
      %dma_wait3A_310 = arith.constant 0 : i32
      %dma_wait3A_311 = arith.constant 0 : i32
      %dma_wait3A_312 = tpu.memref_slice %arg3[%dma_wait3A_309, %dma_wait3A_310, %dma_wait3A_311] : memref<125000x8x64xf32, #tpu.memory_space<hbm>> -> memref<1x8x64xf32, #tpu.memory_space<hbm>>
      %dma_wait3A_313 = arith.constant 0 : i32
      %dma_wait3A_314 = arith.constant 0 : i32
      %dma_wait3A_315 = tpu.memref_slice %arg6[%add3A_305, %dma_wait3A_313, %dma_wait3A_314] : memref<32x8x64xf32, #tpu.memory_space<vmem>> -> memref<1x8x64xf32, #tpu.memory_space<vmem>>
      %dma_wait3A_316 = arith.constant 0 : i32
      %dma_wait3A_317 = arith.constant 0 : i32
      %dma_wait3A_318 = arith.constant 0 : i32
      %dma_wait3A_319 = tpu.memref_slice %arg3[%dma_wait3A_316, %dma_wait3A_317, %dma_wait3A_318] : memref<125000x8x64xf32, #tpu.memory_space<hbm>> -> memref<1x8x64xf32, #tpu.memory_space<hbm>>
      tpu.wait_dma2 semaphore(%arg8 : memref<!tpu.dma_semaphore, #tpu.memory_space<semaphore_mem>>) src(%dma_wait3A_319 : memref<1x8x64xf32, #tpu.memory_space<hbm>>) dst(%dma_wait3A_315 : memref<1x8x64xf32, #tpu.memory_space<vmem>>)
      %add3A_320 = arith.constant 3 : i32
      %add3A_321 = arith.addi %mul3A_272, %add3A_320 : i32
      %dma_wait3A_322 = arith.constant 0 : i32
      %dma_wait3A_323 = arith.constant 0 : i32
      %dma_wait3A_324 = tpu.memref_slice %arg6[%add3A_321, %dma_wait3A_322, %dma_wait3A_323] : memref<32x8x64xf32, #tpu.memory_space<vmem>> -> memref<1x8x64xf32, #tpu.memory_space<vmem>>
      %dma_wait3A_325 = arith.constant 0 : i32
      %dma_wait3A_326 = arith.constant 0 : i32
      %dma_wait3A_327 = arith.constant 0 : i32
      %dma_wait3A_328 = tpu.memref_slice %arg3[%dma_wait3A_325, %dma_wait3A_326, %dma_wait3A_327] : memref<125000x8x64xf32, #tpu.memory_space<hbm>> -> memref<1x8x64xf32, #tpu.memory_space<hbm>>
      %dma_wait3A_329 = arith.constant 0 : i32
      %dma_wait3A_330 = arith.constant 0 : i32
      %dma_wait3A_331 = tpu.memref_slice %arg6[%add3A_321, %dma_wait3A_329, %dma_wait3A_330] : memref<32x8x64xf32, #tpu.memory_space<vmem>> -> memref<1x8x64xf32, #tpu.memory_space<vmem>>
      %dma_wait3A_332 = arith.constant 0 : i32
      %dma_wait3A_333 = arith.constant 0 : i32
      %dma_wait3A_334 = arith.constant 0 : i32
      %dma_wait3A_335 = tpu.memref_slice %arg3[%dma_wait3A_332, %dma_wait3A_333, %dma_wait3A_334] : memref<125000x8x64xf32, #tpu.memory_space<hbm>> -> memref<1x8x64xf32, #tpu.memory_space<hbm>>
      tpu.wait_dma2 semaphore(%arg8 : memref<!tpu.dma_semaphore, #tpu.memory_space<semaphore_mem>>) src(%dma_wait3A_335 : memref<1x8x64xf32, #tpu.memory_space<hbm>>) dst(%dma_wait3A_331 : memref<1x8x64xf32, #tpu.memory_space<vmem>>)
      %add3A_336 = arith.constant 4 : i32
      %add3A_337 = arith.addi %mul3A_272, %add3A_336 : i32
      %dma_wait3A_338 = arith.constant 0 : i32
      %dma_wait3A_339 = arith.constant 0 : i32
      %dma_wait3A_340 = tpu.memref_slice %arg6[%add3A_337, %dma_wait3A_338, %dma_wait3A_339] : memref<32x8x64xf32, #tpu.memory_space<vmem>> -> memref<1x8x64xf32, #tpu.memory_space<vmem>>
      %dma_wait3A_341 = arith.constant 0 : i32
      %dma_wait3A_342 = arith.constant 0 : i32
      %dma_wait3A_343 = arith.constant 0 : i32
      %dma_wait3A_344 = tpu.memref_slice %arg3[%dma_wait3A_341, %dma_wait3A_342, %dma_wait3A_343] : memref<125000x8x64xf32, #tpu.memory_space<hbm>> -> memref<1x8x64xf32, #tpu.memory_space<hbm>>
      %dma_wait3A_345 = arith.constant 0 : i32
      %dma_wait3A_346 = arith.constant 0 : i32
      %dma_wait3A_347 = tpu.memref_slice %arg6[%add3A_337, %dma_wait3A_345, %dma_wait3A_346] : memref<32x8x64xf32, #tpu.memory_space<vmem>> -> memref<1x8x64xf32, #tpu.memory_space<vmem>>
      %dma_wait3A_348 = arith.constant 0 : i32
      %dma_wait3A_349 = arith.constant 0 : i32
      %dma_wait3A_350 = arith.constant 0 : i32
      %dma_wait3A_351 = tpu.memref_slice %arg3[%dma_wait3A_348, %dma_wait3A_349, %dma_wait3A_350] : memref<125000x8x64xf32, #tpu.memory_space<hbm>> -> memref<1x8x64xf32, #tpu.memory_space<hbm>>
      tpu.wait_dma2 semaphore(%arg8 : memref<!tpu.dma_semaphore, #tpu.memory_space<semaphore_mem>>) src(%dma_wait3A_351 : memref<1x8x64xf32, #tpu.memory_space<hbm>>) dst(%dma_wait3A_347 : memref<1x8x64xf32, #tpu.memory_space<vmem>>)
      %add3A_352 = arith.constant 5 : i32
      %add3A_353 = arith.addi %mul3A_272, %add3A_352 : i32
      %dma_wait3A_354 = arith.constant 0 : i32
      %dma_wait3A_355 = arith.constant 0 : i32
      %dma_wait3A_356 = tpu.memref_slice %arg6[%add3A_353, %dma_wait3A_354, %dma_wait3A_355] : memref<32x8x64xf32, #tpu.memory_space<vmem>> -> memref<1x8x64xf32, #tpu.memory_space<vmem>>
      %dma_wait3A_357 = arith.constant 0 : i32
      %dma_wait3A_358 = arith.constant 0 : i32
      %dma_wait3A_359 = arith.constant 0 : i32
      %dma_wait3A_360 = tpu.memref_slice %arg3[%dma_wait3A_357, %dma_wait3A_358, %dma_wait3A_359] : memref<125000x8x64xf32, #tpu.memory_space<hbm>> -> memref<1x8x64xf32, #tpu.memory_space<hbm>>
      %dma_wait3A_361 = arith.constant 0 : i32
      %dma_wait3A_362 = arith.constant 0 : i32
      %dma_wait3A_363 = tpu.memref_slice %arg6[%add3A_353, %dma_wait3A_361, %dma_wait3A_362] : memref<32x8x64xf32, #tpu.memory_space<vmem>> -> memref<1x8x64xf32, #tpu.memory_space<vmem>>
      %dma_wait3A_364 = arith.constant 0 : i32
      %dma_wait3A_365 = arith.constant 0 : i32
      %dma_wait3A_366 = arith.constant 0 : i32
      %dma_wait3A_367 = tpu.memref_slice %arg3[%dma_wait3A_364, %dma_wait3A_365, %dma_wait3A_366] : memref<125000x8x64xf32, #tpu.memory_space<hbm>> -> memref<1x8x64xf32, #tpu.memory_space<hbm>>
      tpu.wait_dma2 semaphore(%arg8 : memref<!tpu.dma_semaphore, #tpu.memory_space<semaphore_mem>>) src(%dma_wait3A_367 : memref<1x8x64xf32, #tpu.memory_space<hbm>>) dst(%dma_wait3A_363 : memref<1x8x64xf32, #tpu.memory_space<vmem>>)
      %add3A_368 = arith.constant 6 : i32
      %add3A_369 = arith.addi %mul3A_272, %add3A_368 : i32
      %dma_wait3A_370 = arith.constant 0 : i32
      %dma_wait3A_371 = arith.constant 0 : i32
      %dma_wait3A_372 = tpu.memref_slice %arg6[%add3A_369, %dma_wait3A_370, %dma_wait3A_371] : memref<32x8x64xf32, #tpu.memory_space<vmem>> -> memref<1x8x64xf32, #tpu.memory_space<vmem>>
      %dma_wait3A_373 = arith.constant 0 : i32
      %dma_wait3A_374 = arith.constant 0 : i32
      %dma_wait3A_375 = arith.constant 0 : i32
      %dma_wait3A_376 = tpu.memref_slice %arg3[%dma_wait3A_373, %dma_wait3A_374, %dma_wait3A_375] : memref<125000x8x64xf32, #tpu.memory_space<hbm>> -> memref<1x8x64xf32, #tpu.memory_space<hbm>>
      %dma_wait3A_377 = arith.constant 0 : i32
      %dma_wait3A_378 = arith.constant 0 : i32
      %dma_wait3A_379 = tpu.memref_slice %arg6[%add3A_369, %dma_wait3A_377, %dma_wait3A_378] : memref<32x8x64xf32, #tpu.memory_space<vmem>> -> memref<1x8x64xf32, #tpu.memory_space<vmem>>
      %dma_wait3A_380 = arith.constant 0 : i32
      %dma_wait3A_381 = arith.constant 0 : i32
      %dma_wait3A_382 = arith.constant 0 : i32
      %dma_wait3A_383 = tpu.memref_slice %arg3[%dma_wait3A_380, %dma_wait3A_381, %dma_wait3A_382] : memref<125000x8x64xf32, #tpu.memory_space<hbm>> -> memref<1x8x64xf32, #tpu.memory_space<hbm>>
      tpu.wait_dma2 semaphore(%arg8 : memref<!tpu.dma_semaphore, #tpu.memory_space<semaphore_mem>>) src(%dma_wait3A_383 : memref<1x8x64xf32, #tpu.memory_space<hbm>>) dst(%dma_wait3A_379 : memref<1x8x64xf32, #tpu.memory_space<vmem>>)
      %add3A_384 = arith.constant 7 : i32
      %add3A_385 = arith.addi %mul3A_272, %add3A_384 : i32
      %dma_wait3A_386 = arith.constant 0 : i32
      %dma_wait3A_387 = arith.constant 0 : i32
      %dma_wait3A_388 = tpu.memref_slice %arg6[%add3A_385, %dma_wait3A_386, %dma_wait3A_387] : memref<32x8x64xf32, #tpu.memory_space<vmem>> -> memref<1x8x64xf32, #tpu.memory_space<vmem>>
      %dma_wait3A_389 = arith.constant 0 : i32
      %dma_wait3A_390 = arith.constant 0 : i32
      %dma_wait3A_391 = arith.constant 0 : i32
      %dma_wait3A_392 = tpu.memref_slice %arg3[%dma_wait3A_389, %dma_wait3A_390, %dma_wait3A_391] : memref<125000x8x64xf32, #tpu.memory_space<hbm>> -> memref<1x8x64xf32, #tpu.memory_space<hbm>>
      %dma_wait3A_393 = arith.constant 0 : i32
      %dma_wait3A_394 = arith.constant 0 : i32
      %dma_wait3A_395 = tpu.memref_slice %arg6[%add3A_385, %dma_wait3A_393, %dma_wait3A_394] : memref<32x8x64xf32, #tpu.memory_space<vmem>> -> memref<1x8x64xf32, #tpu.memory_space<vmem>>
      %dma_wait3A_396 = arith.constant 0 : i32
      %dma_wait3A_397 = arith.constant 0 : i32
      %dma_wait3A_398 = arith.constant 0 : i32
      %dma_wait3A_399 = tpu.memref_slice %arg3[%dma_wait3A_396, %dma_wait3A_397, %dma_wait3A_398] : memref<125000x8x64xf32, #tpu.memory_space<hbm>> -> memref<1x8x64xf32, #tpu.memory_space<hbm>>
      tpu.wait_dma2 semaphore(%arg8 : memref<!tpu.dma_semaphore, #tpu.memory_space<semaphore_mem>>) src(%dma_wait3A_399 : memref<1x8x64xf32, #tpu.memory_space<hbm>>) dst(%dma_wait3A_395 : memref<1x8x64xf32, #tpu.memory_space<vmem>>)
      %add3A_400 = arith.constant 8 : i32
      %add3A_401 = arith.addi %mul3A_272, %add3A_400 : i32
      %dma_wait3A_402 = arith.constant 0 : i32
      %dma_wait3A_403 = arith.constant 0 : i32
      %dma_wait3A_404 = tpu.memref_slice %arg6[%add3A_401, %dma_wait3A_402, %dma_wait3A_403] : memref<32x8x64xf32, #tpu.memory_space<vmem>> -> memref<1x8x64xf32, #tpu.memory_space<vmem>>
      %dma_wait3A_405 = arith.constant 0 : i32
      %dma_wait3A_406 = arith.constant 0 : i32
      %dma_wait3A_407 = arith.constant 0 : i32
      %dma_wait3A_408 = tpu.memref_slice %arg3[%dma_wait3A_405, %dma_wait3A_406, %dma_wait3A_407] : memref<125000x8x64xf32, #tpu.memory_space<hbm>> -> memref<1x8x64xf32, #tpu.memory_space<hbm>>
      %dma_wait3A_409 = arith.constant 0 : i32
      %dma_wait3A_410 = arith.constant 0 : i32
      %dma_wait3A_411 = tpu.memref_slice %arg6[%add3A_401, %dma_wait3A_409, %dma_wait3A_410] : memref<32x8x64xf32, #tpu.memory_space<vmem>> -> memref<1x8x64xf32, #tpu.memory_space<vmem>>
      %dma_wait3A_412 = arith.constant 0 : i32
      %dma_wait3A_413 = arith.constant 0 : i32
      %dma_wait3A_414 = arith.constant 0 : i32
      %dma_wait3A_415 = tpu.memref_slice %arg3[%dma_wait3A_412, %dma_wait3A_413, %dma_wait3A_414] : memref<125000x8x64xf32, #tpu.memory_space<hbm>> -> memref<1x8x64xf32, #tpu.memory_space<hbm>>
      tpu.wait_dma2 semaphore(%arg8 : memref<!tpu.dma_semaphore, #tpu.memory_space<semaphore_mem>>) src(%dma_wait3A_415 : memref<1x8x64xf32, #tpu.memory_space<hbm>>) dst(%dma_wait3A_411 : memref<1x8x64xf32, #tpu.memory_space<vmem>>)
      %add3A_416 = arith.constant 9 : i32
      %add3A_417 = arith.addi %mul3A_272, %add3A_416 : i32
      %dma_wait3A_418 = arith.constant 0 : i32
      %dma_wait3A_419 = arith.constant 0 : i32
      %dma_wait3A_420 = tpu.memref_slice %arg6[%add3A_417, %dma_wait3A_418, %dma_wait3A_419] : memref<32x8x64xf32, #tpu.memory_space<vmem>> -> memref<1x8x64xf32, #tpu.memory_space<vmem>>
      %dma_wait3A_421 = arith.constant 0 : i32
      %dma_wait3A_422 = arith.constant 0 : i32
      %dma_wait3A_423 = arith.constant 0 : i32
      %dma_wait3A_424 = tpu.memref_slice %arg3[%dma_wait3A_421, %dma_wait3A_422, %dma_wait3A_423] : memref<125000x8x64xf32, #tpu.memory_space<hbm>> -> memref<1x8x64xf32, #tpu.memory_space<hbm>>
      %dma_wait3A_425 = arith.constant 0 : i32
      %dma_wait3A_426 = arith.constant 0 : i32
      %dma_wait3A_427 = tpu.memref_slice %arg6[%add3A_417, %dma_wait3A_425, %dma_wait3A_426] : memref<32x8x64xf32, #tpu.memory_space<vmem>> -> memref<1x8x64xf32, #tpu.memory_space<vmem>>
      %dma_wait3A_428 = arith.constant 0 : i32
      %dma_wait3A_429 = arith.constant 0 : i32
      %dma_wait3A_430 = arith.constant 0 : i32
      %dma_wait3A_431 = tpu.memref_slice %arg3[%dma_wait3A_428, %dma_wait3A_429, %dma_wait3A_430] : memref<125000x8x64xf32, #tpu.memory_space<hbm>> -> memref<1x8x64xf32, #tpu.memory_space<hbm>>
      tpu.wait_dma2 semaphore(%arg8 : memref<!tpu.dma_semaphore, #tpu.memory_space<semaphore_mem>>) src(%dma_wait3A_431 : memref<1x8x64xf32, #tpu.memory_space<hbm>>) dst(%dma_wait3A_427 : memref<1x8x64xf32, #tpu.memory_space<vmem>>)
      %add3A_432 = arith.constant 10 : i32
      %add3A_433 = arith.addi %mul3A_272, %add3A_432 : i32
      %dma_wait3A_434 = arith.constant 0 : i32
      %dma_wait3A_435 = arith.constant 0 : i32
      %dma_wait3A_436 = tpu.memref_slice %arg6[%add3A_433, %dma_wait3A_434, %dma_wait3A_435] : memref<32x8x64xf32, #tpu.memory_space<vmem>> -> memref<1x8x64xf32, #tpu.memory_space<vmem>>
      %dma_wait3A_437 = arith.constant 0 : i32
      %dma_wait3A_438 = arith.constant 0 : i32
      %dma_wait3A_439 = arith.constant 0 : i32
      %dma_wait3A_440 = tpu.memref_slice %arg3[%dma_wait3A_437, %dma_wait3A_438, %dma_wait3A_439] : memref<125000x8x64xf32, #tpu.memory_space<hbm>> -> memref<1x8x64xf32, #tpu.memory_space<hbm>>
      %dma_wait3A_441 = arith.constant 0 : i32
      %dma_wait3A_442 = arith.constant 0 : i32
      %dma_wait3A_443 = tpu.memref_slice %arg6[%add3A_433, %dma_wait3A_441, %dma_wait3A_442] : memref<32x8x64xf32, #tpu.memory_space<vmem>> -> memref<1x8x64xf32, #tpu.memory_space<vmem>>
      %dma_wait3A_444 = arith.constant 0 : i32
      %dma_wait3A_445 = arith.constant 0 : i32
      %dma_wait3A_446 = arith.constant 0 : i32
      %dma_wait3A_447 = tpu.memref_slice %arg3[%dma_wait3A_444, %dma_wait3A_445, %dma_wait3A_446] : memref<125000x8x64xf32, #tpu.memory_space<hbm>> -> memref<1x8x64xf32, #tpu.memory_space<hbm>>
      tpu.wait_dma2 semaphore(%arg8 : memref<!tpu.dma_semaphore, #tpu.memory_space<semaphore_mem>>) src(%dma_wait3A_447 : memref<1x8x64xf32, #tpu.memory_space<hbm>>) dst(%dma_wait3A_443 : memref<1x8x64xf32, #tpu.memory_space<vmem>>)
      %add3A_448 = arith.constant 11 : i32
      %add3A_449 = arith.addi %mul3A_272, %add3A_448 : i32
      %dma_wait3A_450 = arith.constant 0 : i32
      %dma_wait3A_451 = arith.constant 0 : i32
      %dma_wait3A_452 = tpu.memref_slice %arg6[%add3A_449, %dma_wait3A_450, %dma_wait3A_451] : memref<32x8x64xf32, #tpu.memory_space<vmem>> -> memref<1x8x64xf32, #tpu.memory_space<vmem>>
      %dma_wait3A_453 = arith.constant 0 : i32
      %dma_wait3A_454 = arith.constant 0 : i32
      %dma_wait3A_455 = arith.constant 0 : i32
      %dma_wait3A_456 = tpu.memref_slice %arg3[%dma_wait3A_453, %dma_wait3A_454, %dma_wait3A_455] : memref<125000x8x64xf32, #tpu.memory_space<hbm>> -> memref<1x8x64xf32, #tpu.memory_space<hbm>>
      %dma_wait3A_457 = arith.constant 0 : i32
      %dma_wait3A_458 = arith.constant 0 : i32
      %dma_wait3A_459 = tpu.memref_slice %arg6[%add3A_449, %dma_wait3A_457, %dma_wait3A_458] : memref<32x8x64xf32, #tpu.memory_space<vmem>> -> memref<1x8x64xf32, #tpu.memory_space<vmem>>
      %dma_wait3A_460 = arith.constant 0 : i32
      %dma_wait3A_461 = arith.constant 0 : i32
      %dma_wait3A_462 = arith.constant 0 : i32
      %dma_wait3A_463 = tpu.memref_slice %arg3[%dma_wait3A_460, %dma_wait3A_461, %dma_wait3A_462] : memref<125000x8x64xf32, #tpu.memory_space<hbm>> -> memref<1x8x64xf32, #tpu.memory_space<hbm>>
      tpu.wait_dma2 semaphore(%arg8 : memref<!tpu.dma_semaphore, #tpu.memory_space<semaphore_mem>>) src(%dma_wait3A_463 : memref<1x8x64xf32, #tpu.memory_space<hbm>>) dst(%dma_wait3A_459 : memref<1x8x64xf32, #tpu.memory_space<vmem>>)
      %add3A_464 = arith.constant 12 : i32
      %add3A_465 = arith.addi %mul3A_272, %add3A_464 : i32
      %dma_wait3A_466 = arith.constant 0 : i32
      %dma_wait3A_467 = arith.constant 0 : i32
      %dma_wait3A_468 = tpu.memref_slice %arg6[%add3A_465, %dma_wait3A_466, %dma_wait3A_467] : memref<32x8x64xf32, #tpu.memory_space<vmem>> -> memref<1x8x64xf32, #tpu.memory_space<vmem>>
      %dma_wait3A_469 = arith.constant 0 : i32
      %dma_wait3A_470 = arith.constant 0 : i32
      %dma_wait3A_471 = arith.constant 0 : i32
      %dma_wait3A_472 = tpu.memref_slice %arg3[%dma_wait3A_469, %dma_wait3A_470, %dma_wait3A_471] : memref<125000x8x64xf32, #tpu.memory_space<hbm>> -> memref<1x8x64xf32, #tpu.memory_space<hbm>>
      %dma_wait3A_473 = arith.constant 0 : i32
      %dma_wait3A_474 = arith.constant 0 : i32
      %dma_wait3A_475 = tpu.memref_slice %arg6[%add3A_465, %dma_wait3A_473, %dma_wait3A_474] : memref<32x8x64xf32, #tpu.memory_space<vmem>> -> memref<1x8x64xf32, #tpu.memory_space<vmem>>
      %dma_wait3A_476 = arith.constant 0 : i32
      %dma_wait3A_477 = arith.constant 0 : i32
      %dma_wait3A_478 = arith.constant 0 : i32
      %dma_wait3A_479 = tpu.memref_slice %arg3[%dma_wait3A_476, %dma_wait3A_477, %dma_wait3A_478] : memref<125000x8x64xf32, #tpu.memory_space<hbm>> -> memref<1x8x64xf32, #tpu.memory_space<hbm>>
      tpu.wait_dma2 semaphore(%arg8 : memref<!tpu.dma_semaphore, #tpu.memory_space<semaphore_mem>>) src(%dma_wait3A_479 : memref<1x8x64xf32, #tpu.memory_space<hbm>>) dst(%dma_wait3A_475 : memref<1x8x64xf32, #tpu.memory_space<vmem>>)
      %add3A_480 = arith.constant 13 : i32
      %add3A_481 = arith.addi %mul3A_272, %add3A_480 : i32
      %dma_wait3A_482 = arith.constant 0 : i32
      %dma_wait3A_483 = arith.constant 0 : i32
      %dma_wait3A_484 = tpu.memref_slice %arg6[%add3A_481, %dma_wait3A_482, %dma_wait3A_483] : memref<32x8x64xf32, #tpu.memory_space<vmem>> -> memref<1x8x64xf32, #tpu.memory_space<vmem>>
      %dma_wait3A_485 = arith.constant 0 : i32
      %dma_wait3A_486 = arith.constant 0 : i32
      %dma_wait3A_487 = arith.constant 0 : i32
      %dma_wait3A_488 = tpu.memref_slice %arg3[%dma_wait3A_485, %dma_wait3A_486, %dma_wait3A_487] : memref<125000x8x64xf32, #tpu.memory_space<hbm>> -> memref<1x8x64xf32, #tpu.memory_space<hbm>>
      %dma_wait3A_489 = arith.constant 0 : i32
      %dma_wait3A_490 = arith.constant 0 : i32
      %dma_wait3A_491 = tpu.memref_slice %arg6[%add3A_481, %dma_wait3A_489, %dma_wait3A_490] : memref<32x8x64xf32, #tpu.memory_space<vmem>> -> memref<1x8x64xf32, #tpu.memory_space<vmem>>
      %dma_wait3A_492 = arith.constant 0 : i32
      %dma_wait3A_493 = arith.constant 0 : i32
      %dma_wait3A_494 = arith.constant 0 : i32
      %dma_wait3A_495 = tpu.memref_slice %arg3[%dma_wait3A_492, %dma_wait3A_493, %dma_wait3A_494] : memref<125000x8x64xf32, #tpu.memory_space<hbm>> -> memref<1x8x64xf32, #tpu.memory_space<hbm>>
      tpu.wait_dma2 semaphore(%arg8 : memref<!tpu.dma_semaphore, #tpu.memory_space<semaphore_mem>>) src(%dma_wait3A_495 : memref<1x8x64xf32, #tpu.memory_space<hbm>>) dst(%dma_wait3A_491 : memref<1x8x64xf32, #tpu.memory_space<vmem>>)
      %add3A_496 = arith.constant 14 : i32
      %add3A_497 = arith.addi %mul3A_272, %add3A_496 : i32
      %dma_wait3A_498 = arith.constant 0 : i32
      %dma_wait3A_499 = arith.constant 0 : i32
      %dma_wait3A_500 = tpu.memref_slice %arg6[%add3A_497, %dma_wait3A_498, %dma_wait3A_499] : memref<32x8x64xf32, #tpu.memory_space<vmem>> -> memref<1x8x64xf32, #tpu.memory_space<vmem>>
      %dma_wait3A_501 = arith.constant 0 : i32
      %dma_wait3A_502 = arith.constant 0 : i32
      %dma_wait3A_503 = arith.constant 0 : i32
      %dma_wait3A_504 = tpu.memref_slice %arg3[%dma_wait3A_501, %dma_wait3A_502, %dma_wait3A_503] : memref<125000x8x64xf32, #tpu.memory_space<hbm>> -> memref<1x8x64xf32, #tpu.memory_space<hbm>>
      %dma_wait3A_505 = arith.constant 0 : i32
      %dma_wait3A_506 = arith.constant 0 : i32
      %dma_wait3A_507 = tpu.memref_slice %arg6[%add3A_497, %dma_wait3A_505, %dma_wait3A_506] : memref<32x8x64xf32, #tpu.memory_space<vmem>> -> memref<1x8x64xf32, #tpu.memory_space<vmem>>
      %dma_wait3A_508 = arith.constant 0 : i32
      %dma_wait3A_509 = arith.constant 0 : i32
      %dma_wait3A_510 = arith.constant 0 : i32
      %dma_wait3A_511 = tpu.memref_slice %arg3[%dma_wait3A_508, %dma_wait3A_509, %dma_wait3A_510] : memref<125000x8x64xf32, #tpu.memory_space<hbm>> -> memref<1x8x64xf32, #tpu.memory_space<hbm>>
      tpu.wait_dma2 semaphore(%arg8 : memref<!tpu.dma_semaphore, #tpu.memory_space<semaphore_mem>>) src(%dma_wait3A_511 : memref<1x8x64xf32, #tpu.memory_space<hbm>>) dst(%dma_wait3A_507 : memref<1x8x64xf32, #tpu.memory_space<vmem>>)
      %add3A_512 = arith.constant 15 : i32
      %add3A_513 = arith.addi %mul3A_272, %add3A_512 : i32
      %dma_wait3A_514 = arith.constant 0 : i32
      %dma_wait3A_515 = arith.constant 0 : i32
      %dma_wait3A_516 = tpu.memref_slice %arg6[%add3A_513, %dma_wait3A_514, %dma_wait3A_515] : memref<32x8x64xf32, #tpu.memory_space<vmem>> -> memref<1x8x64xf32, #tpu.memory_space<vmem>>
      %dma_wait3A_517 = arith.constant 0 : i32
      %dma_wait3A_518 = arith.constant 0 : i32
      %dma_wait3A_519 = arith.constant 0 : i32
      %dma_wait3A_520 = tpu.memref_slice %arg3[%dma_wait3A_517, %dma_wait3A_518, %dma_wait3A_519] : memref<125000x8x64xf32, #tpu.memory_space<hbm>> -> memref<1x8x64xf32, #tpu.memory_space<hbm>>
      %dma_wait3A_521 = arith.constant 0 : i32
      %dma_wait3A_522 = arith.constant 0 : i32
      %dma_wait3A_523 = tpu.memref_slice %arg6[%add3A_513, %dma_wait3A_521, %dma_wait3A_522] : memref<32x8x64xf32, #tpu.memory_space<vmem>> -> memref<1x8x64xf32, #tpu.memory_space<vmem>>
      %dma_wait3A_524 = arith.constant 0 : i32
      %dma_wait3A_525 = arith.constant 0 : i32
      %dma_wait3A_526 = arith.constant 0 : i32
      %dma_wait3A_527 = tpu.memref_slice %arg3[%dma_wait3A_524, %dma_wait3A_525, %dma_wait3A_526] : memref<125000x8x64xf32, #tpu.memory_space<hbm>> -> memref<1x8x64xf32, #tpu.memory_space<hbm>>
      tpu.wait_dma2 semaphore(%arg8 : memref<!tpu.dma_semaphore, #tpu.memory_space<semaphore_mem>>) src(%dma_wait3A_527 : memref<1x8x64xf32, #tpu.memory_space<hbm>>) dst(%dma_wait3A_523 : memref<1x8x64xf32, #tpu.memory_space<vmem>>)
      %add3A_528 = arith.constant 1 : i32
      %add3A_529 = arith.addi %scan3A_266, %add3A_528 : i32
      %lt3A = arith.constant 32 : i32
      %lt3A_530 = arith.cmpi slt, %add3A_529, %lt3A : i32
      %convert_element_type3A = arith.extui %lt3A_530 : i1 to i32
      %cond3A = arith.constant 0 : i32
      %cond3A_531 = arith.cmpi ne, %convert_element_type3A, %cond3A : i32
      scf.if %cond3A_531 {
        %add3A_1562 = arith.constant 1 : i32
        %add3A_1563 = arith.addi %scan3A_266, %add3A_1562 : i32
        %sub3A = arith.constant 16 : i32
        %sub3A_1564 = arith.subi %sub3A, %mul3A_272 : i32
        %mul3A_1565 = arith.constant 16 : i32
        %mul3A_1566 = arith.muli %add3A_1563, %mul3A_1565 : i32
        %get3A_1567 = arith.index_cast %mul3A_1566 : i32 to index
        %get3A_1568 = tpu.vector_load %arg5[%get3A_1567] {strides = array<i32>} : memref<512xi32, #tpu.memory_space<vmem>>, vector<16xi32>,
        %get3A_1569 = vector.shape_cast %get3A_1568 : vector<16xi32> to vector<16xi32>
        %shift_right_logical3A_1570 = arith.constant 3 : i32
        %shift_right_logical3A_1571 = vector.broadcast %shift_right_logical3A_1570 : i32 to vector<16xi32>
        %shift_right_logical3A_1572 = arith.shrui %get3A_1569, %shift_right_logical3A_1571 : vector<16xi32>
        %slice3A_1573 = vector.extract_strided_slice %shift_right_logical3A_1572 {offsets = [0], sizes = [1], strides = [1]} : vector<16xi32> to vector<1xi32>
        %squeeze3A_1574 = vector.extract %slice3A_1573[0] : i32 from vector<1xi32>
        %add3A_1575 = arith.constant 0 : i32
        %add3A_1576 = arith.addi %sub3A_1564, %add3A_1575 : i32
        %dma_start3A_1577 = arith.constant 0 : i32
        %dma_start3A_1578 = arith.constant 0 : i32
        %dma_start3A_1579 = tpu.memref_slice %arg6[%add3A_1576, %dma_start3A_1577, %dma_start3A_1578] : memref<32x8x64xf32, #tpu.memory_space<vmem>> -> memref<1x8x64xf32, #tpu.memory_space<vmem>>
        %dma_start3A_1580 = arith.constant 0 : i32
        %dma_start3A_1581 = arith.constant 0 : i32
        %dma_start3A_1582 = tpu.memref_slice %arg3[%squeeze3A_1574, %dma_start3A_1580, %dma_start3A_1581] : memref<125000x8x64xf32, #tpu.memory_space<hbm>> -> memref<1x8x64xf32, #tpu.memory_space<hbm>>
        %dma_start3A_1583 = arith.constant 0 : i32
        %dma_start3A_1584 = arith.constant 0 : i32
        %dma_start3A_1585 = tpu.memref_slice %arg6[%add3A_1576, %dma_start3A_1583, %dma_start3A_1584] : memref<32x8x64xf32, #tpu.memory_space<vmem>> -> memref<1x8x64xf32, #tpu.memory_space<vmem>>
        %dma_start3A_1586 = arith.constant 0 : i32
        %dma_start3A_1587 = arith.constant 0 : i32
        %dma_start3A_1588 = tpu.memref_slice %arg3[%squeeze3A_1574, %dma_start3A_1586, %dma_start3A_1587] : memref<125000x8x64xf32, #tpu.memory_space<hbm>> -> memref<1x8x64xf32, #tpu.memory_space<hbm>>
        tpu.enqueue_dma source(%dma_start3A_1588 : memref<1x8x64xf32, #tpu.memory_space<hbm>>) target(%dma_start3A_1585 : memref<1x8x64xf32, #tpu.memory_space<vmem>>) target_semaphore(%arg8 : memref<!tpu.dma_semaphore, #tpu.memory_space<semaphore_mem>>)
        %slice3A_1589 = vector.extract_strided_slice %shift_right_logical3A_1572 {offsets = [1], sizes = [1], strides = [1]} : vector<16xi32> to vector<1xi32>
        %squeeze3A_1590 = vector.extract %slice3A_1589[0] : i32 from vector<1xi32>
        %add3A_1591 = arith.constant 1 : i32
        %add3A_1592 = arith.addi %sub3A_1564, %add3A_1591 : i32
        %dma_start3A_1593 = arith.constant 0 : i32
        %dma_start3A_1594 = arith.constant 0 : i32
        %dma_start3A_1595 = tpu.memref_slice %arg6[%add3A_1592, %dma_start3A_1593, %dma_start3A_1594] : memref<32x8x64xf32, #tpu.memory_space<vmem>> -> memref<1x8x64xf32, #tpu.memory_space<vmem>>
        %dma_start3A_1596 = arith.constant 0 : i32
        %dma_start3A_1597 = arith.constant 0 : i32
        %dma_start3A_1598 = tpu.memref_slice %arg3[%squeeze3A_1590, %dma_start3A_1596, %dma_start3A_1597] : memref<125000x8x64xf32, #tpu.memory_space<hbm>> -> memref<1x8x64xf32, #tpu.memory_space<hbm>>
        %dma_start3A_1599 = arith.constant 0 : i32
        %dma_start3A_1600 = arith.constant 0 : i32
        %dma_start3A_1601 = tpu.memref_slice %arg6[%add3A_1592, %dma_start3A_1599, %dma_start3A_1600] : memref<32x8x64xf32, #tpu.memory_space<vmem>> -> memref<1x8x64xf32, #tpu.memory_space<vmem>>
        %dma_start3A_1602 = arith.constant 0 : i32
        %dma_start3A_1603 = arith.constant 0 : i32
        %dma_start3A_1604 = tpu.memref_slice %arg3[%squeeze3A_1590, %dma_start3A_1602, %dma_start3A_1603] : memref<125000x8x64xf32, #tpu.memory_space<hbm>> -> memref<1x8x64xf32, #tpu.memory_space<hbm>>
        tpu.enqueue_dma source(%dma_start3A_1604 : memref<1x8x64xf32, #tpu.memory_space<hbm>>) target(%dma_start3A_1601 : memref<1x8x64xf32, #tpu.memory_space<vmem>>) target_semaphore(%arg8 : memref<!tpu.dma_semaphore, #tpu.memory_space<semaphore_mem>>)
        %slice3A_1605 = vector.extract_strided_slice %shift_right_logical3A_1572 {offsets = [2], sizes = [1], strides = [1]} : vector<16xi32> to vector<1xi32>
        %squeeze3A_1606 = vector.extract %slice3A_1605[0] : i32 from vector<1xi32>
        %add3A_1607 = arith.constant 2 : i32
        %add3A_1608 = arith.addi %sub3A_1564, %add3A_1607 : i32
        %dma_start3A_1609 = arith.constant 0 : i32
        %dma_start3A_1610 = arith.constant 0 : i32
        %dma_start3A_1611 = tpu.memref_slice %arg6[%add3A_1608, %dma_start3A_1609, %dma_start3A_1610] : memref<32x8x64xf32, #tpu.memory_space<vmem>> -> memref<1x8x64xf32, #tpu.memory_space<vmem>>
        %dma_start3A_1612 = arith.constant 0 : i32
        %dma_start3A_1613 = arith.constant 0 : i32
        %dma_start3A_1614 = tpu.memref_slice %arg3[%squeeze3A_1606, %dma_start3A_1612, %dma_start3A_1613] : memref<125000x8x64xf32, #tpu.memory_space<hbm>> -> memref<1x8x64xf32, #tpu.memory_space<hbm>>
        %dma_start3A_1615 = arith.constant 0 : i32
        %dma_start3A_1616 = arith.constant 0 : i32
        %dma_start3A_1617 = tpu.memref_slice %arg6[%add3A_1608, %dma_start3A_1615, %dma_start3A_1616] : memref<32x8x64xf32, #tpu.memory_space<vmem>> -> memref<1x8x64xf32, #tpu.memory_space<vmem>>
        %dma_start3A_1618 = arith.constant 0 : i32
        %dma_start3A_1619 = arith.constant 0 : i32
        %dma_start3A_1620 = tpu.memref_slice %arg3[%squeeze3A_1606, %dma_start3A_1618, %dma_start3A_1619] : memref<125000x8x64xf32, #tpu.memory_space<hbm>> -> memref<1x8x64xf32, #tpu.memory_space<hbm>>
        tpu.enqueue_dma source(%dma_start3A_1620 : memref<1x8x64xf32, #tpu.memory_space<hbm>>) target(%dma_start3A_1617 : memref<1x8x64xf32, #tpu.memory_space<vmem>>) target_semaphore(%arg8 : memref<!tpu.dma_semaphore, #tpu.memory_space<semaphore_mem>>)
        %slice3A_1621 = vector.extract_strided_slice %shift_right_logical3A_1572 {offsets = [3], sizes = [1], strides = [1]} : vector<16xi32> to vector<1xi32>
        %squeeze3A_1622 = vector.extract %slice3A_1621[0] : i32 from vector<1xi32>
        %add3A_1623 = arith.constant 3 : i32
        %add3A_1624 = arith.addi %sub3A_1564, %add3A_1623 : i32
        %dma_start3A_1625 = arith.constant 0 : i32
        %dma_start3A_1626 = arith.constant 0 : i32
        %dma_start3A_1627 = tpu.memref_slice %arg6[%add3A_1624, %dma_start3A_1625, %dma_start3A_1626] : memref<32x8x64xf32, #tpu.memory_space<vmem>> -> memref<1x8x64xf32, #tpu.memory_space<vmem>>
        %dma_start3A_1628 = arith.constant 0 : i32
        %dma_start3A_1629 = arith.constant 0 : i32
        %dma_start3A_1630 = tpu.memref_slice %arg3[%squeeze3A_1622, %dma_start3A_1628, %dma_start3A_1629] : memref<125000x8x64xf32, #tpu.memory_space<hbm>> -> memref<1x8x64xf32, #tpu.memory_space<hbm>>
        %dma_start3A_1631 = arith.constant 0 : i32
        %dma_start3A_1632 = arith.constant 0 : i32
        %dma_start3A_1633 = tpu.memref_slice %arg6[%add3A_1624, %dma_start3A_1631, %dma_start3A_1632] : memref<32x8x64xf32, #tpu.memory_space<vmem>> -> memref<1x8x64xf32, #tpu.memory_space<vmem>>
        %dma_start3A_1634 = arith.constant 0 : i32
        %dma_start3A_1635 = arith.constant 0 : i32
        %dma_start3A_1636 = tpu.memref_slice %arg3[%squeeze3A_1622, %dma_start3A_1634, %dma_start3A_1635] : memref<125000x8x64xf32, #tpu.memory_space<hbm>> -> memref<1x8x64xf32, #tpu.memory_space<hbm>>
        tpu.enqueue_dma source(%dma_start3A_1636 : memref<1x8x64xf32, #tpu.memory_space<hbm>>) target(%dma_start3A_1633 : memref<1x8x64xf32, #tpu.memory_space<vmem>>) target_semaphore(%arg8 : memref<!tpu.dma_semaphore, #tpu.memory_space<semaphore_mem>>)
        %slice3A_1637 = vector.extract_strided_slice %shift_right_logical3A_1572 {offsets = [4], sizes = [1], strides = [1]} : vector<16xi32> to vector<1xi32>
        %squeeze3A_1638 = vector.extract %slice3A_1637[0] : i32 from vector<1xi32>
        %add3A_1639 = arith.constant 4 : i32
        %add3A_1640 = arith.addi %sub3A_1564, %add3A_1639 : i32
        %dma_start3A_1641 = arith.constant 0 : i32
        %dma_start3A_1642 = arith.constant 0 : i32
        %dma_start3A_1643 = tpu.memref_slice %arg6[%add3A_1640, %dma_start3A_1641, %dma_start3A_1642] : memref<32x8x64xf32, #tpu.memory_space<vmem>> -> memref<1x8x64xf32, #tpu.memory_space<vmem>>
        %dma_start3A_1644 = arith.constant 0 : i32
        %dma_start3A_1645 = arith.constant 0 : i32
        %dma_start3A_1646 = tpu.memref_slice %arg3[%squeeze3A_1638, %dma_start3A_1644, %dma_start3A_1645] : memref<125000x8x64xf32, #tpu.memory_space<hbm>> -> memref<1x8x64xf32, #tpu.memory_space<hbm>>
        %dma_start3A_1647 = arith.constant 0 : i32
        %dma_start3A_1648 = arith.constant 0 : i32
        %dma_start3A_1649 = tpu.memref_slice %arg6[%add3A_1640, %dma_start3A_1647, %dma_start3A_1648] : memref<32x8x64xf32, #tpu.memory_space<vmem>> -> memref<1x8x64xf32, #tpu.memory_space<vmem>>
        %dma_start3A_1650 = arith.constant 0 : i32
        %dma_start3A_1651 = arith.constant 0 : i32
        %dma_start3A_1652 = tpu.memref_slice %arg3[%squeeze3A_1638, %dma_start3A_1650, %dma_start3A_1651] : memref<125000x8x64xf32, #tpu.memory_space<hbm>> -> memref<1x8x64xf32, #tpu.memory_space<hbm>>
        tpu.enqueue_dma source(%dma_start3A_1652 : memref<1x8x64xf32, #tpu.memory_space<hbm>>) target(%dma_start3A_1649 : memref<1x8x64xf32, #tpu.memory_space<vmem>>) target_semaphore(%arg8 : memref<!tpu.dma_semaphore, #tpu.memory_space<semaphore_mem>>)
        %slice3A_1653 = vector.extract_strided_slice %shift_right_logical3A_1572 {offsets = [5], sizes = [1], strides = [1]} : vector<16xi32> to vector<1xi32>
        %squeeze3A_1654 = vector.extract %slice3A_1653[0] : i32 from vector<1xi32>
        %add3A_1655 = arith.constant 5 : i32
        %add3A_1656 = arith.addi %sub3A_1564, %add3A_1655 : i32
        %dma_start3A_1657 = arith.constant 0 : i32
        %dma_start3A_1658 = arith.constant 0 : i32
        %dma_start3A_1659 = tpu.memref_slice %arg6[%add3A_1656, %dma_start3A_1657, %dma_start3A_1658] : memref<32x8x64xf32, #tpu.memory_space<vmem>> -> memref<1x8x64xf32, #tpu.memory_space<vmem>>
        %dma_start3A_1660 = arith.constant 0 : i32
        %dma_start3A_1661 = arith.constant 0 : i32
        %dma_start3A_1662 = tpu.memref_slice %arg3[%squeeze3A_1654, %dma_start3A_1660, %dma_start3A_1661] : memref<125000x8x64xf32, #tpu.memory_space<hbm>> -> memref<1x8x64xf32, #tpu.memory_space<hbm>>
        %dma_start3A_1663 = arith.constant 0 : i32
        %dma_start3A_1664 = arith.constant 0 : i32
        %dma_start3A_1665 = tpu.memref_slice %arg6[%add3A_1656, %dma_start3A_1663, %dma_start3A_1664] : memref<32x8x64xf32, #tpu.memory_space<vmem>> -> memref<1x8x64xf32, #tpu.memory_space<vmem>>
        %dma_start3A_1666 = arith.constant 0 : i32
        %dma_start3A_1667 = arith.constant 0 : i32
        %dma_start3A_1668 = tpu.memref_slice %arg3[%squeeze3A_1654, %dma_start3A_1666, %dma_start3A_1667] : memref<125000x8x64xf32, #tpu.memory_space<hbm>> -> memref<1x8x64xf32, #tpu.memory_space<hbm>>
        tpu.enqueue_dma source(%dma_start3A_1668 : memref<1x8x64xf32, #tpu.memory_space<hbm>>) target(%dma_start3A_1665 : memref<1x8x64xf32, #tpu.memory_space<vmem>>) target_semaphore(%arg8 : memref<!tpu.dma_semaphore, #tpu.memory_space<semaphore_mem>>)
        %slice3A_1669 = vector.extract_strided_slice %shift_right_logical3A_1572 {offsets = [6], sizes = [1], strides = [1]} : vector<16xi32> to vector<1xi32>
        %squeeze3A_1670 = vector.extract %slice3A_1669[0] : i32 from vector<1xi32>
        %add3A_1671 = arith.constant 6 : i32
        %add3A_1672 = arith.addi %sub3A_1564, %add3A_1671 : i32
        %dma_start3A_1673 = arith.constant 0 : i32
        %dma_start3A_1674 = arith.constant 0 : i32
        %dma_start3A_1675 = tpu.memref_slice %arg6[%add3A_1672, %dma_start3A_1673, %dma_start3A_1674] : memref<32x8x64xf32, #tpu.memory_space<vmem>> -> memref<1x8x64xf32, #tpu.memory_space<vmem>>
        %dma_start3A_1676 = arith.constant 0 : i32
        %dma_start3A_1677 = arith.constant 0 : i32
        %dma_start3A_1678 = tpu.memref_slice %arg3[%squeeze3A_1670, %dma_start3A_1676, %dma_start3A_1677] : memref<125000x8x64xf32, #tpu.memory_space<hbm>> -> memref<1x8x64xf32, #tpu.memory_space<hbm>>
        %dma_start3A_1679 = arith.constant 0 : i32
        %dma_start3A_1680 = arith.constant 0 : i32
        %dma_start3A_1681 = tpu.memref_slice %arg6[%add3A_1672, %dma_start3A_1679, %dma_start3A_1680] : memref<32x8x64xf32, #tpu.memory_space<vmem>> -> memref<1x8x64xf32, #tpu.memory_space<vmem>>
        %dma_start3A_1682 = arith.constant 0 : i32
        %dma_start3A_1683 = arith.constant 0 : i32
        %dma_start3A_1684 = tpu.memref_slice %arg3[%squeeze3A_1670, %dma_start3A_1682, %dma_start3A_1683] : memref<125000x8x64xf32, #tpu.memory_space<hbm>> -> memref<1x8x64xf32, #tpu.memory_space<hbm>>
        tpu.enqueue_dma source(%dma_start3A_1684 : memref<1x8x64xf32, #tpu.memory_space<hbm>>) target(%dma_start3A_1681 : memref<1x8x64xf32, #tpu.memory_space<vmem>>) target_semaphore(%arg8 : memref<!tpu.dma_semaphore, #tpu.memory_space<semaphore_mem>>)
        %slice3A_1685 = vector.extract_strided_slice %shift_right_logical3A_1572 {offsets = [7], sizes = [1], strides = [1]} : vector<16xi32> to vector<1xi32>
        %squeeze3A_1686 = vector.extract %slice3A_1685[0] : i32 from vector<1xi32>
        %add3A_1687 = arith.constant 7 : i32
        %add3A_1688 = arith.addi %sub3A_1564, %add3A_1687 : i32
        %dma_start3A_1689 = arith.constant 0 : i32
        %dma_start3A_1690 = arith.constant 0 : i32
        %dma_start3A_1691 = tpu.memref_slice %arg6[%add3A_1688, %dma_start3A_1689, %dma_start3A_1690] : memref<32x8x64xf32, #tpu.memory_space<vmem>> -> memref<1x8x64xf32, #tpu.memory_space<vmem>>
        %dma_start3A_1692 = arith.constant 0 : i32
        %dma_start3A_1693 = arith.constant 0 : i32
        %dma_start3A_1694 = tpu.memref_slice %arg3[%squeeze3A_1686, %dma_start3A_1692, %dma_start3A_1693] : memref<125000x8x64xf32, #tpu.memory_space<hbm>> -> memref<1x8x64xf32, #tpu.memory_space<hbm>>
        %dma_start3A_1695 = arith.constant 0 : i32
        %dma_start3A_1696 = arith.constant 0 : i32
        %dma_start3A_1697 = tpu.memref_slice %arg6[%add3A_1688, %dma_start3A_1695, %dma_start3A_1696] : memref<32x8x64xf32, #tpu.memory_space<vmem>> -> memref<1x8x64xf32, #tpu.memory_space<vmem>>
        %dma_start3A_1698 = arith.constant 0 : i32
        %dma_start3A_1699 = arith.constant 0 : i32
        %dma_start3A_1700 = tpu.memref_slice %arg3[%squeeze3A_1686, %dma_start3A_1698, %dma_start3A_1699] : memref<125000x8x64xf32, #tpu.memory_space<hbm>> -> memref<1x8x64xf32, #tpu.memory_space<hbm>>
        tpu.enqueue_dma source(%dma_start3A_1700 : memref<1x8x64xf32, #tpu.memory_space<hbm>>) target(%dma_start3A_1697 : memref<1x8x64xf32, #tpu.memory_space<vmem>>) target_semaphore(%arg8 : memref<!tpu.dma_semaphore, #tpu.memory_space<semaphore_mem>>)
        %slice3A_1701 = vector.extract_strided_slice %shift_right_logical3A_1572 {offsets = [8], sizes = [1], strides = [1]} : vector<16xi32> to vector<1xi32>
        %squeeze3A_1702 = vector.extract %slice3A_1701[0] : i32 from vector<1xi32>
        %add3A_1703 = arith.constant 8 : i32
        %add3A_1704 = arith.addi %sub3A_1564, %add3A_1703 : i32
        %dma_start3A_1705 = arith.constant 0 : i32
        %dma_start3A_1706 = arith.constant 0 : i32
        %dma_start3A_1707 = tpu.memref_slice %arg6[%add3A_1704, %dma_start3A_1705, %dma_start3A_1706] : memref<32x8x64xf32, #tpu.memory_space<vmem>> -> memref<1x8x64xf32, #tpu.memory_space<vmem>>
        %dma_start3A_1708 = arith.constant 0 : i32
        %dma_start3A_1709 = arith.constant 0 : i32
        %dma_start3A_1710 = tpu.memref_slice %arg3[%squeeze3A_1702, %dma_start3A_1708, %dma_start3A_1709] : memref<125000x8x64xf32, #tpu.memory_space<hbm>> -> memref<1x8x64xf32, #tpu.memory_space<hbm>>
        %dma_start3A_1711 = arith.constant 0 : i32
        %dma_start3A_1712 = arith.constant 0 : i32
        %dma_start3A_1713 = tpu.memref_slice %arg6[%add3A_1704, %dma_start3A_1711, %dma_start3A_1712] : memref<32x8x64xf32, #tpu.memory_space<vmem>> -> memref<1x8x64xf32, #tpu.memory_space<vmem>>
        %dma_start3A_1714 = arith.constant 0 : i32
        %dma_start3A_1715 = arith.constant 0 : i32
        %dma_start3A_1716 = tpu.memref_slice %arg3[%squeeze3A_1702, %dma_start3A_1714, %dma_start3A_1715] : memref<125000x8x64xf32, #tpu.memory_space<hbm>> -> memref<1x8x64xf32, #tpu.memory_space<hbm>>
        tpu.enqueue_dma source(%dma_start3A_1716 : memref<1x8x64xf32, #tpu.memory_space<hbm>>) target(%dma_start3A_1713 : memref<1x8x64xf32, #tpu.memory_space<vmem>>) target_semaphore(%arg8 : memref<!tpu.dma_semaphore, #tpu.memory_space<semaphore_mem>>)
        %slice3A_1717 = vector.extract_strided_slice %shift_right_logical3A_1572 {offsets = [9], sizes = [1], strides = [1]} : vector<16xi32> to vector<1xi32>
        %squeeze3A_1718 = vector.extract %slice3A_1717[0] : i32 from vector<1xi32>
        %add3A_1719 = arith.constant 9 : i32
        %add3A_1720 = arith.addi %sub3A_1564, %add3A_1719 : i32
        %dma_start3A_1721 = arith.constant 0 : i32
        %dma_start3A_1722 = arith.constant 0 : i32
        %dma_start3A_1723 = tpu.memref_slice %arg6[%add3A_1720, %dma_start3A_1721, %dma_start3A_1722] : memref<32x8x64xf32, #tpu.memory_space<vmem>> -> memref<1x8x64xf32, #tpu.memory_space<vmem>>
        %dma_start3A_1724 = arith.constant 0 : i32
        %dma_start3A_1725 = arith.constant 0 : i32
        %dma_start3A_1726 = tpu.memref_slice %arg3[%squeeze3A_1718, %dma_start3A_1724, %dma_start3A_1725] : memref<125000x8x64xf32, #tpu.memory_space<hbm>> -> memref<1x8x64xf32, #tpu.memory_space<hbm>>
        %dma_start3A_1727 = arith.constant 0 : i32
        %dma_start3A_1728 = arith.constant 0 : i32
        %dma_start3A_1729 = tpu.memref_slice %arg6[%add3A_1720, %dma_start3A_1727, %dma_start3A_1728] : memref<32x8x64xf32, #tpu.memory_space<vmem>> -> memref<1x8x64xf32, #tpu.memory_space<vmem>>
        %dma_start3A_1730 = arith.constant 0 : i32
        %dma_start3A_1731 = arith.constant 0 : i32
        %dma_start3A_1732 = tpu.memref_slice %arg3[%squeeze3A_1718, %dma_start3A_1730, %dma_start3A_1731] : memref<125000x8x64xf32, #tpu.memory_space<hbm>> -> memref<1x8x64xf32, #tpu.memory_space<hbm>>
        tpu.enqueue_dma source(%dma_start3A_1732 : memref<1x8x64xf32, #tpu.memory_space<hbm>>) target(%dma_start3A_1729 : memref<1x8x64xf32, #tpu.memory_space<vmem>>) target_semaphore(%arg8 : memref<!tpu.dma_semaphore, #tpu.memory_space<semaphore_mem>>)
        %slice3A_1733 = vector.extract_strided_slice %shift_right_logical3A_1572 {offsets = [10], sizes = [1], strides = [1]} : vector<16xi32> to vector<1xi32>
        %squeeze3A_1734 = vector.extract %slice3A_1733[0] : i32 from vector<1xi32>
        %add3A_1735 = arith.constant 10 : i32
        %add3A_1736 = arith.addi %sub3A_1564, %add3A_1735 : i32
        %dma_start3A_1737 = arith.constant 0 : i32
        %dma_start3A_1738 = arith.constant 0 : i32
        %dma_start3A_1739 = tpu.memref_slice %arg6[%add3A_1736, %dma_start3A_1737, %dma_start3A_1738] : memref<32x8x64xf32, #tpu.memory_space<vmem>> -> memref<1x8x64xf32, #tpu.memory_space<vmem>>
        %dma_start3A_1740 = arith.constant 0 : i32
        %dma_start3A_1741 = arith.constant 0 : i32
        %dma_start3A_1742 = tpu.memref_slice %arg3[%squeeze3A_1734, %dma_start3A_1740, %dma_start3A_1741] : memref<125000x8x64xf32, #tpu.memory_space<hbm>> -> memref<1x8x64xf32, #tpu.memory_space<hbm>>
        %dma_start3A_1743 = arith.constant 0 : i32
        %dma_start3A_1744 = arith.constant 0 : i32
        %dma_start3A_1745 = tpu.memref_slice %arg6[%add3A_1736, %dma_start3A_1743, %dma_start3A_1744] : memref<32x8x64xf32, #tpu.memory_space<vmem>> -> memref<1x8x64xf32, #tpu.memory_space<vmem>>
        %dma_start3A_1746 = arith.constant 0 : i32
        %dma_start3A_1747 = arith.constant 0 : i32
        %dma_start3A_1748 = tpu.memref_slice %arg3[%squeeze3A_1734, %dma_start3A_1746, %dma_start3A_1747] : memref<125000x8x64xf32, #tpu.memory_space<hbm>> -> memref<1x8x64xf32, #tpu.memory_space<hbm>>
        tpu.enqueue_dma source(%dma_start3A_1748 : memref<1x8x64xf32, #tpu.memory_space<hbm>>) target(%dma_start3A_1745 : memref<1x8x64xf32, #tpu.memory_space<vmem>>) target_semaphore(%arg8 : memref<!tpu.dma_semaphore, #tpu.memory_space<semaphore_mem>>)
        %slice3A_1749 = vector.extract_strided_slice %shift_right_logical3A_1572 {offsets = [11], sizes = [1], strides = [1]} : vector<16xi32> to vector<1xi32>
        %squeeze3A_1750 = vector.extract %slice3A_1749[0] : i32 from vector<1xi32>
        %add3A_1751 = arith.constant 11 : i32
        %add3A_1752 = arith.addi %sub3A_1564, %add3A_1751 : i32
        %dma_start3A_1753 = arith.constant 0 : i32
        %dma_start3A_1754 = arith.constant 0 : i32
        %dma_start3A_1755 = tpu.memref_slice %arg6[%add3A_1752, %dma_start3A_1753, %dma_start3A_1754] : memref<32x8x64xf32, #tpu.memory_space<vmem>> -> memref<1x8x64xf32, #tpu.memory_space<vmem>>
        %dma_start3A_1756 = arith.constant 0 : i32
        %dma_start3A_1757 = arith.constant 0 : i32
        %dma_start3A_1758 = tpu.memref_slice %arg3[%squeeze3A_1750, %dma_start3A_1756, %dma_start3A_1757] : memref<125000x8x64xf32, #tpu.memory_space<hbm>> -> memref<1x8x64xf32, #tpu.memory_space<hbm>>
        %dma_start3A_1759 = arith.constant 0 : i32
        %dma_start3A_1760 = arith.constant 0 : i32
        %dma_start3A_1761 = tpu.memref_slice %arg6[%add3A_1752, %dma_start3A_1759, %dma_start3A_1760] : memref<32x8x64xf32, #tpu.memory_space<vmem>> -> memref<1x8x64xf32, #tpu.memory_space<vmem>>
        %dma_start3A_1762 = arith.constant 0 : i32
        %dma_start3A_1763 = arith.constant 0 : i32
        %dma_start3A_1764 = tpu.memref_slice %arg3[%squeeze3A_1750, %dma_start3A_1762, %dma_start3A_1763] : memref<125000x8x64xf32, #tpu.memory_space<hbm>> -> memref<1x8x64xf32, #tpu.memory_space<hbm>>
        tpu.enqueue_dma source(%dma_start3A_1764 : memref<1x8x64xf32, #tpu.memory_space<hbm>>) target(%dma_start3A_1761 : memref<1x8x64xf32, #tpu.memory_space<vmem>>) target_semaphore(%arg8 : memref<!tpu.dma_semaphore, #tpu.memory_space<semaphore_mem>>)
        %slice3A_1765 = vector.extract_strided_slice %shift_right_logical3A_1572 {offsets = [12], sizes = [1], strides = [1]} : vector<16xi32> to vector<1xi32>
        %squeeze3A_1766 = vector.extract %slice3A_1765[0] : i32 from vector<1xi32>
        %add3A_1767 = arith.constant 12 : i32
        %add3A_1768 = arith.addi %sub3A_1564, %add3A_1767 : i32
        %dma_start3A_1769 = arith.constant 0 : i32
        %dma_start3A_1770 = arith.constant 0 : i32
        %dma_start3A_1771 = tpu.memref_slice %arg6[%add3A_1768, %dma_start3A_1769, %dma_start3A_1770] : memref<32x8x64xf32, #tpu.memory_space<vmem>> -> memref<1x8x64xf32, #tpu.memory_space<vmem>>
        %dma_start3A_1772 = arith.constant 0 : i32
        %dma_start3A_1773 = arith.constant 0 : i32
        %dma_start3A_1774 = tpu.memref_slice %arg3[%squeeze3A_1766, %dma_start3A_1772, %dma_start3A_1773] : memref<125000x8x64xf32, #tpu.memory_space<hbm>> -> memref<1x8x64xf32, #tpu.memory_space<hbm>>
        %dma_start3A_1775 = arith.constant 0 : i32
        %dma_start3A_1776 = arith.constant 0 : i32
        %dma_start3A_1777 = tpu.memref_slice %arg6[%add3A_1768, %dma_start3A_1775, %dma_start3A_1776] : memref<32x8x64xf32, #tpu.memory_space<vmem>> -> memref<1x8x64xf32, #tpu.memory_space<vmem>>
        %dma_start3A_1778 = arith.constant 0 : i32
        %dma_start3A_1779 = arith.constant 0 : i32
        %dma_start3A_1780 = tpu.memref_slice %arg3[%squeeze3A_1766, %dma_start3A_1778, %dma_start3A_1779] : memref<125000x8x64xf32, #tpu.memory_space<hbm>> -> memref<1x8x64xf32, #tpu.memory_space<hbm>>
        tpu.enqueue_dma source(%dma_start3A_1780 : memref<1x8x64xf32, #tpu.memory_space<hbm>>) target(%dma_start3A_1777 : memref<1x8x64xf32, #tpu.memory_space<vmem>>) target_semaphore(%arg8 : memref<!tpu.dma_semaphore, #tpu.memory_space<semaphore_mem>>)
        %slice3A_1781 = vector.extract_strided_slice %shift_right_logical3A_1572 {offsets = [13], sizes = [1], strides = [1]} : vector<16xi32> to vector<1xi32>
        %squeeze3A_1782 = vector.extract %slice3A_1781[0] : i32 from vector<1xi32>
        %add3A_1783 = arith.constant 13 : i32
        %add3A_1784 = arith.addi %sub3A_1564, %add3A_1783 : i32
        %dma_start3A_1785 = arith.constant 0 : i32
        %dma_start3A_1786 = arith.constant 0 : i32
        %dma_start3A_1787 = tpu.memref_slice %arg6[%add3A_1784, %dma_start3A_1785, %dma_start3A_1786] : memref<32x8x64xf32, #tpu.memory_space<vmem>> -> memref<1x8x64xf32, #tpu.memory_space<vmem>>
        %dma_start3A_1788 = arith.constant 0 : i32
        %dma_start3A_1789 = arith.constant 0 : i32
        %dma_start3A_1790 = tpu.memref_slice %arg3[%squeeze3A_1782, %dma_start3A_1788, %dma_start3A_1789] : memref<125000x8x64xf32, #tpu.memory_space<hbm>> -> memref<1x8x64xf32, #tpu.memory_space<hbm>>
        %dma_start3A_1791 = arith.constant 0 : i32
        %dma_start3A_1792 = arith.constant 0 : i32
        %dma_start3A_1793 = tpu.memref_slice %arg6[%add3A_1784, %dma_start3A_1791, %dma_start3A_1792] : memref<32x8x64xf32, #tpu.memory_space<vmem>> -> memref<1x8x64xf32, #tpu.memory_space<vmem>>
        %dma_start3A_1794 = arith.constant 0 : i32
        %dma_start3A_1795 = arith.constant 0 : i32
        %dma_start3A_1796 = tpu.memref_slice %arg3[%squeeze3A_1782, %dma_start3A_1794, %dma_start3A_1795] : memref<125000x8x64xf32, #tpu.memory_space<hbm>> -> memref<1x8x64xf32, #tpu.memory_space<hbm>>
        tpu.enqueue_dma source(%dma_start3A_1796 : memref<1x8x64xf32, #tpu.memory_space<hbm>>) target(%dma_start3A_1793 : memref<1x8x64xf32, #tpu.memory_space<vmem>>) target_semaphore(%arg8 : memref<!tpu.dma_semaphore, #tpu.memory_space<semaphore_mem>>)
        %slice3A_1797 = vector.extract_strided_slice %shift_right_logical3A_1572 {offsets = [14], sizes = [1], strides = [1]} : vector<16xi32> to vector<1xi32>
        %squeeze3A_1798 = vector.extract %slice3A_1797[0] : i32 from vector<1xi32>
        %add3A_1799 = arith.constant 14 : i32
        %add3A_1800 = arith.addi %sub3A_1564, %add3A_1799 : i32
        %dma_start3A_1801 = arith.constant 0 : i32
        %dma_start3A_1802 = arith.constant 0 : i32
        %dma_start3A_1803 = tpu.memref_slice %arg6[%add3A_1800, %dma_start3A_1801, %dma_start3A_1802] : memref<32x8x64xf32, #tpu.memory_space<vmem>> -> memref<1x8x64xf32, #tpu.memory_space<vmem>>
        %dma_start3A_1804 = arith.constant 0 : i32
        %dma_start3A_1805 = arith.constant 0 : i32
        %dma_start3A_1806 = tpu.memref_slice %arg3[%squeeze3A_1798, %dma_start3A_1804, %dma_start3A_1805] : memref<125000x8x64xf32, #tpu.memory_space<hbm>> -> memref<1x8x64xf32, #tpu.memory_space<hbm>>
        %dma_start3A_1807 = arith.constant 0 : i32
        %dma_start3A_1808 = arith.constant 0 : i32
        %dma_start3A_1809 = tpu.memref_slice %arg6[%add3A_1800, %dma_start3A_1807, %dma_start3A_1808] : memref<32x8x64xf32, #tpu.memory_space<vmem>> -> memref<1x8x64xf32, #tpu.memory_space<vmem>>
        %dma_start3A_1810 = arith.constant 0 : i32
        %dma_start3A_1811 = arith.constant 0 : i32
        %dma_start3A_1812 = tpu.memref_slice %arg3[%squeeze3A_1798, %dma_start3A_1810, %dma_start3A_1811] : memref<125000x8x64xf32, #tpu.memory_space<hbm>> -> memref<1x8x64xf32, #tpu.memory_space<hbm>>
        tpu.enqueue_dma source(%dma_start3A_1812 : memref<1x8x64xf32, #tpu.memory_space<hbm>>) target(%dma_start3A_1809 : memref<1x8x64xf32, #tpu.memory_space<vmem>>) target_semaphore(%arg8 : memref<!tpu.dma_semaphore, #tpu.memory_space<semaphore_mem>>)
        %slice3A_1813 = vector.extract_strided_slice %shift_right_logical3A_1572 {offsets = [15], sizes = [1], strides = [1]} : vector<16xi32> to vector<1xi32>
        %squeeze3A_1814 = vector.extract %slice3A_1813[0] : i32 from vector<1xi32>
        %add3A_1815 = arith.constant 15 : i32
        %add3A_1816 = arith.addi %sub3A_1564, %add3A_1815 : i32
        %dma_start3A_1817 = arith.constant 0 : i32
        %dma_start3A_1818 = arith.constant 0 : i32
        %dma_start3A_1819 = tpu.memref_slice %arg6[%add3A_1816, %dma_start3A_1817, %dma_start3A_1818] : memref<32x8x64xf32, #tpu.memory_space<vmem>> -> memref<1x8x64xf32, #tpu.memory_space<vmem>>
        %dma_start3A_1820 = arith.constant 0 : i32
        %dma_start3A_1821 = arith.constant 0 : i32
        %dma_start3A_1822 = tpu.memref_slice %arg3[%squeeze3A_1814, %dma_start3A_1820, %dma_start3A_1821] : memref<125000x8x64xf32, #tpu.memory_space<hbm>> -> memref<1x8x64xf32, #tpu.memory_space<hbm>>
        %dma_start3A_1823 = arith.constant 0 : i32
        %dma_start3A_1824 = arith.constant 0 : i32
        %dma_start3A_1825 = tpu.memref_slice %arg6[%add3A_1816, %dma_start3A_1823, %dma_start3A_1824] : memref<32x8x64xf32, #tpu.memory_space<vmem>> -> memref<1x8x64xf32, #tpu.memory_space<vmem>>
        %dma_start3A_1826 = arith.constant 0 : i32
        %dma_start3A_1827 = arith.constant 0 : i32
        %dma_start3A_1828 = tpu.memref_slice %arg3[%squeeze3A_1814, %dma_start3A_1826, %dma_start3A_1827] : memref<125000x8x64xf32, #tpu.memory_space<hbm>> -> memref<1x8x64xf32, #tpu.memory_space<hbm>>
        tpu.enqueue_dma source(%dma_start3A_1828 : memref<1x8x64xf32, #tpu.memory_space<hbm>>) target(%dma_start3A_1825 : memref<1x8x64xf32, #tpu.memory_space<vmem>>) target_semaphore(%arg8 : memref<!tpu.dma_semaphore, #tpu.memory_space<semaphore_mem>>)
      } else {
      }
      %get3A_532 = arith.index_cast %mul3A_269 : i32 to index
      %get3A_533 = tpu.vector_load %arg5[%get3A_532] {strides = array<i32>} : memref<512xi32, #tpu.memory_space<vmem>>, vector<16xi32>,
      %get3A_534 = vector.shape_cast %get3A_533 : vector<16xi32> to vector<16xi32>
      %and3A_535 = arith.constant 7 : i32
      %and3A_536 = vector.broadcast %and3A_535 : i32 to vector<16xi32>
      %and3A_537 = arith.andi %get3A_534, %and3A_536 : vector<16xi32>
      %add3A_538 = arith.constant 0 : i32
      %add3A_539 = arith.addi %mul3A_272, %add3A_538 : i32
      %slice3A_540 = vector.extract_strided_slice %and3A_537 {offsets = [0], sizes = [1], strides = [1]} : vector<16xi32> to vector<1xi32>
      %squeeze3A_541 = vector.extract %slice3A_540[0] : i32 from vector<1xi32>
      %get3A_542 = arith.index_cast %add3A_539 : i32 to index
      %get3A_543 = arith.index_cast %squeeze3A_541 : i32 to index
      %get3A_544 = arith.constant 0 : index
      %get3A_545 = tpu.vector_load %arg6[%get3A_542, %get3A_543, %get3A_544] {strides = array<i32>} : memref<32x8x64xf32, #tpu.memory_space<vmem>>, vector<1x1x16xf32>,
      %get3A_546 = vector.shape_cast %get3A_545 : vector<1x1x16xf32> to vector<16xf32>
      %add3A_547 = arith.constant 0 : i32
      %add3A_548 = arith.addi %mul3A_269, %add3A_547 : i32
      %swap3A = arith.index_cast %add3A_548 : i32 to index
      %swap3A_549 = arith.constant 0 : index
      %swap3A_550 = tpu.vector_load %arg7[%swap3A, %swap3A_549] {strides = array<i32>} : memref<512x64xf32, #tpu.memory_space<vmem>>, vector<1x16xf32>,
      %swap3A_551 = vector.shape_cast %swap3A_550 : vector<1x16xf32> to vector<16xf32>
      %swap3A_552 = vector.shape_cast %get3A_546 : vector<16xf32> to vector<1x16xf32>
      tpu.vector_store %arg7[%swap3A, %swap3A_549], %swap3A_552 {strides = array<i32>} : memref<512x64xf32, #tpu.memory_space<vmem>>, vector<1x16xf32>,
      %add3A_553 = arith.constant 0 : i32
      %add3A_554 = arith.addi %mul3A_272, %add3A_553 : i32
      %slice3A_555 = vector.extract_strided_slice %and3A_537 {offsets = [0], sizes = [1], strides = [1]} : vector<16xi32> to vector<1xi32>
      %squeeze3A_556 = vector.extract %slice3A_555[0] : i32 from vector<1xi32>
      %get3A_557 = arith.index_cast %add3A_554 : i32 to index
      %get3A_558 = arith.index_cast %squeeze3A_556 : i32 to index
      %get3A_559 = arith.constant 16 : index
      %get3A_560 = tpu.vector_load %arg6[%get3A_557, %get3A_558, %get3A_559] {strides = array<i32>} : memref<32x8x64xf32, #tpu.memory_space<vmem>>, vector<1x1x16xf32>,
      %get3A_561 = vector.shape_cast %get3A_560 : vector<1x1x16xf32> to vector<16xf32>
      %add3A_562 = arith.constant 0 : i32
      %add3A_563 = arith.addi %mul3A_269, %add3A_562 : i32
      %swap3A_564 = arith.index_cast %add3A_563 : i32 to index
      %swap3A_565 = arith.constant 16 : index
      %swap3A_566 = tpu.vector_load %arg7[%swap3A_564, %swap3A_565] {strides = array<i32>} : memref<512x64xf32, #tpu.memory_space<vmem>>, vector<1x16xf32>,
      %swap3A_567 = vector.shape_cast %swap3A_566 : vector<1x16xf32> to vector<16xf32>
      %swap3A_568 = vector.shape_cast %get3A_561 : vector<16xf32> to vector<1x16xf32>
      tpu.vector_store %arg7[%swap3A_564, %swap3A_565], %swap3A_568 {strides = array<i32>} : memref<512x64xf32, #tpu.memory_space<vmem>>, vector<1x16xf32>,
      %add3A_569 = arith.constant 0 : i32
      %add3A_570 = arith.addi %mul3A_272, %add3A_569 : i32
      %slice3A_571 = vector.extract_strided_slice %and3A_537 {offsets = [0], sizes = [1], strides = [1]} : vector<16xi32> to vector<1xi32>
      %squeeze3A_572 = vector.extract %slice3A_571[0] : i32 from vector<1xi32>
      %get3A_573 = arith.index_cast %add3A_570 : i32 to index
      %get3A_574 = arith.index_cast %squeeze3A_572 : i32 to index
      %get3A_575 = arith.constant 32 : index
      %get3A_576 = tpu.vector_load %arg6[%get3A_573, %get3A_574, %get3A_575] {strides = array<i32>} : memref<32x8x64xf32, #tpu.memory_space<vmem>>, vector<1x1x16xf32>,
      %get3A_577 = vector.shape_cast %get3A_576 : vector<1x1x16xf32> to vector<16xf32>
      %add3A_578 = arith.constant 0 : i32
      %add3A_579 = arith.addi %mul3A_269, %add3A_578 : i32
      %swap3A_580 = arith.index_cast %add3A_579 : i32 to index
      %swap3A_581 = arith.constant 32 : index
      %swap3A_582 = tpu.vector_load %arg7[%swap3A_580, %swap3A_581] {strides = array<i32>} : memref<512x64xf32, #tpu.memory_space<vmem>>, vector<1x16xf32>,
      %swap3A_583 = vector.shape_cast %swap3A_582 : vector<1x16xf32> to vector<16xf32>
      %swap3A_584 = vector.shape_cast %get3A_577 : vector<16xf32> to vector<1x16xf32>
      tpu.vector_store %arg7[%swap3A_580, %swap3A_581], %swap3A_584 {strides = array<i32>} : memref<512x64xf32, #tpu.memory_space<vmem>>, vector<1x16xf32>,
      %add3A_585 = arith.constant 0 : i32
      %add3A_586 = arith.addi %mul3A_272, %add3A_585 : i32
      %slice3A_587 = vector.extract_strided_slice %and3A_537 {offsets = [0], sizes = [1], strides = [1]} : vector<16xi32> to vector<1xi32>
      %squeeze3A_588 = vector.extract %slice3A_587[0] : i32 from vector<1xi32>
      %get3A_589 = arith.index_cast %add3A_586 : i32 to index
      %get3A_590 = arith.index_cast %squeeze3A_588 : i32 to index
      %get3A_591 = arith.constant 48 : index
      %get3A_592 = tpu.vector_load %arg6[%get3A_589, %get3A_590, %get3A_591] {strides = array<i32>} : memref<32x8x64xf32, #tpu.memory_space<vmem>>, vector<1x1x16xf32>,
      %get3A_593 = vector.shape_cast %get3A_592 : vector<1x1x16xf32> to vector<16xf32>
      %add3A_594 = arith.constant 0 : i32
      %add3A_595 = arith.addi %mul3A_269, %add3A_594 : i32
      %swap3A_596 = arith.index_cast %add3A_595 : i32 to index
      %swap3A_597 = arith.constant 48 : index
      %swap3A_598 = tpu.vector_load %arg7[%swap3A_596, %swap3A_597] {strides = array<i32>} : memref<512x64xf32, #tpu.memory_space<vmem>>, vector<1x16xf32>,
      %swap3A_599 = vector.shape_cast %swap3A_598 : vector<1x16xf32> to vector<16xf32>
      %swap3A_600 = vector.shape_cast %get3A_593 : vector<16xf32> to vector<1x16xf32>
      tpu.vector_store %arg7[%swap3A_596, %swap3A_597], %swap3A_600 {strides = array<i32>} : memref<512x64xf32, #tpu.memory_space<vmem>>, vector<1x16xf32>,
      %add3A_601 = arith.constant 1 : i32
      %add3A_602 = arith.addi %mul3A_272, %add3A_601 : i32
      %slice3A_603 = vector.extract_strided_slice %and3A_537 {offsets = [1], sizes = [1], strides = [1]} : vector<16xi32> to vector<1xi32>
      %squeeze3A_604 = vector.extract %slice3A_603[0] : i32 from vector<1xi32>
      %get3A_605 = arith.index_cast %add3A_602 : i32 to index
      %get3A_606 = arith.index_cast %squeeze3A_604 : i32 to index
      %get3A_607 = arith.constant 0 : index
      %get3A_608 = tpu.vector_load %arg6[%get3A_605, %get3A_606, %get3A_607] {strides = array<i32>} : memref<32x8x64xf32, #tpu.memory_space<vmem>>, vector<1x1x16xf32>,
      %get3A_609 = vector.shape_cast %get3A_608 : vector<1x1x16xf32> to vector<16xf32>
      %add3A_610 = arith.constant 1 : i32
      %add3A_611 = arith.addi %mul3A_269, %add3A_610 : i32
      %swap3A_612 = arith.index_cast %add3A_611 : i32 to index
      %swap3A_613 = arith.constant 0 : index
      %swap3A_614 = tpu.vector_load %arg7[%swap3A_612, %swap3A_613] {strides = array<i32>} : memref<512x64xf32, #tpu.memory_space<vmem>>, vector<1x16xf32>,
      %swap3A_615 = vector.shape_cast %swap3A_614 : vector<1x16xf32> to vector<16xf32>
      %swap3A_616 = vector.shape_cast %get3A_609 : vector<16xf32> to vector<1x16xf32>
      tpu.vector_store %arg7[%swap3A_612, %swap3A_613], %swap3A_616 {strides = array<i32>} : memref<512x64xf32, #tpu.memory_space<vmem>>, vector<1x16xf32>,
      %add3A_617 = arith.constant 1 : i32
      %add3A_618 = arith.addi %mul3A_272, %add3A_617 : i32
      %slice3A_619 = vector.extract_strided_slice %and3A_537 {offsets = [1], sizes = [1], strides = [1]} : vector<16xi32> to vector<1xi32>
      %squeeze3A_620 = vector.extract %slice3A_619[0] : i32 from vector<1xi32>
      %get3A_621 = arith.index_cast %add3A_618 : i32 to index
      %get3A_622 = arith.index_cast %squeeze3A_620 : i32 to index
      %get3A_623 = arith.constant 16 : index
      %get3A_624 = tpu.vector_load %arg6[%get3A_621, %get3A_622, %get3A_623] {strides = array<i32>} : memref<32x8x64xf32, #tpu.memory_space<vmem>>, vector<1x1x16xf32>,
      %get3A_625 = vector.shape_cast %get3A_624 : vector<1x1x16xf32> to vector<16xf32>
      %add3A_626 = arith.constant 1 : i32
      %add3A_627 = arith.addi %mul3A_269, %add3A_626 : i32
      %swap3A_628 = arith.index_cast %add3A_627 : i32 to index
      %swap3A_629 = arith.constant 16 : index
      %swap3A_630 = tpu.vector_load %arg7[%swap3A_628, %swap3A_629] {strides = array<i32>} : memref<512x64xf32, #tpu.memory_space<vmem>>, vector<1x16xf32>,
      %swap3A_631 = vector.shape_cast %swap3A_630 : vector<1x16xf32> to vector<16xf32>
      %swap3A_632 = vector.shape_cast %get3A_625 : vector<16xf32> to vector<1x16xf32>
      tpu.vector_store %arg7[%swap3A_628, %swap3A_629], %swap3A_632 {strides = array<i32>} : memref<512x64xf32, #tpu.memory_space<vmem>>, vector<1x16xf32>,
      %add3A_633 = arith.constant 1 : i32
      %add3A_634 = arith.addi %mul3A_272, %add3A_633 : i32
      %slice3A_635 = vector.extract_strided_slice %and3A_537 {offsets = [1], sizes = [1], strides = [1]} : vector<16xi32> to vector<1xi32>
      %squeeze3A_636 = vector.extract %slice3A_635[0] : i32 from vector<1xi32>
      %get3A_637 = arith.index_cast %add3A_634 : i32 to index
      %get3A_638 = arith.index_cast %squeeze3A_636 : i32 to index
      %get3A_639 = arith.constant 32 : index
      %get3A_640 = tpu.vector_load %arg6[%get3A_637, %get3A_638, %get3A_639] {strides = array<i32>} : memref<32x8x64xf32, #tpu.memory_space<vmem>>, vector<1x1x16xf32>,
      %get3A_641 = vector.shape_cast %get3A_640 : vector<1x1x16xf32> to vector<16xf32>
      %add3A_642 = arith.constant 1 : i32
      %add3A_643 = arith.addi %mul3A_269, %add3A_642 : i32
      %swap3A_644 = arith.index_cast %add3A_643 : i32 to index
      %swap3A_645 = arith.constant 32 : index
      %swap3A_646 = tpu.vector_load %arg7[%swap3A_644, %swap3A_645] {strides = array<i32>} : memref<512x64xf32, #tpu.memory_space<vmem>>, vector<1x16xf32>,
      %swap3A_647 = vector.shape_cast %swap3A_646 : vector<1x16xf32> to vector<16xf32>
      %swap3A_648 = vector.shape_cast %get3A_641 : vector<16xf32> to vector<1x16xf32>
      tpu.vector_store %arg7[%swap3A_644, %swap3A_645], %swap3A_648 {strides = array<i32>} : memref<512x64xf32, #tpu.memory_space<vmem>>, vector<1x16xf32>,
      %add3A_649 = arith.constant 1 : i32
      %add3A_650 = arith.addi %mul3A_272, %add3A_649 : i32
      %slice3A_651 = vector.extract_strided_slice %and3A_537 {offsets = [1], sizes = [1], strides = [1]} : vector<16xi32> to vector<1xi32>
      %squeeze3A_652 = vector.extract %slice3A_651[0] : i32 from vector<1xi32>
      %get3A_653 = arith.index_cast %add3A_650 : i32 to index
      %get3A_654 = arith.index_cast %squeeze3A_652 : i32 to index
      %get3A_655 = arith.constant 48 : index
      %get3A_656 = tpu.vector_load %arg6[%get3A_653, %get3A_654, %get3A_655] {strides = array<i32>} : memref<32x8x64xf32, #tpu.memory_space<vmem>>, vector<1x1x16xf32>,
      %get3A_657 = vector.shape_cast %get3A_656 : vector<1x1x16xf32> to vector<16xf32>
      %add3A_658 = arith.constant 1 : i32
      %add3A_659 = arith.addi %mul3A_269, %add3A_658 : i32
      %swap3A_660 = arith.index_cast %add3A_659 : i32 to index
      %swap3A_661 = arith.constant 48 : index
      %swap3A_662 = tpu.vector_load %arg7[%swap3A_660, %swap3A_661] {strides = array<i32>} : memref<512x64xf32, #tpu.memory_space<vmem>>, vector<1x16xf32>,
      %swap3A_663 = vector.shape_cast %swap3A_662 : vector<1x16xf32> to vector<16xf32>
      %swap3A_664 = vector.shape_cast %get3A_657 : vector<16xf32> to vector<1x16xf32>
      tpu.vector_store %arg7[%swap3A_660, %swap3A_661], %swap3A_664 {strides = array<i32>} : memref<512x64xf32, #tpu.memory_space<vmem>>, vector<1x16xf32>,
      %add3A_665 = arith.constant 2 : i32
      %add3A_666 = arith.addi %mul3A_272, %add3A_665 : i32
      %slice3A_667 = vector.extract_strided_slice %and3A_537 {offsets = [2], sizes = [1], strides = [1]} : vector<16xi32> to vector<1xi32>
      %squeeze3A_668 = vector.extract %slice3A_667[0] : i32 from vector<1xi32>
      %get3A_669 = arith.index_cast %add3A_666 : i32 to index
      %get3A_670 = arith.index_cast %squeeze3A_668 : i32 to index
      %get3A_671 = arith.constant 0 : index
      %get3A_672 = tpu.vector_load %arg6[%get3A_669, %get3A_670, %get3A_671] {strides = array<i32>} : memref<32x8x64xf32, #tpu.memory_space<vmem>>, vector<1x1x16xf32>,
      %get3A_673 = vector.shape_cast %get3A_672 : vector<1x1x16xf32> to vector<16xf32>
      %add3A_674 = arith.constant 2 : i32
      %add3A_675 = arith.addi %mul3A_269, %add3A_674 : i32
      %swap3A_676 = arith.index_cast %add3A_675 : i32 to index
      %swap3A_677 = arith.constant 0 : index
      %swap3A_678 = tpu.vector_load %arg7[%swap3A_676, %swap3A_677] {strides = array<i32>} : memref<512x64xf32, #tpu.memory_space<vmem>>, vector<1x16xf32>,
      %swap3A_679 = vector.shape_cast %swap3A_678 : vector<1x16xf32> to vector<16xf32>
      %swap3A_680 = vector.shape_cast %get3A_673 : vector<16xf32> to vector<1x16xf32>
      tpu.vector_store %arg7[%swap3A_676, %swap3A_677], %swap3A_680 {strides = array<i32>} : memref<512x64xf32, #tpu.memory_space<vmem>>, vector<1x16xf32>,
      %add3A_681 = arith.constant 2 : i32
      %add3A_682 = arith.addi %mul3A_272, %add3A_681 : i32
      %slice3A_683 = vector.extract_strided_slice %and3A_537 {offsets = [2], sizes = [1], strides = [1]} : vector<16xi32> to vector<1xi32>
      %squeeze3A_684 = vector.extract %slice3A_683[0] : i32 from vector<1xi32>
      %get3A_685 = arith.index_cast %add3A_682 : i32 to index
      %get3A_686 = arith.index_cast %squeeze3A_684 : i32 to index
      %get3A_687 = arith.constant 16 : index
      %get3A_688 = tpu.vector_load %arg6[%get3A_685, %get3A_686, %get3A_687] {strides = array<i32>} : memref<32x8x64xf32, #tpu.memory_space<vmem>>, vector<1x1x16xf32>,
      %get3A_689 = vector.shape_cast %get3A_688 : vector<1x1x16xf32> to vector<16xf32>
      %add3A_690 = arith.constant 2 : i32
      %add3A_691 = arith.addi %mul3A_269, %add3A_690 : i32
      %swap3A_692 = arith.index_cast %add3A_691 : i32 to index
      %swap3A_693 = arith.constant 16 : index
      %swap3A_694 = tpu.vector_load %arg7[%swap3A_692, %swap3A_693] {strides = array<i32>} : memref<512x64xf32, #tpu.memory_space<vmem>>, vector<1x16xf32>,
      %swap3A_695 = vector.shape_cast %swap3A_694 : vector<1x16xf32> to vector<16xf32>
      %swap3A_696 = vector.shape_cast %get3A_689 : vector<16xf32> to vector<1x16xf32>
      tpu.vector_store %arg7[%swap3A_692, %swap3A_693], %swap3A_696 {strides = array<i32>} : memref<512x64xf32, #tpu.memory_space<vmem>>, vector<1x16xf32>,
      %add3A_697 = arith.constant 2 : i32
      %add3A_698 = arith.addi %mul3A_272, %add3A_697 : i32
      %slice3A_699 = vector.extract_strided_slice %and3A_537 {offsets = [2], sizes = [1], strides = [1]} : vector<16xi32> to vector<1xi32>
      %squeeze3A_700 = vector.extract %slice3A_699[0] : i32 from vector<1xi32>
      %get3A_701 = arith.index_cast %add3A_698 : i32 to index
      %get3A_702 = arith.index_cast %squeeze3A_700 : i32 to index
      %get3A_703 = arith.constant 32 : index
      %get3A_704 = tpu.vector_load %arg6[%get3A_701, %get3A_702, %get3A_703] {strides = array<i32>} : memref<32x8x64xf32, #tpu.memory_space<vmem>>, vector<1x1x16xf32>,
      %get3A_705 = vector.shape_cast %get3A_704 : vector<1x1x16xf32> to vector<16xf32>
      %add3A_706 = arith.constant 2 : i32
      %add3A_707 = arith.addi %mul3A_269, %add3A_706 : i32
      %swap3A_708 = arith.index_cast %add3A_707 : i32 to index
      %swap3A_709 = arith.constant 32 : index
      %swap3A_710 = tpu.vector_load %arg7[%swap3A_708, %swap3A_709] {strides = array<i32>} : memref<512x64xf32, #tpu.memory_space<vmem>>, vector<1x16xf32>,
      %swap3A_711 = vector.shape_cast %swap3A_710 : vector<1x16xf32> to vector<16xf32>
      %swap3A_712 = vector.shape_cast %get3A_705 : vector<16xf32> to vector<1x16xf32>
      tpu.vector_store %arg7[%swap3A_708, %swap3A_709], %swap3A_712 {strides = array<i32>} : memref<512x64xf32, #tpu.memory_space<vmem>>, vector<1x16xf32>,
      %add3A_713 = arith.constant 2 : i32
      %add3A_714 = arith.addi %mul3A_272, %add3A_713 : i32
      %slice3A_715 = vector.extract_strided_slice %and3A_537 {offsets = [2], sizes = [1], strides = [1]} : vector<16xi32> to vector<1xi32>
      %squeeze3A_716 = vector.extract %slice3A_715[0] : i32 from vector<1xi32>
      %get3A_717 = arith.index_cast %add3A_714 : i32 to index
      %get3A_718 = arith.index_cast %squeeze3A_716 : i32 to index
      %get3A_719 = arith.constant 48 : index
      %get3A_720 = tpu.vector_load %arg6[%get3A_717, %get3A_718, %get3A_719] {strides = array<i32>} : memref<32x8x64xf32, #tpu.memory_space<vmem>>, vector<1x1x16xf32>,
      %get3A_721 = vector.shape_cast %get3A_720 : vector<1x1x16xf32> to vector<16xf32>
      %add3A_722 = arith.constant 2 : i32
      %add3A_723 = arith.addi %mul3A_269, %add3A_722 : i32
      %swap3A_724 = arith.index_cast %add3A_723 : i32 to index
      %swap3A_725 = arith.constant 48 : index
      %swap3A_726 = tpu.vector_load %arg7[%swap3A_724, %swap3A_725] {strides = array<i32>} : memref<512x64xf32, #tpu.memory_space<vmem>>, vector<1x16xf32>,
      %swap3A_727 = vector.shape_cast %swap3A_726 : vector<1x16xf32> to vector<16xf32>
      %swap3A_728 = vector.shape_cast %get3A_721 : vector<16xf32> to vector<1x16xf32>
      tpu.vector_store %arg7[%swap3A_724, %swap3A_725], %swap3A_728 {strides = array<i32>} : memref<512x64xf32, #tpu.memory_space<vmem>>, vector<1x16xf32>,
      %add3A_729 = arith.constant 3 : i32
      %add3A_730 = arith.addi %mul3A_272, %add3A_729 : i32
      %slice3A_731 = vector.extract_strided_slice %and3A_537 {offsets = [3], sizes = [1], strides = [1]} : vector<16xi32> to vector<1xi32>
      %squeeze3A_732 = vector.extract %slice3A_731[0] : i32 from vector<1xi32>
      %get3A_733 = arith.index_cast %add3A_730 : i32 to index
      %get3A_734 = arith.index_cast %squeeze3A_732 : i32 to index
      %get3A_735 = arith.constant 0 : index
      %get3A_736 = tpu.vector_load %arg6[%get3A_733, %get3A_734, %get3A_735] {strides = array<i32>} : memref<32x8x64xf32, #tpu.memory_space<vmem>>, vector<1x1x16xf32>,
      %get3A_737 = vector.shape_cast %get3A_736 : vector<1x1x16xf32> to vector<16xf32>
      %add3A_738 = arith.constant 3 : i32
      %add3A_739 = arith.addi %mul3A_269, %add3A_738 : i32
      %swap3A_740 = arith.index_cast %add3A_739 : i32 to index
      %swap3A_741 = arith.constant 0 : index
      %swap3A_742 = tpu.vector_load %arg7[%swap3A_740, %swap3A_741] {strides = array<i32>} : memref<512x64xf32, #tpu.memory_space<vmem>>, vector<1x16xf32>,
      %swap3A_743 = vector.shape_cast %swap3A_742 : vector<1x16xf32> to vector<16xf32>
      %swap3A_744 = vector.shape_cast %get3A_737 : vector<16xf32> to vector<1x16xf32>
      tpu.vector_store %arg7[%swap3A_740, %swap3A_741], %swap3A_744 {strides = array<i32>} : memref<512x64xf32, #tpu.memory_space<vmem>>, vector<1x16xf32>,
      %add3A_745 = arith.constant 3 : i32
      %add3A_746 = arith.addi %mul3A_272, %add3A_745 : i32
      %slice3A_747 = vector.extract_strided_slice %and3A_537 {offsets = [3], sizes = [1], strides = [1]} : vector<16xi32> to vector<1xi32>
      %squeeze3A_748 = vector.extract %slice3A_747[0] : i32 from vector<1xi32>
      %get3A_749 = arith.index_cast %add3A_746 : i32 to index
      %get3A_750 = arith.index_cast %squeeze3A_748 : i32 to index
      %get3A_751 = arith.constant 16 : index
      %get3A_752 = tpu.vector_load %arg6[%get3A_749, %get3A_750, %get3A_751] {strides = array<i32>} : memref<32x8x64xf32, #tpu.memory_space<vmem>>, vector<1x1x16xf32>,
      %get3A_753 = vector.shape_cast %get3A_752 : vector<1x1x16xf32> to vector<16xf32>
      %add3A_754 = arith.constant 3 : i32
      %add3A_755 = arith.addi %mul3A_269, %add3A_754 : i32
      %swap3A_756 = arith.index_cast %add3A_755 : i32 to index
      %swap3A_757 = arith.constant 16 : index
      %swap3A_758 = tpu.vector_load %arg7[%swap3A_756, %swap3A_757] {strides = array<i32>} : memref<512x64xf32, #tpu.memory_space<vmem>>, vector<1x16xf32>,
      %swap3A_759 = vector.shape_cast %swap3A_758 : vector<1x16xf32> to vector<16xf32>
      %swap3A_760 = vector.shape_cast %get3A_753 : vector<16xf32> to vector<1x16xf32>
      tpu.vector_store %arg7[%swap3A_756, %swap3A_757], %swap3A_760 {strides = array<i32>} : memref<512x64xf32, #tpu.memory_space<vmem>>, vector<1x16xf32>,
      %add3A_761 = arith.constant 3 : i32
      %add3A_762 = arith.addi %mul3A_272, %add3A_761 : i32
      %slice3A_763 = vector.extract_strided_slice %and3A_537 {offsets = [3], sizes = [1], strides = [1]} : vector<16xi32> to vector<1xi32>
      %squeeze3A_764 = vector.extract %slice3A_763[0] : i32 from vector<1xi32>
      %get3A_765 = arith.index_cast %add3A_762 : i32 to index
      %get3A_766 = arith.index_cast %squeeze3A_764 : i32 to index
      %get3A_767 = arith.constant 32 : index
      %get3A_768 = tpu.vector_load %arg6[%get3A_765, %get3A_766, %get3A_767] {strides = array<i32>} : memref<32x8x64xf32, #tpu.memory_space<vmem>>, vector<1x1x16xf32>,
      %get3A_769 = vector.shape_cast %get3A_768 : vector<1x1x16xf32> to vector<16xf32>
      %add3A_770 = arith.constant 3 : i32
      %add3A_771 = arith.addi %mul3A_269, %add3A_770 : i32
      %swap3A_772 = arith.index_cast %add3A_771 : i32 to index
      %swap3A_773 = arith.constant 32 : index
      %swap3A_774 = tpu.vector_load %arg7[%swap3A_772, %swap3A_773] {strides = array<i32>} : memref<512x64xf32, #tpu.memory_space<vmem>>, vector<1x16xf32>,
      %swap3A_775 = vector.shape_cast %swap3A_774 : vector<1x16xf32> to vector<16xf32>
      %swap3A_776 = vector.shape_cast %get3A_769 : vector<16xf32> to vector<1x16xf32>
      tpu.vector_store %arg7[%swap3A_772, %swap3A_773], %swap3A_776 {strides = array<i32>} : memref<512x64xf32, #tpu.memory_space<vmem>>, vector<1x16xf32>,
      %add3A_777 = arith.constant 3 : i32
      %add3A_778 = arith.addi %mul3A_272, %add3A_777 : i32
      %slice3A_779 = vector.extract_strided_slice %and3A_537 {offsets = [3], sizes = [1], strides = [1]} : vector<16xi32> to vector<1xi32>
      %squeeze3A_780 = vector.extract %slice3A_779[0] : i32 from vector<1xi32>
      %get3A_781 = arith.index_cast %add3A_778 : i32 to index
      %get3A_782 = arith.index_cast %squeeze3A_780 : i32 to index
      %get3A_783 = arith.constant 48 : index
      %get3A_784 = tpu.vector_load %arg6[%get3A_781, %get3A_782, %get3A_783] {strides = array<i32>} : memref<32x8x64xf32, #tpu.memory_space<vmem>>, vector<1x1x16xf32>,
      %get3A_785 = vector.shape_cast %get3A_784 : vector<1x1x16xf32> to vector<16xf32>
      %add3A_786 = arith.constant 3 : i32
      %add3A_787 = arith.addi %mul3A_269, %add3A_786 : i32
      %swap3A_788 = arith.index_cast %add3A_787 : i32 to index
      %swap3A_789 = arith.constant 48 : index
      %swap3A_790 = tpu.vector_load %arg7[%swap3A_788, %swap3A_789] {strides = array<i32>} : memref<512x64xf32, #tpu.memory_space<vmem>>, vector<1x16xf32>,
      %swap3A_791 = vector.shape_cast %swap3A_790 : vector<1x16xf32> to vector<16xf32>
      %swap3A_792 = vector.shape_cast %get3A_785 : vector<16xf32> to vector<1x16xf32>
      tpu.vector_store %arg7[%swap3A_788, %swap3A_789], %swap3A_792 {strides = array<i32>} : memref<512x64xf32, #tpu.memory_space<vmem>>, vector<1x16xf32>,
      %add3A_793 = arith.constant 4 : i32
      %add3A_794 = arith.addi %mul3A_272, %add3A_793 : i32
      %slice3A_795 = vector.extract_strided_slice %and3A_537 {offsets = [4], sizes = [1], strides = [1]} : vector<16xi32> to vector<1xi32>
      %squeeze3A_796 = vector.extract %slice3A_795[0] : i32 from vector<1xi32>
      %get3A_797 = arith.index_cast %add3A_794 : i32 to index
      %get3A_798 = arith.index_cast %squeeze3A_796 : i32 to index
      %get3A_799 = arith.constant 0 : index
      %get3A_800 = tpu.vector_load %arg6[%get3A_797, %get3A_798, %get3A_799] {strides = array<i32>} : memref<32x8x64xf32, #tpu.memory_space<vmem>>, vector<1x1x16xf32>,
      %get3A_801 = vector.shape_cast %get3A_800 : vector<1x1x16xf32> to vector<16xf32>
      %add3A_802 = arith.constant 4 : i32
      %add3A_803 = arith.addi %mul3A_269, %add3A_802 : i32
      %swap3A_804 = arith.index_cast %add3A_803 : i32 to index
      %swap3A_805 = arith.constant 0 : index
      %swap3A_806 = tpu.vector_load %arg7[%swap3A_804, %swap3A_805] {strides = array<i32>} : memref<512x64xf32, #tpu.memory_space<vmem>>, vector<1x16xf32>,
      %swap3A_807 = vector.shape_cast %swap3A_806 : vector<1x16xf32> to vector<16xf32>
      %swap3A_808 = vector.shape_cast %get3A_801 : vector<16xf32> to vector<1x16xf32>
      tpu.vector_store %arg7[%swap3A_804, %swap3A_805], %swap3A_808 {strides = array<i32>} : memref<512x64xf32, #tpu.memory_space<vmem>>, vector<1x16xf32>,
      %add3A_809 = arith.constant 4 : i32
      %add3A_810 = arith.addi %mul3A_272, %add3A_809 : i32
      %slice3A_811 = vector.extract_strided_slice %and3A_537 {offsets = [4], sizes = [1], strides = [1]} : vector<16xi32> to vector<1xi32>
      %squeeze3A_812 = vector.extract %slice3A_811[0] : i32 from vector<1xi32>
      %get3A_813 = arith.index_cast %add3A_810 : i32 to index
      %get3A_814 = arith.index_cast %squeeze3A_812 : i32 to index
      %get3A_815 = arith.constant 16 : index
      %get3A_816 = tpu.vector_load %arg6[%get3A_813, %get3A_814, %get3A_815] {strides = array<i32>} : memref<32x8x64xf32, #tpu.memory_space<vmem>>, vector<1x1x16xf32>,
      %get3A_817 = vector.shape_cast %get3A_816 : vector<1x1x16xf32> to vector<16xf32>
      %add3A_818 = arith.constant 4 : i32
      %add3A_819 = arith.addi %mul3A_269, %add3A_818 : i32
      %swap3A_820 = arith.index_cast %add3A_819 : i32 to index
      %swap3A_821 = arith.constant 16 : index
      %swap3A_822 = tpu.vector_load %arg7[%swap3A_820, %swap3A_821] {strides = array<i32>} : memref<512x64xf32, #tpu.memory_space<vmem>>, vector<1x16xf32>,
      %swap3A_823 = vector.shape_cast %swap3A_822 : vector<1x16xf32> to vector<16xf32>
      %swap3A_824 = vector.shape_cast %get3A_817 : vector<16xf32> to vector<1x16xf32>
      tpu.vector_store %arg7[%swap3A_820, %swap3A_821], %swap3A_824 {strides = array<i32>} : memref<512x64xf32, #tpu.memory_space<vmem>>, vector<1x16xf32>,
      %add3A_825 = arith.constant 4 : i32
      %add3A_826 = arith.addi %mul3A_272, %add3A_825 : i32
      %slice3A_827 = vector.extract_strided_slice %and3A_537 {offsets = [4], sizes = [1], strides = [1]} : vector<16xi32> to vector<1xi32>
      %squeeze3A_828 = vector.extract %slice3A_827[0] : i32 from vector<1xi32>
      %get3A_829 = arith.index_cast %add3A_826 : i32 to index
      %get3A_830 = arith.index_cast %squeeze3A_828 : i32 to index
      %get3A_831 = arith.constant 32 : index
      %get3A_832 = tpu.vector_load %arg6[%get3A_829, %get3A_830, %get3A_831] {strides = array<i32>} : memref<32x8x64xf32, #tpu.memory_space<vmem>>, vector<1x1x16xf32>,
      %get3A_833 = vector.shape_cast %get3A_832 : vector<1x1x16xf32> to vector<16xf32>
      %add3A_834 = arith.constant 4 : i32
      %add3A_835 = arith.addi %mul3A_269, %add3A_834 : i32
      %swap3A_836 = arith.index_cast %add3A_835 : i32 to index
      %swap3A_837 = arith.constant 32 : index
      %swap3A_838 = tpu.vector_load %arg7[%swap3A_836, %swap3A_837] {strides = array<i32>} : memref<512x64xf32, #tpu.memory_space<vmem>>, vector<1x16xf32>,
      %swap3A_839 = vector.shape_cast %swap3A_838 : vector<1x16xf32> to vector<16xf32>
      %swap3A_840 = vector.shape_cast %get3A_833 : vector<16xf32> to vector<1x16xf32>
      tpu.vector_store %arg7[%swap3A_836, %swap3A_837], %swap3A_840 {strides = array<i32>} : memref<512x64xf32, #tpu.memory_space<vmem>>, vector<1x16xf32>,
      %add3A_841 = arith.constant 4 : i32
      %add3A_842 = arith.addi %mul3A_272, %add3A_841 : i32
      %slice3A_843 = vector.extract_strided_slice %and3A_537 {offsets = [4], sizes = [1], strides = [1]} : vector<16xi32> to vector<1xi32>
      %squeeze3A_844 = vector.extract %slice3A_843[0] : i32 from vector<1xi32>
      %get3A_845 = arith.index_cast %add3A_842 : i32 to index
      %get3A_846 = arith.index_cast %squeeze3A_844 : i32 to index
      %get3A_847 = arith.constant 48 : index
      %get3A_848 = tpu.vector_load %arg6[%get3A_845, %get3A_846, %get3A_847] {strides = array<i32>} : memref<32x8x64xf32, #tpu.memory_space<vmem>>, vector<1x1x16xf32>,
      %get3A_849 = vector.shape_cast %get3A_848 : vector<1x1x16xf32> to vector<16xf32>
      %add3A_850 = arith.constant 4 : i32
      %add3A_851 = arith.addi %mul3A_269, %add3A_850 : i32
      %swap3A_852 = arith.index_cast %add3A_851 : i32 to index
      %swap3A_853 = arith.constant 48 : index
      %swap3A_854 = tpu.vector_load %arg7[%swap3A_852, %swap3A_853] {strides = array<i32>} : memref<512x64xf32, #tpu.memory_space<vmem>>, vector<1x16xf32>,
      %swap3A_855 = vector.shape_cast %swap3A_854 : vector<1x16xf32> to vector<16xf32>
      %swap3A_856 = vector.shape_cast %get3A_849 : vector<16xf32> to vector<1x16xf32>
      tpu.vector_store %arg7[%swap3A_852, %swap3A_853], %swap3A_856 {strides = array<i32>} : memref<512x64xf32, #tpu.memory_space<vmem>>, vector<1x16xf32>,
      %add3A_857 = arith.constant 5 : i32
      %add3A_858 = arith.addi %mul3A_272, %add3A_857 : i32
      %slice3A_859 = vector.extract_strided_slice %and3A_537 {offsets = [5], sizes = [1], strides = [1]} : vector<16xi32> to vector<1xi32>
      %squeeze3A_860 = vector.extract %slice3A_859[0] : i32 from vector<1xi32>
      %get3A_861 = arith.index_cast %add3A_858 : i32 to index
      %get3A_862 = arith.index_cast %squeeze3A_860 : i32 to index
      %get3A_863 = arith.constant 0 : index
      %get3A_864 = tpu.vector_load %arg6[%get3A_861, %get3A_862, %get3A_863] {strides = array<i32>} : memref<32x8x64xf32, #tpu.memory_space<vmem>>, vector<1x1x16xf32>,
      %get3A_865 = vector.shape_cast %get3A_864 : vector<1x1x16xf32> to vector<16xf32>
      %add3A_866 = arith.constant 5 : i32
      %add3A_867 = arith.addi %mul3A_269, %add3A_866 : i32
      %swap3A_868 = arith.index_cast %add3A_867 : i32 to index
      %swap3A_869 = arith.constant 0 : index
      %swap3A_870 = tpu.vector_load %arg7[%swap3A_868, %swap3A_869] {strides = array<i32>} : memref<512x64xf32, #tpu.memory_space<vmem>>, vector<1x16xf32>,
      %swap3A_871 = vector.shape_cast %swap3A_870 : vector<1x16xf32> to vector<16xf32>
      %swap3A_872 = vector.shape_cast %get3A_865 : vector<16xf32> to vector<1x16xf32>
      tpu.vector_store %arg7[%swap3A_868, %swap3A_869], %swap3A_872 {strides = array<i32>} : memref<512x64xf32, #tpu.memory_space<vmem>>, vector<1x16xf32>,
      %add3A_873 = arith.constant 5 : i32
      %add3A_874 = arith.addi %mul3A_272, %add3A_873 : i32
      %slice3A_875 = vector.extract_strided_slice %and3A_537 {offsets = [5], sizes = [1], strides = [1]} : vector<16xi32> to vector<1xi32>
      %squeeze3A_876 = vector.extract %slice3A_875[0] : i32 from vector<1xi32>
      %get3A_877 = arith.index_cast %add3A_874 : i32 to index
      %get3A_878 = arith.index_cast %squeeze3A_876 : i32 to index
      %get3A_879 = arith.constant 16 : index
      %get3A_880 = tpu.vector_load %arg6[%get3A_877, %get3A_878, %get3A_879] {strides = array<i32>} : memref<32x8x64xf32, #tpu.memory_space<vmem>>, vector<1x1x16xf32>,
      %get3A_881 = vector.shape_cast %get3A_880 : vector<1x1x16xf32> to vector<16xf32>
      %add3A_882 = arith.constant 5 : i32
      %add3A_883 = arith.addi %mul3A_269, %add3A_882 : i32
      %swap3A_884 = arith.index_cast %add3A_883 : i32 to index
      %swap3A_885 = arith.constant 16 : index
      %swap3A_886 = tpu.vector_load %arg7[%swap3A_884, %swap3A_885] {strides = array<i32>} : memref<512x64xf32, #tpu.memory_space<vmem>>, vector<1x16xf32>,
      %swap3A_887 = vector.shape_cast %swap3A_886 : vector<1x16xf32> to vector<16xf32>
      %swap3A_888 = vector.shape_cast %get3A_881 : vector<16xf32> to vector<1x16xf32>
      tpu.vector_store %arg7[%swap3A_884, %swap3A_885], %swap3A_888 {strides = array<i32>} : memref<512x64xf32, #tpu.memory_space<vmem>>, vector<1x16xf32>,
      %add3A_889 = arith.constant 5 : i32
      %add3A_890 = arith.addi %mul3A_272, %add3A_889 : i32
      %slice3A_891 = vector.extract_strided_slice %and3A_537 {offsets = [5], sizes = [1], strides = [1]} : vector<16xi32> to vector<1xi32>
      %squeeze3A_892 = vector.extract %slice3A_891[0] : i32 from vector<1xi32>
      %get3A_893 = arith.index_cast %add3A_890 : i32 to index
      %get3A_894 = arith.index_cast %squeeze3A_892 : i32 to index
      %get3A_895 = arith.constant 32 : index
      %get3A_896 = tpu.vector_load %arg6[%get3A_893, %get3A_894, %get3A_895] {strides = array<i32>} : memref<32x8x64xf32, #tpu.memory_space<vmem>>, vector<1x1x16xf32>,
      %get3A_897 = vector.shape_cast %get3A_896 : vector<1x1x16xf32> to vector<16xf32>
      %add3A_898 = arith.constant 5 : i32
      %add3A_899 = arith.addi %mul3A_269, %add3A_898 : i32
      %swap3A_900 = arith.index_cast %add3A_899 : i32 to index
      %swap3A_901 = arith.constant 32 : index
      %swap3A_902 = tpu.vector_load %arg7[%swap3A_900, %swap3A_901] {strides = array<i32>} : memref<512x64xf32, #tpu.memory_space<vmem>>, vector<1x16xf32>,
      %swap3A_903 = vector.shape_cast %swap3A_902 : vector<1x16xf32> to vector<16xf32>
      %swap3A_904 = vector.shape_cast %get3A_897 : vector<16xf32> to vector<1x16xf32>
      tpu.vector_store %arg7[%swap3A_900, %swap3A_901], %swap3A_904 {strides = array<i32>} : memref<512x64xf32, #tpu.memory_space<vmem>>, vector<1x16xf32>,
      %add3A_905 = arith.constant 5 : i32
      %add3A_906 = arith.addi %mul3A_272, %add3A_905 : i32
      %slice3A_907 = vector.extract_strided_slice %and3A_537 {offsets = [5], sizes = [1], strides = [1]} : vector<16xi32> to vector<1xi32>
      %squeeze3A_908 = vector.extract %slice3A_907[0] : i32 from vector<1xi32>
      %get3A_909 = arith.index_cast %add3A_906 : i32 to index
      %get3A_910 = arith.index_cast %squeeze3A_908 : i32 to index
      %get3A_911 = arith.constant 48 : index
      %get3A_912 = tpu.vector_load %arg6[%get3A_909, %get3A_910, %get3A_911] {strides = array<i32>} : memref<32x8x64xf32, #tpu.memory_space<vmem>>, vector<1x1x16xf32>,
      %get3A_913 = vector.shape_cast %get3A_912 : vector<1x1x16xf32> to vector<16xf32>
      %add3A_914 = arith.constant 5 : i32
      %add3A_915 = arith.addi %mul3A_269, %add3A_914 : i32
      %swap3A_916 = arith.index_cast %add3A_915 : i32 to index
      %swap3A_917 = arith.constant 48 : index
      %swap3A_918 = tpu.vector_load %arg7[%swap3A_916, %swap3A_917] {strides = array<i32>} : memref<512x64xf32, #tpu.memory_space<vmem>>, vector<1x16xf32>,
      %swap3A_919 = vector.shape_cast %swap3A_918 : vector<1x16xf32> to vector<16xf32>
      %swap3A_920 = vector.shape_cast %get3A_913 : vector<16xf32> to vector<1x16xf32>
      tpu.vector_store %arg7[%swap3A_916, %swap3A_917], %swap3A_920 {strides = array<i32>} : memref<512x64xf32, #tpu.memory_space<vmem>>, vector<1x16xf32>,
      %add3A_921 = arith.constant 6 : i32
      %add3A_922 = arith.addi %mul3A_272, %add3A_921 : i32
      %slice3A_923 = vector.extract_strided_slice %and3A_537 {offsets = [6], sizes = [1], strides = [1]} : vector<16xi32> to vector<1xi32>
      %squeeze3A_924 = vector.extract %slice3A_923[0] : i32 from vector<1xi32>
      %get3A_925 = arith.index_cast %add3A_922 : i32 to index
      %get3A_926 = arith.index_cast %squeeze3A_924 : i32 to index
      %get3A_927 = arith.constant 0 : index
      %get3A_928 = tpu.vector_load %arg6[%get3A_925, %get3A_926, %get3A_927] {strides = array<i32>} : memref<32x8x64xf32, #tpu.memory_space<vmem>>, vector<1x1x16xf32>,
      %get3A_929 = vector.shape_cast %get3A_928 : vector<1x1x16xf32> to vector<16xf32>
      %add3A_930 = arith.constant 6 : i32
      %add3A_931 = arith.addi %mul3A_269, %add3A_930 : i32
      %swap3A_932 = arith.index_cast %add3A_931 : i32 to index
      %swap3A_933 = arith.constant 0 : index
      %swap3A_934 = tpu.vector_load %arg7[%swap3A_932, %swap3A_933] {strides = array<i32>} : memref<512x64xf32, #tpu.memory_space<vmem>>, vector<1x16xf32>,
      %swap3A_935 = vector.shape_cast %swap3A_934 : vector<1x16xf32> to vector<16xf32>
      %swap3A_936 = vector.shape_cast %get3A_929 : vector<16xf32> to vector<1x16xf32>
      tpu.vector_store %arg7[%swap3A_932, %swap3A_933], %swap3A_936 {strides = array<i32>} : memref<512x64xf32, #tpu.memory_space<vmem>>, vector<1x16xf32>,
      %add3A_937 = arith.constant 6 : i32
      %add3A_938 = arith.addi %mul3A_272, %add3A_937 : i32
      %slice3A_939 = vector.extract_strided_slice %and3A_537 {offsets = [6], sizes = [1], strides = [1]} : vector<16xi32> to vector<1xi32>
      %squeeze3A_940 = vector.extract %slice3A_939[0] : i32 from vector<1xi32>
      %get3A_941 = arith.index_cast %add3A_938 : i32 to index
      %get3A_942 = arith.index_cast %squeeze3A_940 : i32 to index
      %get3A_943 = arith.constant 16 : index
      %get3A_944 = tpu.vector_load %arg6[%get3A_941, %get3A_942, %get3A_943] {strides = array<i32>} : memref<32x8x64xf32, #tpu.memory_space<vmem>>, vector<1x1x16xf32>,
      %get3A_945 = vector.shape_cast %get3A_944 : vector<1x1x16xf32> to vector<16xf32>
      %add3A_946 = arith.constant 6 : i32
      %add3A_947 = arith.addi %mul3A_269, %add3A_946 : i32
      %swap3A_948 = arith.index_cast %add3A_947 : i32 to index
      %swap3A_949 = arith.constant 16 : index
      %swap3A_950 = tpu.vector_load %arg7[%swap3A_948, %swap3A_949] {strides = array<i32>} : memref<512x64xf32, #tpu.memory_space<vmem>>, vector<1x16xf32>,
      %swap3A_951 = vector.shape_cast %swap3A_950 : vector<1x16xf32> to vector<16xf32>
      %swap3A_952 = vector.shape_cast %get3A_945 : vector<16xf32> to vector<1x16xf32>
      tpu.vector_store %arg7[%swap3A_948, %swap3A_949], %swap3A_952 {strides = array<i32>} : memref<512x64xf32, #tpu.memory_space<vmem>>, vector<1x16xf32>,
      %add3A_953 = arith.constant 6 : i32
      %add3A_954 = arith.addi %mul3A_272, %add3A_953 : i32
      %slice3A_955 = vector.extract_strided_slice %and3A_537 {offsets = [6], sizes = [1], strides = [1]} : vector<16xi32> to vector<1xi32>
      %squeeze3A_956 = vector.extract %slice3A_955[0] : i32 from vector<1xi32>
      %get3A_957 = arith.index_cast %add3A_954 : i32 to index
      %get3A_958 = arith.index_cast %squeeze3A_956 : i32 to index
      %get3A_959 = arith.constant 32 : index
      %get3A_960 = tpu.vector_load %arg6[%get3A_957, %get3A_958, %get3A_959] {strides = array<i32>} : memref<32x8x64xf32, #tpu.memory_space<vmem>>, vector<1x1x16xf32>,
      %get3A_961 = vector.shape_cast %get3A_960 : vector<1x1x16xf32> to vector<16xf32>
      %add3A_962 = arith.constant 6 : i32
      %add3A_963 = arith.addi %mul3A_269, %add3A_962 : i32
      %swap3A_964 = arith.index_cast %add3A_963 : i32 to index
      %swap3A_965 = arith.constant 32 : index
      %swap3A_966 = tpu.vector_load %arg7[%swap3A_964, %swap3A_965] {strides = array<i32>} : memref<512x64xf32, #tpu.memory_space<vmem>>, vector<1x16xf32>,
      %swap3A_967 = vector.shape_cast %swap3A_966 : vector<1x16xf32> to vector<16xf32>
      %swap3A_968 = vector.shape_cast %get3A_961 : vector<16xf32> to vector<1x16xf32>
      tpu.vector_store %arg7[%swap3A_964, %swap3A_965], %swap3A_968 {strides = array<i32>} : memref<512x64xf32, #tpu.memory_space<vmem>>, vector<1x16xf32>,
      %add3A_969 = arith.constant 6 : i32
      %add3A_970 = arith.addi %mul3A_272, %add3A_969 : i32
      %slice3A_971 = vector.extract_strided_slice %and3A_537 {offsets = [6], sizes = [1], strides = [1]} : vector<16xi32> to vector<1xi32>
      %squeeze3A_972 = vector.extract %slice3A_971[0] : i32 from vector<1xi32>
      %get3A_973 = arith.index_cast %add3A_970 : i32 to index
      %get3A_974 = arith.index_cast %squeeze3A_972 : i32 to index
      %get3A_975 = arith.constant 48 : index
      %get3A_976 = tpu.vector_load %arg6[%get3A_973, %get3A_974, %get3A_975] {strides = array<i32>} : memref<32x8x64xf32, #tpu.memory_space<vmem>>, vector<1x1x16xf32>,
      %get3A_977 = vector.shape_cast %get3A_976 : vector<1x1x16xf32> to vector<16xf32>
      %add3A_978 = arith.constant 6 : i32
      %add3A_979 = arith.addi %mul3A_269, %add3A_978 : i32
      %swap3A_980 = arith.index_cast %add3A_979 : i32 to index
      %swap3A_981 = arith.constant 48 : index
      %swap3A_982 = tpu.vector_load %arg7[%swap3A_980, %swap3A_981] {strides = array<i32>} : memref<512x64xf32, #tpu.memory_space<vmem>>, vector<1x16xf32>,
      %swap3A_983 = vector.shape_cast %swap3A_982 : vector<1x16xf32> to vector<16xf32>
      %swap3A_984 = vector.shape_cast %get3A_977 : vector<16xf32> to vector<1x16xf32>
      tpu.vector_store %arg7[%swap3A_980, %swap3A_981], %swap3A_984 {strides = array<i32>} : memref<512x64xf32, #tpu.memory_space<vmem>>, vector<1x16xf32>,
      %add3A_985 = arith.constant 7 : i32
      %add3A_986 = arith.addi %mul3A_272, %add3A_985 : i32
      %slice3A_987 = vector.extract_strided_slice %and3A_537 {offsets = [7], sizes = [1], strides = [1]} : vector<16xi32> to vector<1xi32>
      %squeeze3A_988 = vector.extract %slice3A_987[0] : i32 from vector<1xi32>
      %get3A_989 = arith.index_cast %add3A_986 : i32 to index
      %get3A_990 = arith.index_cast %squeeze3A_988 : i32 to index
      %get3A_991 = arith.constant 0 : index
      %get3A_992 = tpu.vector_load %arg6[%get3A_989, %get3A_990, %get3A_991] {strides = array<i32>} : memref<32x8x64xf32, #tpu.memory_space<vmem>>, vector<1x1x16xf32>,
      %get3A_993 = vector.shape_cast %get3A_992 : vector<1x1x16xf32> to vector<16xf32>
      %add3A_994 = arith.constant 7 : i32
      %add3A_995 = arith.addi %mul3A_269, %add3A_994 : i32
      %swap3A_996 = arith.index_cast %add3A_995 : i32 to index
      %swap3A_997 = arith.constant 0 : index
      %swap3A_998 = tpu.vector_load %arg7[%swap3A_996, %swap3A_997] {strides = array<i32>} : memref<512x64xf32, #tpu.memory_space<vmem>>, vector<1x16xf32>,
      %swap3A_999 = vector.shape_cast %swap3A_998 : vector<1x16xf32> to vector<16xf32>
      %swap3A_1000 = vector.shape_cast %get3A_993 : vector<16xf32> to vector<1x16xf32>
      tpu.vector_store %arg7[%swap3A_996, %swap3A_997], %swap3A_1000 {strides = array<i32>} : memref<512x64xf32, #tpu.memory_space<vmem>>, vector<1x16xf32>,
      %add3A_1001 = arith.constant 7 : i32
      %add3A_1002 = arith.addi %mul3A_272, %add3A_1001 : i32
      %slice3A_1003 = vector.extract_strided_slice %and3A_537 {offsets = [7], sizes = [1], strides = [1]} : vector<16xi32> to vector<1xi32>
      %squeeze3A_1004 = vector.extract %slice3A_1003[0] : i32 from vector<1xi32>
      %get3A_1005 = arith.index_cast %add3A_1002 : i32 to index
      %get3A_1006 = arith.index_cast %squeeze3A_1004 : i32 to index
      %get3A_1007 = arith.constant 16 : index
      %get3A_1008 = tpu.vector_load %arg6[%get3A_1005, %get3A_1006, %get3A_1007] {strides = array<i32>} : memref<32x8x64xf32, #tpu.memory_space<vmem>>, vector<1x1x16xf32>,
      %get3A_1009 = vector.shape_cast %get3A_1008 : vector<1x1x16xf32> to vector<16xf32>
      %add3A_1010 = arith.constant 7 : i32
      %add3A_1011 = arith.addi %mul3A_269, %add3A_1010 : i32
      %swap3A_1012 = arith.index_cast %add3A_1011 : i32 to index
      %swap3A_1013 = arith.constant 16 : index
      %swap3A_1014 = tpu.vector_load %arg7[%swap3A_1012, %swap3A_1013] {strides = array<i32>} : memref<512x64xf32, #tpu.memory_space<vmem>>, vector<1x16xf32>,
      %swap3A_1015 = vector.shape_cast %swap3A_1014 : vector<1x16xf32> to vector<16xf32>
      %swap3A_1016 = vector.shape_cast %get3A_1009 : vector<16xf32> to vector<1x16xf32>
      tpu.vector_store %arg7[%swap3A_1012, %swap3A_1013], %swap3A_1016 {strides = array<i32>} : memref<512x64xf32, #tpu.memory_space<vmem>>, vector<1x16xf32>,
      %add3A_1017 = arith.constant 7 : i32
      %add3A_1018 = arith.addi %mul3A_272, %add3A_1017 : i32
      %slice3A_1019 = vector.extract_strided_slice %and3A_537 {offsets = [7], sizes = [1], strides = [1]} : vector<16xi32> to vector<1xi32>
      %squeeze3A_1020 = vector.extract %slice3A_1019[0] : i32 from vector<1xi32>
      %get3A_1021 = arith.index_cast %add3A_1018 : i32 to index
      %get3A_1022 = arith.index_cast %squeeze3A_1020 : i32 to index
      %get3A_1023 = arith.constant 32 : index
      %get3A_1024 = tpu.vector_load %arg6[%get3A_1021, %get3A_1022, %get3A_1023] {strides = array<i32>} : memref<32x8x64xf32, #tpu.memory_space<vmem>>, vector<1x1x16xf32>,
      %get3A_1025 = vector.shape_cast %get3A_1024 : vector<1x1x16xf32> to vector<16xf32>
      %add3A_1026 = arith.constant 7 : i32
      %add3A_1027 = arith.addi %mul3A_269, %add3A_1026 : i32
      %swap3A_1028 = arith.index_cast %add3A_1027 : i32 to index
      %swap3A_1029 = arith.constant 32 : index
      %swap3A_1030 = tpu.vector_load %arg7[%swap3A_1028, %swap3A_1029] {strides = array<i32>} : memref<512x64xf32, #tpu.memory_space<vmem>>, vector<1x16xf32>,
      %swap3A_1031 = vector.shape_cast %swap3A_1030 : vector<1x16xf32> to vector<16xf32>
      %swap3A_1032 = vector.shape_cast %get3A_1025 : vector<16xf32> to vector<1x16xf32>
      tpu.vector_store %arg7[%swap3A_1028, %swap3A_1029], %swap3A_1032 {strides = array<i32>} : memref<512x64xf32, #tpu.memory_space<vmem>>, vector<1x16xf32>,
      %add3A_1033 = arith.constant 7 : i32
      %add3A_1034 = arith.addi %mul3A_272, %add3A_1033 : i32
      %slice3A_1035 = vector.extract_strided_slice %and3A_537 {offsets = [7], sizes = [1], strides = [1]} : vector<16xi32> to vector<1xi32>
      %squeeze3A_1036 = vector.extract %slice3A_1035[0] : i32 from vector<1xi32>
      %get3A_1037 = arith.index_cast %add3A_1034 : i32 to index
      %get3A_1038 = arith.index_cast %squeeze3A_1036 : i32 to index
      %get3A_1039 = arith.constant 48 : index
      %get3A_1040 = tpu.vector_load %arg6[%get3A_1037, %get3A_1038, %get3A_1039] {strides = array<i32>} : memref<32x8x64xf32, #tpu.memory_space<vmem>>, vector<1x1x16xf32>,
      %get3A_1041 = vector.shape_cast %get3A_1040 : vector<1x1x16xf32> to vector<16xf32>
      %add3A_1042 = arith.constant 7 : i32
      %add3A_1043 = arith.addi %mul3A_269, %add3A_1042 : i32
      %swap3A_1044 = arith.index_cast %add3A_1043 : i32 to index
      %swap3A_1045 = arith.constant 48 : index
      %swap3A_1046 = tpu.vector_load %arg7[%swap3A_1044, %swap3A_1045] {strides = array<i32>} : memref<512x64xf32, #tpu.memory_space<vmem>>, vector<1x16xf32>,
      %swap3A_1047 = vector.shape_cast %swap3A_1046 : vector<1x16xf32> to vector<16xf32>
      %swap3A_1048 = vector.shape_cast %get3A_1041 : vector<16xf32> to vector<1x16xf32>
      tpu.vector_store %arg7[%swap3A_1044, %swap3A_1045], %swap3A_1048 {strides = array<i32>} : memref<512x64xf32, #tpu.memory_space<vmem>>, vector<1x16xf32>,
      %add3A_1049 = arith.constant 8 : i32
      %add3A_1050 = arith.addi %mul3A_272, %add3A_1049 : i32
      %slice3A_1051 = vector.extract_strided_slice %and3A_537 {offsets = [8], sizes = [1], strides = [1]} : vector<16xi32> to vector<1xi32>
      %squeeze3A_1052 = vector.extract %slice3A_1051[0] : i32 from vector<1xi32>
      %get3A_1053 = arith.index_cast %add3A_1050 : i32 to index
      %get3A_1054 = arith.index_cast %squeeze3A_1052 : i32 to index
      %get3A_1055 = arith.constant 0 : index
      %get3A_1056 = tpu.vector_load %arg6[%get3A_1053, %get3A_1054, %get3A_1055] {strides = array<i32>} : memref<32x8x64xf32, #tpu.memory_space<vmem>>, vector<1x1x16xf32>,
      %get3A_1057 = vector.shape_cast %get3A_1056 : vector<1x1x16xf32> to vector<16xf32>
      %add3A_1058 = arith.constant 8 : i32
      %add3A_1059 = arith.addi %mul3A_269, %add3A_1058 : i32
      %swap3A_1060 = arith.index_cast %add3A_1059 : i32 to index
      %swap3A_1061 = arith.constant 0 : index
      %swap3A_1062 = tpu.vector_load %arg7[%swap3A_1060, %swap3A_1061] {strides = array<i32>} : memref<512x64xf32, #tpu.memory_space<vmem>>, vector<1x16xf32>,
      %swap3A_1063 = vector.shape_cast %swap3A_1062 : vector<1x16xf32> to vector<16xf32>
      %swap3A_1064 = vector.shape_cast %get3A_1057 : vector<16xf32> to vector<1x16xf32>
      tpu.vector_store %arg7[%swap3A_1060, %swap3A_1061], %swap3A_1064 {strides = array<i32>} : memref<512x64xf32, #tpu.memory_space<vmem>>, vector<1x16xf32>,
      %add3A_1065 = arith.constant 8 : i32
      %add3A_1066 = arith.addi %mul3A_272, %add3A_1065 : i32
      %slice3A_1067 = vector.extract_strided_slice %and3A_537 {offsets = [8], sizes = [1], strides = [1]} : vector<16xi32> to vector<1xi32>
      %squeeze3A_1068 = vector.extract %slice3A_1067[0] : i32 from vector<1xi32>
      %get3A_1069 = arith.index_cast %add3A_1066 : i32 to index
      %get3A_1070 = arith.index_cast %squeeze3A_1068 : i32 to index
      %get3A_1071 = arith.constant 16 : index
      %get3A_1072 = tpu.vector_load %arg6[%get3A_1069, %get3A_1070, %get3A_1071] {strides = array<i32>} : memref<32x8x64xf32, #tpu.memory_space<vmem>>, vector<1x1x16xf32>,
      %get3A_1073 = vector.shape_cast %get3A_1072 : vector<1x1x16xf32> to vector<16xf32>
      %add3A_1074 = arith.constant 8 : i32
      %add3A_1075 = arith.addi %mul3A_269, %add3A_1074 : i32
      %swap3A_1076 = arith.index_cast %add3A_1075 : i32 to index
      %swap3A_1077 = arith.constant 16 : index
      %swap3A_1078 = tpu.vector_load %arg7[%swap3A_1076, %swap3A_1077] {strides = array<i32>} : memref<512x64xf32, #tpu.memory_space<vmem>>, vector<1x16xf32>,
      %swap3A_1079 = vector.shape_cast %swap3A_1078 : vector<1x16xf32> to vector<16xf32>
      %swap3A_1080 = vector.shape_cast %get3A_1073 : vector<16xf32> to vector<1x16xf32>
      tpu.vector_store %arg7[%swap3A_1076, %swap3A_1077], %swap3A_1080 {strides = array<i32>} : memref<512x64xf32, #tpu.memory_space<vmem>>, vector<1x16xf32>,
      %add3A_1081 = arith.constant 8 : i32
      %add3A_1082 = arith.addi %mul3A_272, %add3A_1081 : i32
      %slice3A_1083 = vector.extract_strided_slice %and3A_537 {offsets = [8], sizes = [1], strides = [1]} : vector<16xi32> to vector<1xi32>
      %squeeze3A_1084 = vector.extract %slice3A_1083[0] : i32 from vector<1xi32>
      %get3A_1085 = arith.index_cast %add3A_1082 : i32 to index
      %get3A_1086 = arith.index_cast %squeeze3A_1084 : i32 to index
      %get3A_1087 = arith.constant 32 : index
      %get3A_1088 = tpu.vector_load %arg6[%get3A_1085, %get3A_1086, %get3A_1087] {strides = array<i32>} : memref<32x8x64xf32, #tpu.memory_space<vmem>>, vector<1x1x16xf32>,
      %get3A_1089 = vector.shape_cast %get3A_1088 : vector<1x1x16xf32> to vector<16xf32>
      %add3A_1090 = arith.constant 8 : i32
      %add3A_1091 = arith.addi %mul3A_269, %add3A_1090 : i32
      %swap3A_1092 = arith.index_cast %add3A_1091 : i32 to index
      %swap3A_1093 = arith.constant 32 : index
      %swap3A_1094 = tpu.vector_load %arg7[%swap3A_1092, %swap3A_1093] {strides = array<i32>} : memref<512x64xf32, #tpu.memory_space<vmem>>, vector<1x16xf32>,
      %swap3A_1095 = vector.shape_cast %swap3A_1094 : vector<1x16xf32> to vector<16xf32>
      %swap3A_1096 = vector.shape_cast %get3A_1089 : vector<16xf32> to vector<1x16xf32>
      tpu.vector_store %arg7[%swap3A_1092, %swap3A_1093], %swap3A_1096 {strides = array<i32>} : memref<512x64xf32, #tpu.memory_space<vmem>>, vector<1x16xf32>,
      %add3A_1097 = arith.constant 8 : i32
      %add3A_1098 = arith.addi %mul3A_272, %add3A_1097 : i32
      %slice3A_1099 = vector.extract_strided_slice %and3A_537 {offsets = [8], sizes = [1], strides = [1]} : vector<16xi32> to vector<1xi32>
      %squeeze3A_1100 = vector.extract %slice3A_1099[0] : i32 from vector<1xi32>
      %get3A_1101 = arith.index_cast %add3A_1098 : i32 to index
      %get3A_1102 = arith.index_cast %squeeze3A_1100 : i32 to index
      %get3A_1103 = arith.constant 48 : index
      %get3A_1104 = tpu.vector_load %arg6[%get3A_1101, %get3A_1102, %get3A_1103] {strides = array<i32>} : memref<32x8x64xf32, #tpu.memory_space<vmem>>, vector<1x1x16xf32>,
      %get3A_1105 = vector.shape_cast %get3A_1104 : vector<1x1x16xf32> to vector<16xf32>
      %add3A_1106 = arith.constant 8 : i32
      %add3A_1107 = arith.addi %mul3A_269, %add3A_1106 : i32
      %swap3A_1108 = arith.index_cast %add3A_1107 : i32 to index
      %swap3A_1109 = arith.constant 48 : index
      %swap3A_1110 = tpu.vector_load %arg7[%swap3A_1108, %swap3A_1109] {strides = array<i32>} : memref<512x64xf32, #tpu.memory_space<vmem>>, vector<1x16xf32>,
      %swap3A_1111 = vector.shape_cast %swap3A_1110 : vector<1x16xf32> to vector<16xf32>
      %swap3A_1112 = vector.shape_cast %get3A_1105 : vector<16xf32> to vector<1x16xf32>
      tpu.vector_store %arg7[%swap3A_1108, %swap3A_1109], %swap3A_1112 {strides = array<i32>} : memref<512x64xf32, #tpu.memory_space<vmem>>, vector<1x16xf32>,
      %add3A_1113 = arith.constant 9 : i32
      %add3A_1114 = arith.addi %mul3A_272, %add3A_1113 : i32
      %slice3A_1115 = vector.extract_strided_slice %and3A_537 {offsets = [9], sizes = [1], strides = [1]} : vector<16xi32> to vector<1xi32>
      %squeeze3A_1116 = vector.extract %slice3A_1115[0] : i32 from vector<1xi32>
      %get3A_1117 = arith.index_cast %add3A_1114 : i32 to index
      %get3A_1118 = arith.index_cast %squeeze3A_1116 : i32 to index
      %get3A_1119 = arith.constant 0 : index
      %get3A_1120 = tpu.vector_load %arg6[%get3A_1117, %get3A_1118, %get3A_1119] {strides = array<i32>} : memref<32x8x64xf32, #tpu.memory_space<vmem>>, vector<1x1x16xf32>,
      %get3A_1121 = vector.shape_cast %get3A_1120 : vector<1x1x16xf32> to vector<16xf32>
      %add3A_1122 = arith.constant 9 : i32
      %add3A_1123 = arith.addi %mul3A_269, %add3A_1122 : i32
      %swap3A_1124 = arith.index_cast %add3A_1123 : i32 to index
      %swap3A_1125 = arith.constant 0 : index
      %swap3A_1126 = tpu.vector_load %arg7[%swap3A_1124, %swap3A_1125] {strides = array<i32>} : memref<512x64xf32, #tpu.memory_space<vmem>>, vector<1x16xf32>,
      %swap3A_1127 = vector.shape_cast %swap3A_1126 : vector<1x16xf32> to vector<16xf32>
      %swap3A_1128 = vector.shape_cast %get3A_1121 : vector<16xf32> to vector<1x16xf32>
      tpu.vector_store %arg7[%swap3A_1124, %swap3A_1125], %swap3A_1128 {strides = array<i32>} : memref<512x64xf32, #tpu.memory_space<vmem>>, vector<1x16xf32>,
      %add3A_1129 = arith.constant 9 : i32
      %add3A_1130 = arith.addi %mul3A_272, %add3A_1129 : i32
      %slice3A_1131 = vector.extract_strided_slice %and3A_537 {offsets = [9], sizes = [1], strides = [1]} : vector<16xi32> to vector<1xi32>
      %squeeze3A_1132 = vector.extract %slice3A_1131[0] : i32 from vector<1xi32>
      %get3A_1133 = arith.index_cast %add3A_1130 : i32 to index
      %get3A_1134 = arith.index_cast %squeeze3A_1132 : i32 to index
      %get3A_1135 = arith.constant 16 : index
      %get3A_1136 = tpu.vector_load %arg6[%get3A_1133, %get3A_1134, %get3A_1135] {strides = array<i32>} : memref<32x8x64xf32, #tpu.memory_space<vmem>>, vector<1x1x16xf32>,
      %get3A_1137 = vector.shape_cast %get3A_1136 : vector<1x1x16xf32> to vector<16xf32>
      %add3A_1138 = arith.constant 9 : i32
      %add3A_1139 = arith.addi %mul3A_269, %add3A_1138 : i32
      %swap3A_1140 = arith.index_cast %add3A_1139 : i32 to index
      %swap3A_1141 = arith.constant 16 : index
      %swap3A_1142 = tpu.vector_load %arg7[%swap3A_1140, %swap3A_1141] {strides = array<i32>} : memref<512x64xf32, #tpu.memory_space<vmem>>, vector<1x16xf32>,
      %swap3A_1143 = vector.shape_cast %swap3A_1142 : vector<1x16xf32> to vector<16xf32>
      %swap3A_1144 = vector.shape_cast %get3A_1137 : vector<16xf32> to vector<1x16xf32>
      tpu.vector_store %arg7[%swap3A_1140, %swap3A_1141], %swap3A_1144 {strides = array<i32>} : memref<512x64xf32, #tpu.memory_space<vmem>>, vector<1x16xf32>,
      %add3A_1145 = arith.constant 9 : i32
      %add3A_1146 = arith.addi %mul3A_272, %add3A_1145 : i32
      %slice3A_1147 = vector.extract_strided_slice %and3A_537 {offsets = [9], sizes = [1], strides = [1]} : vector<16xi32> to vector<1xi32>
      %squeeze3A_1148 = vector.extract %slice3A_1147[0] : i32 from vector<1xi32>
      %get3A_1149 = arith.index_cast %add3A_1146 : i32 to index
      %get3A_1150 = arith.index_cast %squeeze3A_1148 : i32 to index
      %get3A_1151 = arith.constant 32 : index
      %get3A_1152 = tpu.vector_load %arg6[%get3A_1149, %get3A_1150, %get3A_1151] {strides = array<i32>} : memref<32x8x64xf32, #tpu.memory_space<vmem>>, vector<1x1x16xf32>,
      %get3A_1153 = vector.shape_cast %get3A_1152 : vector<1x1x16xf32> to vector<16xf32>
      %add3A_1154 = arith.constant 9 : i32
      %add3A_1155 = arith.addi %mul3A_269, %add3A_1154 : i32
      %swap3A_1156 = arith.index_cast %add3A_1155 : i32 to index
      %swap3A_1157 = arith.constant 32 : index
      %swap3A_1158 = tpu.vector_load %arg7[%swap3A_1156, %swap3A_1157] {strides = array<i32>} : memref<512x64xf32, #tpu.memory_space<vmem>>, vector<1x16xf32>,
      %swap3A_1159 = vector.shape_cast %swap3A_1158 : vector<1x16xf32> to vector<16xf32>
      %swap3A_1160 = vector.shape_cast %get3A_1153 : vector<16xf32> to vector<1x16xf32>
      tpu.vector_store %arg7[%swap3A_1156, %swap3A_1157], %swap3A_1160 {strides = array<i32>} : memref<512x64xf32, #tpu.memory_space<vmem>>, vector<1x16xf32>,
      %add3A_1161 = arith.constant 9 : i32
      %add3A_1162 = arith.addi %mul3A_272, %add3A_1161 : i32
      %slice3A_1163 = vector.extract_strided_slice %and3A_537 {offsets = [9], sizes = [1], strides = [1]} : vector<16xi32> to vector<1xi32>
      %squeeze3A_1164 = vector.extract %slice3A_1163[0] : i32 from vector<1xi32>
      %get3A_1165 = arith.index_cast %add3A_1162 : i32 to index
      %get3A_1166 = arith.index_cast %squeeze3A_1164 : i32 to index
      %get3A_1167 = arith.constant 48 : index
      %get3A_1168 = tpu.vector_load %arg6[%get3A_1165, %get3A_1166, %get3A_1167] {strides = array<i32>} : memref<32x8x64xf32, #tpu.memory_space<vmem>>, vector<1x1x16xf32>,
      %get3A_1169 = vector.shape_cast %get3A_1168 : vector<1x1x16xf32> to vector<16xf32>
      %add3A_1170 = arith.constant 9 : i32
      %add3A_1171 = arith.addi %mul3A_269, %add3A_1170 : i32
      %swap3A_1172 = arith.index_cast %add3A_1171 : i32 to index
      %swap3A_1173 = arith.constant 48 : index
      %swap3A_1174 = tpu.vector_load %arg7[%swap3A_1172, %swap3A_1173] {strides = array<i32>} : memref<512x64xf32, #tpu.memory_space<vmem>>, vector<1x16xf32>,
      %swap3A_1175 = vector.shape_cast %swap3A_1174 : vector<1x16xf32> to vector<16xf32>
      %swap3A_1176 = vector.shape_cast %get3A_1169 : vector<16xf32> to vector<1x16xf32>
      tpu.vector_store %arg7[%swap3A_1172, %swap3A_1173], %swap3A_1176 {strides = array<i32>} : memref<512x64xf32, #tpu.memory_space<vmem>>, vector<1x16xf32>,
      %add3A_1177 = arith.constant 10 : i32
      %add3A_1178 = arith.addi %mul3A_272, %add3A_1177 : i32
      %slice3A_1179 = vector.extract_strided_slice %and3A_537 {offsets = [10], sizes = [1], strides = [1]} : vector<16xi32> to vector<1xi32>
      %squeeze3A_1180 = vector.extract %slice3A_1179[0] : i32 from vector<1xi32>
      %get3A_1181 = arith.index_cast %add3A_1178 : i32 to index
      %get3A_1182 = arith.index_cast %squeeze3A_1180 : i32 to index
      %get3A_1183 = arith.constant 0 : index
      %get3A_1184 = tpu.vector_load %arg6[%get3A_1181, %get3A_1182, %get3A_1183] {strides = array<i32>} : memref<32x8x64xf32, #tpu.memory_space<vmem>>, vector<1x1x16xf32>,
      %get3A_1185 = vector.shape_cast %get3A_1184 : vector<1x1x16xf32> to vector<16xf32>
      %add3A_1186 = arith.constant 10 : i32
      %add3A_1187 = arith.addi %mul3A_269, %add3A_1186 : i32
      %swap3A_1188 = arith.index_cast %add3A_1187 : i32 to index
      %swap3A_1189 = arith.constant 0 : index
      %swap3A_1190 = tpu.vector_load %arg7[%swap3A_1188, %swap3A_1189] {strides = array<i32>} : memref<512x64xf32, #tpu.memory_space<vmem>>, vector<1x16xf32>,
      %swap3A_1191 = vector.shape_cast %swap3A_1190 : vector<1x16xf32> to vector<16xf32>
      %swap3A_1192 = vector.shape_cast %get3A_1185 : vector<16xf32> to vector<1x16xf32>
      tpu.vector_store %arg7[%swap3A_1188, %swap3A_1189], %swap3A_1192 {strides = array<i32>} : memref<512x64xf32, #tpu.memory_space<vmem>>, vector<1x16xf32>,
      %add3A_1193 = arith.constant 10 : i32
      %add3A_1194 = arith.addi %mul3A_272, %add3A_1193 : i32
      %slice3A_1195 = vector.extract_strided_slice %and3A_537 {offsets = [10], sizes = [1], strides = [1]} : vector<16xi32> to vector<1xi32>
      %squeeze3A_1196 = vector.extract %slice3A_1195[0] : i32 from vector<1xi32>
      %get3A_1197 = arith.index_cast %add3A_1194 : i32 to index
      %get3A_1198 = arith.index_cast %squeeze3A_1196 : i32 to index
      %get3A_1199 = arith.constant 16 : index
      %get3A_1200 = tpu.vector_load %arg6[%get3A_1197, %get3A_1198, %get3A_1199] {strides = array<i32>} : memref<32x8x64xf32, #tpu.memory_space<vmem>>, vector<1x1x16xf32>,
      %get3A_1201 = vector.shape_cast %get3A_1200 : vector<1x1x16xf32> to vector<16xf32>
      %add3A_1202 = arith.constant 10 : i32
      %add3A_1203 = arith.addi %mul3A_269, %add3A_1202 : i32
      %swap3A_1204 = arith.index_cast %add3A_1203 : i32 to index
      %swap3A_1205 = arith.constant 16 : index
      %swap3A_1206 = tpu.vector_load %arg7[%swap3A_1204, %swap3A_1205] {strides = array<i32>} : memref<512x64xf32, #tpu.memory_space<vmem>>, vector<1x16xf32>,
      %swap3A_1207 = vector.shape_cast %swap3A_1206 : vector<1x16xf32> to vector<16xf32>
      %swap3A_1208 = vector.shape_cast %get3A_1201 : vector<16xf32> to vector<1x16xf32>
      tpu.vector_store %arg7[%swap3A_1204, %swap3A_1205], %swap3A_1208 {strides = array<i32>} : memref<512x64xf32, #tpu.memory_space<vmem>>, vector<1x16xf32>,
      %add3A_1209 = arith.constant 10 : i32
      %add3A_1210 = arith.addi %mul3A_272, %add3A_1209 : i32
      %slice3A_1211 = vector.extract_strided_slice %and3A_537 {offsets = [10], sizes = [1], strides = [1]} : vector<16xi32> to vector<1xi32>
      %squeeze3A_1212 = vector.extract %slice3A_1211[0] : i32 from vector<1xi32>
      %get3A_1213 = arith.index_cast %add3A_1210 : i32 to index
      %get3A_1214 = arith.index_cast %squeeze3A_1212 : i32 to index
      %get3A_1215 = arith.constant 32 : index
      %get3A_1216 = tpu.vector_load %arg6[%get3A_1213, %get3A_1214, %get3A_1215] {strides = array<i32>} : memref<32x8x64xf32, #tpu.memory_space<vmem>>, vector<1x1x16xf32>,
      %get3A_1217 = vector.shape_cast %get3A_1216 : vector<1x1x16xf32> to vector<16xf32>
      %add3A_1218 = arith.constant 10 : i32
      %add3A_1219 = arith.addi %mul3A_269, %add3A_1218 : i32
      %swap3A_1220 = arith.index_cast %add3A_1219 : i32 to index
      %swap3A_1221 = arith.constant 32 : index
      %swap3A_1222 = tpu.vector_load %arg7[%swap3A_1220, %swap3A_1221] {strides = array<i32>} : memref<512x64xf32, #tpu.memory_space<vmem>>, vector<1x16xf32>,
      %swap3A_1223 = vector.shape_cast %swap3A_1222 : vector<1x16xf32> to vector<16xf32>
      %swap3A_1224 = vector.shape_cast %get3A_1217 : vector<16xf32> to vector<1x16xf32>
      tpu.vector_store %arg7[%swap3A_1220, %swap3A_1221], %swap3A_1224 {strides = array<i32>} : memref<512x64xf32, #tpu.memory_space<vmem>>, vector<1x16xf32>,
      %add3A_1225 = arith.constant 10 : i32
      %add3A_1226 = arith.addi %mul3A_272, %add3A_1225 : i32
      %slice3A_1227 = vector.extract_strided_slice %and3A_537 {offsets = [10], sizes = [1], strides = [1]} : vector<16xi32> to vector<1xi32>
      %squeeze3A_1228 = vector.extract %slice3A_1227[0] : i32 from vector<1xi32>
      %get3A_1229 = arith.index_cast %add3A_1226 : i32 to index
      %get3A_1230 = arith.index_cast %squeeze3A_1228 : i32 to index
      %get3A_1231 = arith.constant 48 : index
      %get3A_1232 = tpu.vector_load %arg6[%get3A_1229, %get3A_1230, %get3A_1231] {strides = array<i32>} : memref<32x8x64xf32, #tpu.memory_space<vmem>>, vector<1x1x16xf32>,
      %get3A_1233 = vector.shape_cast %get3A_1232 : vector<1x1x16xf32> to vector<16xf32>
      %add3A_1234 = arith.constant 10 : i32
      %add3A_1235 = arith.addi %mul3A_269, %add3A_1234 : i32
      %swap3A_1236 = arith.index_cast %add3A_1235 : i32 to index
      %swap3A_1237 = arith.constant 48 : index
      %swap3A_1238 = tpu.vector_load %arg7[%swap3A_1236, %swap3A_1237] {strides = array<i32>} : memref<512x64xf32, #tpu.memory_space<vmem>>, vector<1x16xf32>,
      %swap3A_1239 = vector.shape_cast %swap3A_1238 : vector<1x16xf32> to vector<16xf32>
      %swap3A_1240 = vector.shape_cast %get3A_1233 : vector<16xf32> to vector<1x16xf32>
      tpu.vector_store %arg7[%swap3A_1236, %swap3A_1237], %swap3A_1240 {strides = array<i32>} : memref<512x64xf32, #tpu.memory_space<vmem>>, vector<1x16xf32>,
      %add3A_1241 = arith.constant 11 : i32
      %add3A_1242 = arith.addi %mul3A_272, %add3A_1241 : i32
      %slice3A_1243 = vector.extract_strided_slice %and3A_537 {offsets = [11], sizes = [1], strides = [1]} : vector<16xi32> to vector<1xi32>
      %squeeze3A_1244 = vector.extract %slice3A_1243[0] : i32 from vector<1xi32>
      %get3A_1245 = arith.index_cast %add3A_1242 : i32 to index
      %get3A_1246 = arith.index_cast %squeeze3A_1244 : i32 to index
      %get3A_1247 = arith.constant 0 : index
      %get3A_1248 = tpu.vector_load %arg6[%get3A_1245, %get3A_1246, %get3A_1247] {strides = array<i32>} : memref<32x8x64xf32, #tpu.memory_space<vmem>>, vector<1x1x16xf32>,
      %get3A_1249 = vector.shape_cast %get3A_1248 : vector<1x1x16xf32> to vector<16xf32>
      %add3A_1250 = arith.constant 11 : i32
      %add3A_1251 = arith.addi %mul3A_269, %add3A_1250 : i32
      %swap3A_1252 = arith.index_cast %add3A_1251 : i32 to index
      %swap3A_1253 = arith.constant 0 : index
      %swap3A_1254 = tpu.vector_load %arg7[%swap3A_1252, %swap3A_1253] {strides = array<i32>} : memref<512x64xf32, #tpu.memory_space<vmem>>, vector<1x16xf32>,
      %swap3A_1255 = vector.shape_cast %swap3A_1254 : vector<1x16xf32> to vector<16xf32>
      %swap3A_1256 = vector.shape_cast %get3A_1249 : vector<16xf32> to vector<1x16xf32>
      tpu.vector_store %arg7[%swap3A_1252, %swap3A_1253], %swap3A_1256 {strides = array<i32>} : memref<512x64xf32, #tpu.memory_space<vmem>>, vector<1x16xf32>,
      %add3A_1257 = arith.constant 11 : i32
      %add3A_1258 = arith.addi %mul3A_272, %add3A_1257 : i32
      %slice3A_1259 = vector.extract_strided_slice %and3A_537 {offsets = [11], sizes = [1], strides = [1]} : vector<16xi32> to vector<1xi32>
      %squeeze3A_1260 = vector.extract %slice3A_1259[0] : i32 from vector<1xi32>
      %get3A_1261 = arith.index_cast %add3A_1258 : i32 to index
      %get3A_1262 = arith.index_cast %squeeze3A_1260 : i32 to index
      %get3A_1263 = arith.constant 16 : index
      %get3A_1264 = tpu.vector_load %arg6[%get3A_1261, %get3A_1262, %get3A_1263] {strides = array<i32>} : memref<32x8x64xf32, #tpu.memory_space<vmem>>, vector<1x1x16xf32>,
      %get3A_1265 = vector.shape_cast %get3A_1264 : vector<1x1x16xf32> to vector<16xf32>
      %add3A_1266 = arith.constant 11 : i32
      %add3A_1267 = arith.addi %mul3A_269, %add3A_1266 : i32
      %swap3A_1268 = arith.index_cast %add3A_1267 : i32 to index
      %swap3A_1269 = arith.constant 16 : index
      %swap3A_1270 = tpu.vector_load %arg7[%swap3A_1268, %swap3A_1269] {strides = array<i32>} : memref<512x64xf32, #tpu.memory_space<vmem>>, vector<1x16xf32>,
      %swap3A_1271 = vector.shape_cast %swap3A_1270 : vector<1x16xf32> to vector<16xf32>
      %swap3A_1272 = vector.shape_cast %get3A_1265 : vector<16xf32> to vector<1x16xf32>
      tpu.vector_store %arg7[%swap3A_1268, %swap3A_1269], %swap3A_1272 {strides = array<i32>} : memref<512x64xf32, #tpu.memory_space<vmem>>, vector<1x16xf32>,
      %add3A_1273 = arith.constant 11 : i32
      %add3A_1274 = arith.addi %mul3A_272, %add3A_1273 : i32
      %slice3A_1275 = vector.extract_strided_slice %and3A_537 {offsets = [11], sizes = [1], strides = [1]} : vector<16xi32> to vector<1xi32>
      %squeeze3A_1276 = vector.extract %slice3A_1275[0] : i32 from vector<1xi32>
      %get3A_1277 = arith.index_cast %add3A_1274 : i32 to index
      %get3A_1278 = arith.index_cast %squeeze3A_1276 : i32 to index
      %get3A_1279 = arith.constant 32 : index
      %get3A_1280 = tpu.vector_load %arg6[%get3A_1277, %get3A_1278, %get3A_1279] {strides = array<i32>} : memref<32x8x64xf32, #tpu.memory_space<vmem>>, vector<1x1x16xf32>,
      %get3A_1281 = vector.shape_cast %get3A_1280 : vector<1x1x16xf32> to vector<16xf32>
      %add3A_1282 = arith.constant 11 : i32
      %add3A_1283 = arith.addi %mul3A_269, %add3A_1282 : i32
      %swap3A_1284 = arith.index_cast %add3A_1283 : i32 to index
      %swap3A_1285 = arith.constant 32 : index
      %swap3A_1286 = tpu.vector_load %arg7[%swap3A_1284, %swap3A_1285] {strides = array<i32>} : memref<512x64xf32, #tpu.memory_space<vmem>>, vector<1x16xf32>,
      %swap3A_1287 = vector.shape_cast %swap3A_1286 : vector<1x16xf32> to vector<16xf32>
      %swap3A_1288 = vector.shape_cast %get3A_1281 : vector<16xf32> to vector<1x16xf32>
      tpu.vector_store %arg7[%swap3A_1284, %swap3A_1285], %swap3A_1288 {strides = array<i32>} : memref<512x64xf32, #tpu.memory_space<vmem>>, vector<1x16xf32>,
      %add3A_1289 = arith.constant 11 : i32
      %add3A_1290 = arith.addi %mul3A_272, %add3A_1289 : i32
      %slice3A_1291 = vector.extract_strided_slice %and3A_537 {offsets = [11], sizes = [1], strides = [1]} : vector<16xi32> to vector<1xi32>
      %squeeze3A_1292 = vector.extract %slice3A_1291[0] : i32 from vector<1xi32>
      %get3A_1293 = arith.index_cast %add3A_1290 : i32 to index
      %get3A_1294 = arith.index_cast %squeeze3A_1292 : i32 to index
      %get3A_1295 = arith.constant 48 : index
      %get3A_1296 = tpu.vector_load %arg6[%get3A_1293, %get3A_1294, %get3A_1295] {strides = array<i32>} : memref<32x8x64xf32, #tpu.memory_space<vmem>>, vector<1x1x16xf32>,
      %get3A_1297 = vector.shape_cast %get3A_1296 : vector<1x1x16xf32> to vector<16xf32>
      %add3A_1298 = arith.constant 11 : i32
      %add3A_1299 = arith.addi %mul3A_269, %add3A_1298 : i32
      %swap3A_1300 = arith.index_cast %add3A_1299 : i32 to index
      %swap3A_1301 = arith.constant 48 : index
      %swap3A_1302 = tpu.vector_load %arg7[%swap3A_1300, %swap3A_1301] {strides = array<i32>} : memref<512x64xf32, #tpu.memory_space<vmem>>, vector<1x16xf32>,
      %swap3A_1303 = vector.shape_cast %swap3A_1302 : vector<1x16xf32> to vector<16xf32>
      %swap3A_1304 = vector.shape_cast %get3A_1297 : vector<16xf32> to vector<1x16xf32>
      tpu.vector_store %arg7[%swap3A_1300, %swap3A_1301], %swap3A_1304 {strides = array<i32>} : memref<512x64xf32, #tpu.memory_space<vmem>>, vector<1x16xf32>,
      %add3A_1305 = arith.constant 12 : i32
      %add3A_1306 = arith.addi %mul3A_272, %add3A_1305 : i32
      %slice3A_1307 = vector.extract_strided_slice %and3A_537 {offsets = [12], sizes = [1], strides = [1]} : vector<16xi32> to vector<1xi32>
      %squeeze3A_1308 = vector.extract %slice3A_1307[0] : i32 from vector<1xi32>
      %get3A_1309 = arith.index_cast %add3A_1306 : i32 to index
      %get3A_1310 = arith.index_cast %squeeze3A_1308 : i32 to index
      %get3A_1311 = arith.constant 0 : index
      %get3A_1312 = tpu.vector_load %arg6[%get3A_1309, %get3A_1310, %get3A_1311] {strides = array<i32>} : memref<32x8x64xf32, #tpu.memory_space<vmem>>, vector<1x1x16xf32>,
      %get3A_1313 = vector.shape_cast %get3A_1312 : vector<1x1x16xf32> to vector<16xf32>
      %add3A_1314 = arith.constant 12 : i32
      %add3A_1315 = arith.addi %mul3A_269, %add3A_1314 : i32
      %swap3A_1316 = arith.index_cast %add3A_1315 : i32 to index
      %swap3A_1317 = arith.constant 0 : index
      %swap3A_1318 = tpu.vector_load %arg7[%swap3A_1316, %swap3A_1317] {strides = array<i32>} : memref<512x64xf32, #tpu.memory_space<vmem>>, vector<1x16xf32>,
      %swap3A_1319 = vector.shape_cast %swap3A_1318 : vector<1x16xf32> to vector<16xf32>
      %swap3A_1320 = vector.shape_cast %get3A_1313 : vector<16xf32> to vector<1x16xf32>
      tpu.vector_store %arg7[%swap3A_1316, %swap3A_1317], %swap3A_1320 {strides = array<i32>} : memref<512x64xf32, #tpu.memory_space<vmem>>, vector<1x16xf32>,
      %add3A_1321 = arith.constant 12 : i32
      %add3A_1322 = arith.addi %mul3A_272, %add3A_1321 : i32
      %slice3A_1323 = vector.extract_strided_slice %and3A_537 {offsets = [12], sizes = [1], strides = [1]} : vector<16xi32> to vector<1xi32>
      %squeeze3A_1324 = vector.extract %slice3A_1323[0] : i32 from vector<1xi32>
      %get3A_1325 = arith.index_cast %add3A_1322 : i32 to index
      %get3A_1326 = arith.index_cast %squeeze3A_1324 : i32 to index
      %get3A_1327 = arith.constant 16 : index
      %get3A_1328 = tpu.vector_load %arg6[%get3A_1325, %get3A_1326, %get3A_1327] {strides = array<i32>} : memref<32x8x64xf32, #tpu.memory_space<vmem>>, vector<1x1x16xf32>,
      %get3A_1329 = vector.shape_cast %get3A_1328 : vector<1x1x16xf32> to vector<16xf32>
      %add3A_1330 = arith.constant 12 : i32
      %add3A_1331 = arith.addi %mul3A_269, %add3A_1330 : i32
      %swap3A_1332 = arith.index_cast %add3A_1331 : i32 to index
      %swap3A_1333 = arith.constant 16 : index
      %swap3A_1334 = tpu.vector_load %arg7[%swap3A_1332, %swap3A_1333] {strides = array<i32>} : memref<512x64xf32, #tpu.memory_space<vmem>>, vector<1x16xf32>,
      %swap3A_1335 = vector.shape_cast %swap3A_1334 : vector<1x16xf32> to vector<16xf32>
      %swap3A_1336 = vector.shape_cast %get3A_1329 : vector<16xf32> to vector<1x16xf32>
      tpu.vector_store %arg7[%swap3A_1332, %swap3A_1333], %swap3A_1336 {strides = array<i32>} : memref<512x64xf32, #tpu.memory_space<vmem>>, vector<1x16xf32>,
      %add3A_1337 = arith.constant 12 : i32
      %add3A_1338 = arith.addi %mul3A_272, %add3A_1337 : i32
      %slice3A_1339 = vector.extract_strided_slice %and3A_537 {offsets = [12], sizes = [1], strides = [1]} : vector<16xi32> to vector<1xi32>
      %squeeze3A_1340 = vector.extract %slice3A_1339[0] : i32 from vector<1xi32>
      %get3A_1341 = arith.index_cast %add3A_1338 : i32 to index
      %get3A_1342 = arith.index_cast %squeeze3A_1340 : i32 to index
      %get3A_1343 = arith.constant 32 : index
      %get3A_1344 = tpu.vector_load %arg6[%get3A_1341, %get3A_1342, %get3A_1343] {strides = array<i32>} : memref<32x8x64xf32, #tpu.memory_space<vmem>>, vector<1x1x16xf32>,
      %get3A_1345 = vector.shape_cast %get3A_1344 : vector<1x1x16xf32> to vector<16xf32>
      %add3A_1346 = arith.constant 12 : i32
      %add3A_1347 = arith.addi %mul3A_269, %add3A_1346 : i32
      %swap3A_1348 = arith.index_cast %add3A_1347 : i32 to index
      %swap3A_1349 = arith.constant 32 : index
      %swap3A_1350 = tpu.vector_load %arg7[%swap3A_1348, %swap3A_1349] {strides = array<i32>} : memref<512x64xf32, #tpu.memory_space<vmem>>, vector<1x16xf32>,
      %swap3A_1351 = vector.shape_cast %swap3A_1350 : vector<1x16xf32> to vector<16xf32>
      %swap3A_1352 = vector.shape_cast %get3A_1345 : vector<16xf32> to vector<1x16xf32>
      tpu.vector_store %arg7[%swap3A_1348, %swap3A_1349], %swap3A_1352 {strides = array<i32>} : memref<512x64xf32, #tpu.memory_space<vmem>>, vector<1x16xf32>,
      %add3A_1353 = arith.constant 12 : i32
      %add3A_1354 = arith.addi %mul3A_272, %add3A_1353 : i32
      %slice3A_1355 = vector.extract_strided_slice %and3A_537 {offsets = [12], sizes = [1], strides = [1]} : vector<16xi32> to vector<1xi32>
      %squeeze3A_1356 = vector.extract %slice3A_1355[0] : i32 from vector<1xi32>
      %get3A_1357 = arith.index_cast %add3A_1354 : i32 to index
      %get3A_1358 = arith.index_cast %squeeze3A_1356 : i32 to index
      %get3A_1359 = arith.constant 48 : index
      %get3A_1360 = tpu.vector_load %arg6[%get3A_1357, %get3A_1358, %get3A_1359] {strides = array<i32>} : memref<32x8x64xf32, #tpu.memory_space<vmem>>, vector<1x1x16xf32>,
      %get3A_1361 = vector.shape_cast %get3A_1360 : vector<1x1x16xf32> to vector<16xf32>
      %add3A_1362 = arith.constant 12 : i32
      %add3A_1363 = arith.addi %mul3A_269, %add3A_1362 : i32
      %swap3A_1364 = arith.index_cast %add3A_1363 : i32 to index
      %swap3A_1365 = arith.constant 48 : index
      %swap3A_1366 = tpu.vector_load %arg7[%swap3A_1364, %swap3A_1365] {strides = array<i32>} : memref<512x64xf32, #tpu.memory_space<vmem>>, vector<1x16xf32>,
      %swap3A_1367 = vector.shape_cast %swap3A_1366 : vector<1x16xf32> to vector<16xf32>
      %swap3A_1368 = vector.shape_cast %get3A_1361 : vector<16xf32> to vector<1x16xf32>
      tpu.vector_store %arg7[%swap3A_1364, %swap3A_1365], %swap3A_1368 {strides = array<i32>} : memref<512x64xf32, #tpu.memory_space<vmem>>, vector<1x16xf32>,
      %add3A_1369 = arith.constant 13 : i32
      %add3A_1370 = arith.addi %mul3A_272, %add3A_1369 : i32
      %slice3A_1371 = vector.extract_strided_slice %and3A_537 {offsets = [13], sizes = [1], strides = [1]} : vector<16xi32> to vector<1xi32>
      %squeeze3A_1372 = vector.extract %slice3A_1371[0] : i32 from vector<1xi32>
      %get3A_1373 = arith.index_cast %add3A_1370 : i32 to index
      %get3A_1374 = arith.index_cast %squeeze3A_1372 : i32 to index
      %get3A_1375 = arith.constant 0 : index
      %get3A_1376 = tpu.vector_load %arg6[%get3A_1373, %get3A_1374, %get3A_1375] {strides = array<i32>} : memref<32x8x64xf32, #tpu.memory_space<vmem>>, vector<1x1x16xf32>,
      %get3A_1377 = vector.shape_cast %get3A_1376 : vector<1x1x16xf32> to vector<16xf32>
      %add3A_1378 = arith.constant 13 : i32
      %add3A_1379 = arith.addi %mul3A_269, %add3A_1378 : i32
      %swap3A_1380 = arith.index_cast %add3A_1379 : i32 to index
      %swap3A_1381 = arith.constant 0 : index
      %swap3A_1382 = tpu.vector_load %arg7[%swap3A_1380, %swap3A_1381] {strides = array<i32>} : memref<512x64xf32, #tpu.memory_space<vmem>>, vector<1x16xf32>,
      %swap3A_1383 = vector.shape_cast %swap3A_1382 : vector<1x16xf32> to vector<16xf32>
      %swap3A_1384 = vector.shape_cast %get3A_1377 : vector<16xf32> to vector<1x16xf32>
      tpu.vector_store %arg7[%swap3A_1380, %swap3A_1381], %swap3A_1384 {strides = array<i32>} : memref<512x64xf32, #tpu.memory_space<vmem>>, vector<1x16xf32>,
      %add3A_1385 = arith.constant 13 : i32
      %add3A_1386 = arith.addi %mul3A_272, %add3A_1385 : i32
      %slice3A_1387 = vector.extract_strided_slice %and3A_537 {offsets = [13], sizes = [1], strides = [1]} : vector<16xi32> to vector<1xi32>
      %squeeze3A_1388 = vector.extract %slice3A_1387[0] : i32 from vector<1xi32>
      %get3A_1389 = arith.index_cast %add3A_1386 : i32 to index
      %get3A_1390 = arith.index_cast %squeeze3A_1388 : i32 to index
      %get3A_1391 = arith.constant 16 : index
      %get3A_1392 = tpu.vector_load %arg6[%get3A_1389, %get3A_1390, %get3A_1391] {strides = array<i32>} : memref<32x8x64xf32, #tpu.memory_space<vmem>>, vector<1x1x16xf32>,
      %get3A_1393 = vector.shape_cast %get3A_1392 : vector<1x1x16xf32> to vector<16xf32>
      %add3A_1394 = arith.constant 13 : i32
      %add3A_1395 = arith.addi %mul3A_269, %add3A_1394 : i32
      %swap3A_1396 = arith.index_cast %add3A_1395 : i32 to index
      %swap3A_1397 = arith.constant 16 : index
      %swap3A_1398 = tpu.vector_load %arg7[%swap3A_1396, %swap3A_1397] {strides = array<i32>} : memref<512x64xf32, #tpu.memory_space<vmem>>, vector<1x16xf32>,
      %swap3A_1399 = vector.shape_cast %swap3A_1398 : vector<1x16xf32> to vector<16xf32>
      %swap3A_1400 = vector.shape_cast %get3A_1393 : vector<16xf32> to vector<1x16xf32>
      tpu.vector_store %arg7[%swap3A_1396, %swap3A_1397], %swap3A_1400 {strides = array<i32>} : memref<512x64xf32, #tpu.memory_space<vmem>>, vector<1x16xf32>,
      %add3A_1401 = arith.constant 13 : i32
      %add3A_1402 = arith.addi %mul3A_272, %add3A_1401 : i32
      %slice3A_1403 = vector.extract_strided_slice %and3A_537 {offsets = [13], sizes = [1], strides = [1]} : vector<16xi32> to vector<1xi32>
      %squeeze3A_1404 = vector.extract %slice3A_1403[0] : i32 from vector<1xi32>
      %get3A_1405 = arith.index_cast %add3A_1402 : i32 to index
      %get3A_1406 = arith.index_cast %squeeze3A_1404 : i32 to index
      %get3A_1407 = arith.constant 32 : index
      %get3A_1408 = tpu.vector_load %arg6[%get3A_1405, %get3A_1406, %get3A_1407] {strides = array<i32>} : memref<32x8x64xf32, #tpu.memory_space<vmem>>, vector<1x1x16xf32>,
      %get3A_1409 = vector.shape_cast %get3A_1408 : vector<1x1x16xf32> to vector<16xf32>
      %add3A_1410 = arith.constant 13 : i32
      %add3A_1411 = arith.addi %mul3A_269, %add3A_1410 : i32
      %swap3A_1412 = arith.index_cast %add3A_1411 : i32 to index
      %swap3A_1413 = arith.constant 32 : index
      %swap3A_1414 = tpu.vector_load %arg7[%swap3A_1412, %swap3A_1413] {strides = array<i32>} : memref<512x64xf32, #tpu.memory_space<vmem>>, vector<1x16xf32>,
      %swap3A_1415 = vector.shape_cast %swap3A_1414 : vector<1x16xf32> to vector<16xf32>
      %swap3A_1416 = vector.shape_cast %get3A_1409 : vector<16xf32> to vector<1x16xf32>
      tpu.vector_store %arg7[%swap3A_1412, %swap3A_1413], %swap3A_1416 {strides = array<i32>} : memref<512x64xf32, #tpu.memory_space<vmem>>, vector<1x16xf32>,
      %add3A_1417 = arith.constant 13 : i32
      %add3A_1418 = arith.addi %mul3A_272, %add3A_1417 : i32
      %slice3A_1419 = vector.extract_strided_slice %and3A_537 {offsets = [13], sizes = [1], strides = [1]} : vector<16xi32> to vector<1xi32>
      %squeeze3A_1420 = vector.extract %slice3A_1419[0] : i32 from vector<1xi32>
      %get3A_1421 = arith.index_cast %add3A_1418 : i32 to index
      %get3A_1422 = arith.index_cast %squeeze3A_1420 : i32 to index
      %get3A_1423 = arith.constant 48 : index
      %get3A_1424 = tpu.vector_load %arg6[%get3A_1421, %get3A_1422, %get3A_1423] {strides = array<i32>} : memref<32x8x64xf32, #tpu.memory_space<vmem>>, vector<1x1x16xf32>,
      %get3A_1425 = vector.shape_cast %get3A_1424 : vector<1x1x16xf32> to vector<16xf32>
      %add3A_1426 = arith.constant 13 : i32
      %add3A_1427 = arith.addi %mul3A_269, %add3A_1426 : i32
      %swap3A_1428 = arith.index_cast %add3A_1427 : i32 to index
      %swap3A_1429 = arith.constant 48 : index
      %swap3A_1430 = tpu.vector_load %arg7[%swap3A_1428, %swap3A_1429] {strides = array<i32>} : memref<512x64xf32, #tpu.memory_space<vmem>>, vector<1x16xf32>,
      %swap3A_1431 = vector.shape_cast %swap3A_1430 : vector<1x16xf32> to vector<16xf32>
      %swap3A_1432 = vector.shape_cast %get3A_1425 : vector<16xf32> to vector<1x16xf32>
      tpu.vector_store %arg7[%swap3A_1428, %swap3A_1429], %swap3A_1432 {strides = array<i32>} : memref<512x64xf32, #tpu.memory_space<vmem>>, vector<1x16xf32>,
      %add3A_1433 = arith.constant 14 : i32
      %add3A_1434 = arith.addi %mul3A_272, %add3A_1433 : i32
      %slice3A_1435 = vector.extract_strided_slice %and3A_537 {offsets = [14], sizes = [1], strides = [1]} : vector<16xi32> to vector<1xi32>
      %squeeze3A_1436 = vector.extract %slice3A_1435[0] : i32 from vector<1xi32>
      %get3A_1437 = arith.index_cast %add3A_1434 : i32 to index
      %get3A_1438 = arith.index_cast %squeeze3A_1436 : i32 to index
      %get3A_1439 = arith.constant 0 : index
      %get3A_1440 = tpu.vector_load %arg6[%get3A_1437, %get3A_1438, %get3A_1439] {strides = array<i32>} : memref<32x8x64xf32, #tpu.memory_space<vmem>>, vector<1x1x16xf32>,
      %get3A_1441 = vector.shape_cast %get3A_1440 : vector<1x1x16xf32> to vector<16xf32>
      %add3A_1442 = arith.constant 14 : i32
      %add3A_1443 = arith.addi %mul3A_269, %add3A_1442 : i32
      %swap3A_1444 = arith.index_cast %add3A_1443 : i32 to index
      %swap3A_1445 = arith.constant 0 : index
      %swap3A_1446 = tpu.vector_load %arg7[%swap3A_1444, %swap3A_1445] {strides = array<i32>} : memref<512x64xf32, #tpu.memory_space<vmem>>, vector<1x16xf32>,
      %swap3A_1447 = vector.shape_cast %swap3A_1446 : vector<1x16xf32> to vector<16xf32>
      %swap3A_1448 = vector.shape_cast %get3A_1441 : vector<16xf32> to vector<1x16xf32>
      tpu.vector_store %arg7[%swap3A_1444, %swap3A_1445], %swap3A_1448 {strides = array<i32>} : memref<512x64xf32, #tpu.memory_space<vmem>>, vector<1x16xf32>,
      %add3A_1449 = arith.constant 14 : i32
      %add3A_1450 = arith.addi %mul3A_272, %add3A_1449 : i32
      %slice3A_1451 = vector.extract_strided_slice %and3A_537 {offsets = [14], sizes = [1], strides = [1]} : vector<16xi32> to vector<1xi32>
      %squeeze3A_1452 = vector.extract %slice3A_1451[0] : i32 from vector<1xi32>
      %get3A_1453 = arith.index_cast %add3A_1450 : i32 to index
      %get3A_1454 = arith.index_cast %squeeze3A_1452 : i32 to index
      %get3A_1455 = arith.constant 16 : index
      %get3A_1456 = tpu.vector_load %arg6[%get3A_1453, %get3A_1454, %get3A_1455] {strides = array<i32>} : memref<32x8x64xf32, #tpu.memory_space<vmem>>, vector<1x1x16xf32>,
      %get3A_1457 = vector.shape_cast %get3A_1456 : vector<1x1x16xf32> to vector<16xf32>
      %add3A_1458 = arith.constant 14 : i32
      %add3A_1459 = arith.addi %mul3A_269, %add3A_1458 : i32
      %swap3A_1460 = arith.index_cast %add3A_1459 : i32 to index
      %swap3A_1461 = arith.constant 16 : index
      %swap3A_1462 = tpu.vector_load %arg7[%swap3A_1460, %swap3A_1461] {strides = array<i32>} : memref<512x64xf32, #tpu.memory_space<vmem>>, vector<1x16xf32>,
      %swap3A_1463 = vector.shape_cast %swap3A_1462 : vector<1x16xf32> to vector<16xf32>
      %swap3A_1464 = vector.shape_cast %get3A_1457 : vector<16xf32> to vector<1x16xf32>
      tpu.vector_store %arg7[%swap3A_1460, %swap3A_1461], %swap3A_1464 {strides = array<i32>} : memref<512x64xf32, #tpu.memory_space<vmem>>, vector<1x16xf32>,
      %add3A_1465 = arith.constant 14 : i32
      %add3A_1466 = arith.addi %mul3A_272, %add3A_1465 : i32
      %slice3A_1467 = vector.extract_strided_slice %and3A_537 {offsets = [14], sizes = [1], strides = [1]} : vector<16xi32> to vector<1xi32>
      %squeeze3A_1468 = vector.extract %slice3A_1467[0] : i32 from vector<1xi32>
      %get3A_1469 = arith.index_cast %add3A_1466 : i32 to index
      %get3A_1470 = arith.index_cast %squeeze3A_1468 : i32 to index
      %get3A_1471 = arith.constant 32 : index
      %get3A_1472 = tpu.vector_load %arg6[%get3A_1469, %get3A_1470, %get3A_1471] {strides = array<i32>} : memref<32x8x64xf32, #tpu.memory_space<vmem>>, vector<1x1x16xf32>,
      %get3A_1473 = vector.shape_cast %get3A_1472 : vector<1x1x16xf32> to vector<16xf32>
      %add3A_1474 = arith.constant 14 : i32
      %add3A_1475 = arith.addi %mul3A_269, %add3A_1474 : i32
      %swap3A_1476 = arith.index_cast %add3A_1475 : i32 to index
      %swap3A_1477 = arith.constant 32 : index
      %swap3A_1478 = tpu.vector_load %arg7[%swap3A_1476, %swap3A_1477] {strides = array<i32>} : memref<512x64xf32, #tpu.memory_space<vmem>>, vector<1x16xf32>,
      %swap3A_1479 = vector.shape_cast %swap3A_1478 : vector<1x16xf32> to vector<16xf32>
      %swap3A_1480 = vector.shape_cast %get3A_1473 : vector<16xf32> to vector<1x16xf32>
      tpu.vector_store %arg7[%swap3A_1476, %swap3A_1477], %swap3A_1480 {strides = array<i32>} : memref<512x64xf32, #tpu.memory_space<vmem>>, vector<1x16xf32>,
      %add3A_1481 = arith.constant 14 : i32
      %add3A_1482 = arith.addi %mul3A_272, %add3A_1481 : i32
      %slice3A_1483 = vector.extract_strided_slice %and3A_537 {offsets = [14], sizes = [1], strides = [1]} : vector<16xi32> to vector<1xi32>
      %squeeze3A_1484 = vector.extract %slice3A_1483[0] : i32 from vector<1xi32>
      %get3A_1485 = arith.index_cast %add3A_1482 : i32 to index
      %get3A_1486 = arith.index_cast %squeeze3A_1484 : i32 to index
      %get3A_1487 = arith.constant 48 : index
      %get3A_1488 = tpu.vector_load %arg6[%get3A_1485, %get3A_1486, %get3A_1487] {strides = array<i32>} : memref<32x8x64xf32, #tpu.memory_space<vmem>>, vector<1x1x16xf32>,
      %get3A_1489 = vector.shape_cast %get3A_1488 : vector<1x1x16xf32> to vector<16xf32>
      %add3A_1490 = arith.constant 14 : i32
      %add3A_1491 = arith.addi %mul3A_269, %add3A_1490 : i32
      %swap3A_1492 = arith.index_cast %add3A_1491 : i32 to index
      %swap3A_1493 = arith.constant 48 : index
      %swap3A_1494 = tpu.vector_load %arg7[%swap3A_1492, %swap3A_1493] {strides = array<i32>} : memref<512x64xf32, #tpu.memory_space<vmem>>, vector<1x16xf32>,
      %swap3A_1495 = vector.shape_cast %swap3A_1494 : vector<1x16xf32> to vector<16xf32>
      %swap3A_1496 = vector.shape_cast %get3A_1489 : vector<16xf32> to vector<1x16xf32>
      tpu.vector_store %arg7[%swap3A_1492, %swap3A_1493], %swap3A_1496 {strides = array<i32>} : memref<512x64xf32, #tpu.memory_space<vmem>>, vector<1x16xf32>,
      %add3A_1497 = arith.constant 15 : i32
      %add3A_1498 = arith.addi %mul3A_272, %add3A_1497 : i32
      %slice3A_1499 = vector.extract_strided_slice %and3A_537 {offsets = [15], sizes = [1], strides = [1]} : vector<16xi32> to vector<1xi32>
      %squeeze3A_1500 = vector.extract %slice3A_1499[0] : i32 from vector<1xi32>
      %get3A_1501 = arith.index_cast %add3A_1498 : i32 to index
      %get3A_1502 = arith.index_cast %squeeze3A_1500 : i32 to index
      %get3A_1503 = arith.constant 0 : index
      %get3A_1504 = tpu.vector_load %arg6[%get3A_1501, %get3A_1502, %get3A_1503] {strides = array<i32>} : memref<32x8x64xf32, #tpu.memory_space<vmem>>, vector<1x1x16xf32>,
      %get3A_1505 = vector.shape_cast %get3A_1504 : vector<1x1x16xf32> to vector<16xf32>
      %add3A_1506 = arith.constant 15 : i32
      %add3A_1507 = arith.addi %mul3A_269, %add3A_1506 : i32
      %swap3A_1508 = arith.index_cast %add3A_1507 : i32 to index
      %swap3A_1509 = arith.constant 0 : index
      %swap3A_1510 = tpu.vector_load %arg7[%swap3A_1508, %swap3A_1509] {strides = array<i32>} : memref<512x64xf32, #tpu.memory_space<vmem>>, vector<1x16xf32>,
      %swap3A_1511 = vector.shape_cast %swap3A_1510 : vector<1x16xf32> to vector<16xf32>
      %swap3A_1512 = vector.shape_cast %get3A_1505 : vector<16xf32> to vector<1x16xf32>
      tpu.vector_store %arg7[%swap3A_1508, %swap3A_1509], %swap3A_1512 {strides = array<i32>} : memref<512x64xf32, #tpu.memory_space<vmem>>, vector<1x16xf32>,
      %add3A_1513 = arith.constant 15 : i32
      %add3A_1514 = arith.addi %mul3A_272, %add3A_1513 : i32
      %slice3A_1515 = vector.extract_strided_slice %and3A_537 {offsets = [15], sizes = [1], strides = [1]} : vector<16xi32> to vector<1xi32>
      %squeeze3A_1516 = vector.extract %slice3A_1515[0] : i32 from vector<1xi32>
      %get3A_1517 = arith.index_cast %add3A_1514 : i32 to index
      %get3A_1518 = arith.index_cast %squeeze3A_1516 : i32 to index
      %get3A_1519 = arith.constant 16 : index
      %get3A_1520 = tpu.vector_load %arg6[%get3A_1517, %get3A_1518, %get3A_1519] {strides = array<i32>} : memref<32x8x64xf32, #tpu.memory_space<vmem>>, vector<1x1x16xf32>,
      %get3A_1521 = vector.shape_cast %get3A_1520 : vector<1x1x16xf32> to vector<16xf32>
      %add3A_1522 = arith.constant 15 : i32
      %add3A_1523 = arith.addi %mul3A_269, %add3A_1522 : i32
      %swap3A_1524 = arith.index_cast %add3A_1523 : i32 to index
      %swap3A_1525 = arith.constant 16 : index
      %swap3A_1526 = tpu.vector_load %arg7[%swap3A_1524, %swap3A_1525] {strides = array<i32>} : memref<512x64xf32, #tpu.memory_space<vmem>>, vector<1x16xf32>,
      %swap3A_1527 = vector.shape_cast %swap3A_1526 : vector<1x16xf32> to vector<16xf32>
      %swap3A_1528 = vector.shape_cast %get3A_1521 : vector<16xf32> to vector<1x16xf32>
      tpu.vector_store %arg7[%swap3A_1524, %swap3A_1525], %swap3A_1528 {strides = array<i32>} : memref<512x64xf32, #tpu.memory_space<vmem>>, vector<1x16xf32>,
      %add3A_1529 = arith.constant 15 : i32
      %add3A_1530 = arith.addi %mul3A_272, %add3A_1529 : i32
      %slice3A_1531 = vector.extract_strided_slice %and3A_537 {offsets = [15], sizes = [1], strides = [1]} : vector<16xi32> to vector<1xi32>
      %squeeze3A_1532 = vector.extract %slice3A_1531[0] : i32 from vector<1xi32>
      %get3A_1533 = arith.index_cast %add3A_1530 : i32 to index
      %get3A_1534 = arith.index_cast %squeeze3A_1532 : i32 to index
      %get3A_1535 = arith.constant 32 : index
      %get3A_1536 = tpu.vector_load %arg6[%get3A_1533, %get3A_1534, %get3A_1535] {strides = array<i32>} : memref<32x8x64xf32, #tpu.memory_space<vmem>>, vector<1x1x16xf32>,
      %get3A_1537 = vector.shape_cast %get3A_1536 : vector<1x1x16xf32> to vector<16xf32>
      %add3A_1538 = arith.constant 15 : i32
      %add3A_1539 = arith.addi %mul3A_269, %add3A_1538 : i32
      %swap3A_1540 = arith.index_cast %add3A_1539 : i32 to index
      %swap3A_1541 = arith.constant 32 : index
      %swap3A_1542 = tpu.vector_load %arg7[%swap3A_1540, %swap3A_1541] {strides = array<i32>} : memref<512x64xf32, #tpu.memory_space<vmem>>, vector<1x16xf32>,
      %swap3A_1543 = vector.shape_cast %swap3A_1542 : vector<1x16xf32> to vector<16xf32>
      %swap3A_1544 = vector.shape_cast %get3A_1537 : vector<16xf32> to vector<1x16xf32>
      tpu.vector_store %arg7[%swap3A_1540, %swap3A_1541], %swap3A_1544 {strides = array<i32>} : memref<512x64xf32, #tpu.memory_space<vmem>>, vector<1x16xf32>,
      %add3A_1545 = arith.constant 15 : i32
      %add3A_1546 = arith.addi %mul3A_272, %add3A_1545 : i32
      %slice3A_1547 = vector.extract_strided_slice %and3A_537 {offsets = [15], sizes = [1], strides = [1]} : vector<16xi32> to vector<1xi32>
      %squeeze3A_1548 = vector.extract %slice3A_1547[0] : i32 from vector<1xi32>
      %get3A_1549 = arith.index_cast %add3A_1546 : i32 to index
      %get3A_1550 = arith.index_cast %squeeze3A_1548 : i32 to index
      %get3A_1551 = arith.constant 48 : index
      %get3A_1552 = tpu.vector_load %arg6[%get3A_1549, %get3A_1550, %get3A_1551] {strides = array<i32>} : memref<32x8x64xf32, #tpu.memory_space<vmem>>, vector<1x1x16xf32>,
      %get3A_1553 = vector.shape_cast %get3A_1552 : vector<1x1x16xf32> to vector<16xf32>
      %add3A_1554 = arith.constant 15 : i32
      %add3A_1555 = arith.addi %mul3A_269, %add3A_1554 : i32
      %swap3A_1556 = arith.index_cast %add3A_1555 : i32 to index
      %swap3A_1557 = arith.constant 48 : index
      %swap3A_1558 = tpu.vector_load %arg7[%swap3A_1556, %swap3A_1557] {strides = array<i32>} : memref<512x64xf32, #tpu.memory_space<vmem>>, vector<1x16xf32>,
      %swap3A_1559 = vector.shape_cast %swap3A_1558 : vector<1x16xf32> to vector<16xf32>
      %swap3A_1560 = vector.shape_cast %get3A_1553 : vector<16xf32> to vector<1x16xf32>
      tpu.vector_store %arg7[%swap3A_1556, %swap3A_1557], %swap3A_1560 {strides = array<i32>} : memref<512x64xf32, #tpu.memory_space<vmem>>, vector<1x16xf32>,
      %scan3A_1561 = arith.constant 0 : i32
      scf.yield %scan3A_1561 : i32
    }
    %scan3A_265 = arith.constant 32 : i32
    "tpu.region"() ({
      %run_scoped3A = tpu.sem_alloc : memref<!tpu.dma_semaphore, #tpu.memory_space<semaphore_mem>>
      %dma_start3A_266 = arith.constant 0 : i32
      %dma_start3A_267 = tpu.memref_slice %arg4[%mul3A_2, %dma_start3A_266] : memref<16384x64xf32, #tpu.memory_space<hbm>> -> memref<512x64xf32, #tpu.memory_space<hbm>>
      %dma_start3A_268 = arith.constant 0 : i32
      %dma_start3A_269 = tpu.memref_slice %arg4[%mul3A_2, %dma_start3A_268] : memref<16384x64xf32, #tpu.memory_space<hbm>> -> memref<512x64xf32, #tpu.memory_space<hbm>>
      tpu.enqueue_dma source(%arg7 : memref<512x64xf32, #tpu.memory_space<vmem>>) target(%dma_start3A_269 : memref<512x64xf32, #tpu.memory_space<hbm>>) target_semaphore(%run_scoped3A : memref<!tpu.dma_semaphore, #tpu.memory_space<semaphore_mem>>)
      %dma_wait3A = arith.constant 0 : i32
      %dma_wait3A_270 = tpu.memref_slice %arg4[%mul3A_2, %dma_wait3A] : memref<16384x64xf32, #tpu.memory_space<hbm>> -> memref<512x64xf32, #tpu.memory_space<hbm>>
      %dma_wait3A_271 = arith.constant 0 : i32
      %dma_wait3A_272 = tpu.memref_slice %arg4[%mul3A_2, %dma_wait3A_271] : memref<16384x64xf32, #tpu.memory_space<hbm>> -> memref<512x64xf32, #tpu.memory_space<hbm>>
      tpu.wait_dma2 semaphore(%run_scoped3A : memref<!tpu.dma_semaphore, #tpu.memory_space<semaphore_mem>>) src(%arg7 : memref<512x64xf32, #tpu.memory_space<vmem>>) dst(%dma_wait3A_272 : memref<512x64xf32, #tpu.memory_space<hbm>>)
      tpu.yield
    }) : () -> ()
    return
  }
}

module attributes {stable_mosaic.version = 14 : i64} {
  func.func @_concat_body(%arg0: i32, %arg1: memref<2048x64xf32, #tpu.memory_space<vmem>>, %arg2: memref<2048x64xf32, #tpu.memory_space<vmem>>, %arg3: memref<2048x64xf32, #tpu.memory_space<vmem>>, %arg4: memref<2048x64xf32, #tpu.memory_space<vmem>>, %arg5: memref<2048x256xf32, #tpu.memory_space<vmem>>) attributes {dimension_semantics = [#tpu.dimension_semantics<arbitrary>], iteration_bounds = array<i64: 8>, scalar_prefetch = 0 : i64, scratch_operands = 0 : i64, tpu.core_type = #tpu.core_type<tc>, window_params = [{transform_indices = @transform_0, window_bounds = array<i64: 2048, 64>}, {transform_indices = @transform_1, window_bounds = array<i64: 2048, 64>}, {transform_indices = @transform_2, window_bounds = array<i64: 2048, 64>}, {transform_indices = @transform_3, window_bounds = array<i64: 2048, 64>}, {transform_indices = @transform_4, window_bounds = array<i64: 2048, 256>}]} {
    %get3A = arith.constant 0 : index
    %get3A_0 = arith.constant 0 : index
    %get3A_1 = vector.load %arg1[%get3A, %get3A_0] : memref<2048x64xf32, #tpu.memory_space<vmem>>, vector<2048x64xf32>
    %get3A_2 = arith.constant 0 : index
    %get3A_3 = arith.constant 0 : index
    %get3A_4 = vector.load %arg2[%get3A_2, %get3A_3] : memref<2048x64xf32, #tpu.memory_space<vmem>>, vector<2048x64xf32>
    %get3A_5 = arith.constant 0 : index
    %get3A_6 = arith.constant 0 : index
    %get3A_7 = vector.load %arg3[%get3A_5, %get3A_6] : memref<2048x64xf32, #tpu.memory_space<vmem>>, vector<2048x64xf32>
    %get3A_8 = arith.constant 0 : index
    %get3A_9 = arith.constant 0 : index
    %get3A_10 = vector.load %arg4[%get3A_8, %get3A_9] : memref<2048x64xf32, #tpu.memory_space<vmem>>, vector<2048x64xf32>
    %concatenate3A = tpu.concatenate %get3A_1, %get3A_4, %get3A_7, %get3A_10 in 1 : vector<2048x64xf32>, vector<2048x64xf32>, vector<2048x64xf32>, vector<2048x64xf32> -> vector<2048x256xf32>
    %swap3A = arith.constant 0 : index
    %swap3A_11 = arith.constant 0 : index
    %swap3A_12 = vector.load %arg5[%swap3A, %swap3A_11] : memref<2048x256xf32, #tpu.memory_space<vmem>>, vector<2048x256xf32>
    tpu.vector_store %arg5[%swap3A, %swap3A_11], %concatenate3A {strides = array<i32>} : memref<2048x256xf32, #tpu.memory_space<vmem>>, vector<2048x256xf32>,
    return
  }
  func.func @transform_0(%arg0: i32) -> (i32, i32) {
    %c0_i32 = arith.constant 0 : i32
    %c0_i32_0 = arith.constant 0 : i32
    return %arg0, %c0_i32 : i32, i32
  }
  func.func @transform_1(%arg0: i32) -> (i32, i32) {
    %c0_i32 = arith.constant 0 : i32
    %c0_i32_0 = arith.constant 0 : i32
    return %arg0, %c0_i32 : i32, i32
  }
  func.func @transform_2(%arg0: i32) -> (i32, i32) {
    %c0_i32 = arith.constant 0 : i32
    %c0_i32_0 = arith.constant 0 : i32
    return %arg0, %c0_i32 : i32, i32
  }
  func.func @transform_3(%arg0: i32) -> (i32, i32) {
    %c0_i32 = arith.constant 0 : i32
    %c0_i32_0 = arith.constant 0 : i32
    return %arg0, %c0_i32 : i32, i32
  }
  func.func @transform_4(%arg0: i32) -> (i32, i32) {
    %c0_i32 = arith.constant 0 : i32
    %c0_i32_0 = arith.constant 0 : i32
    return %arg0, %c0_i32 : i32, i32
  }
}

</mosaic_0001>

<sc_bundles>
// kernel: kernel.4.cloned.1.call-start
scs
__scs_entry_jumppad:
0x0: {  	(pc) =	sbr.rel $0x88, $3  }
0x1: {  	(tag) =	ssettag $0x0;
	lr =	simm.s32 $0x1  }
0x2: {  	[smem:$0x3F9C] =	sst lr;
	_ =	strace $0xD0000000  }
0x3: {  	_ = 	snop  }
0x4: {  	_ = 	snop  }
0x5: {  	_ = 	snop  }
0x6: {  	_ = 	snop  }
0x7: {  	_ = 	snop  }
__scs_overlays_trampoline_lowered:
0x8: {  	[smem:$0x3FAB] =	sst s0  }
0x9: {  	[smem:$0x3FAC] =	sst s1  }
0xa: {  	[smem:$0x3FAD] =	sst s2  }
0xb: {  	[smem:$0x3FAE] =	sst s3  }
0xc: {  	[smem:$0x3FAF] =	sst s4  }
0xd: {  	[smem:$0x3FB0] =	sst s5  }
0xe: {  	[smem:$0x3FB1] =	sst s6  }
0xf: {  	[smem:$0x3FB2] =	sst s7  }
0x10: {  	[smem:$0x3FB3] =	sst s8  }
0x11: {  	[smem:$0x3FB4] =	sst s9;
	s0 =	simm.s32 @!p0 $0x0  }
0x12: {  	s1 =	sld [smem:$0x3F9A];
	s0 =	simm.s32 @p0 $0x1  }
0x13: {  	[smem:$0x3FB5] =	sst s0;
	s0 =	simm.s32 @!p1 $0x0  }
0x14: {  	s2 =	sld [smem:$0x3F99];
	s0 =	simm.s32 @p1 $0x1  }
0x15: {  	[smem:$0x3FB6] =	sst s0;
	s0 =	simm.s32 @!p2 $0x0  }
0x16: {  	s3 =	sld [smem:$0x3FDB];
	s0 =	simm.s32 @p2 $0x1  }
0x17: {  	s4 =	simm.s32 $0x1BF5;
	[smem:$0x3FB8] =	sst s0  }
0x18: {  	s0 =	sld [smem:$0x3F9B];
	_ =	swait.ge [sflag:s4], $0x0  }
0x19: {  	s7 =	sld [smem:$0x3F9C]  }
0x1a: {  	s8 =	sadd.s32 $0xFFFFE003, lr  }
0x1b: {  	s9 =	sadd.s32 $0xFFFFFEF7, lr;
	s5 =	simm.s32 $0xFFFFFFFF;
	p2 =	slt.u32 s8, $0xFFFFF086  }
0x1c: {  	p1 =	slt.u32 s9, $0xF7A;
	s5 =	simm.s32 @!p2 $0x0  }
0x1d: {  	s5 =	simm.s32 @p1 $0x1;
	p0 =	seq.s32 s7, s2  }
0x1e: {  	s7 =	smul.u32 @!p0 $0xF7A, s2;
	p2 =	seq.s32 @!p0 s5, $0x0  }
0x1f: {  	s9 =	smul.u32 $0xF7A, s1;
	s8 =	simm.s32 @!p0 $0x1BF5;
	p2 =	por !p2, p0  }
0x20: {  	[sflag:s8] =	ssyncset.s32 @!p0 $0xFFFFF086;
	s6 =	sadd.s32 @!p0 s3, s7;
	s7 =	simm.s32 @!p0 $0x108  }
0x21: {  	s3 =	sadd.s32 s3, s9;
	s6 =	sadd.s32 @!p0 $0x88, s6;
	s7 =	simm.s32 @p2 $0x1082  }
0x22: {  	[simem:s7], [sflag:s8] =	dma.local @!p0 [hbm:s6], $0xF7A  }
0x23: {  	s9 =	sor.u32 $0xD0000000, s2;
	s6 =	simm.s32 $0x108;
	_ =	swait.ge @!p0 [sflag:s8], $0x0  }
0x24: {  	s3 =	sadd.s32 $0x88, s3;
	s6 =	simm.s32 @!p1 $0x1082;
	[sflag:s4] =	ssyncset.s32 $0xFFFFF086  }
0x25: {  	[simem:s6], [sflag:s4] =	dma.local [hbm:s3], $0xF7A  }
0x26: {  	[smem:$0x3F9C] =	sst s1;
	(tag) =	ssettag s2;
	_ =	strace s9  }
0x27: {  	s1 =	sld [smem:$0x3FAC]  }
0x28: {  	s2 =	sld [smem:$0x3FAD]  }
0x29: {  	s4 =	sld [smem:$0x3FAF]  }
0x2a: {  	p0 =	seq.s32 s5, $0x0;
	s5 =	sld [smem:$0x3FB0]  }
0x2b: {  	s6 =	sld [smem:$0x3FB1]  }
0x2c: {  	s7 =	sld [smem:$0x3FB2]  }
0x2d: {  	s3 =	simm.s32 $0x108;
	s8 =	sld [smem:$0x3FB3]  }
0x2e: {  	s3 =	simm.s32 @!p0 $0x1082;
	s9 =	sld [smem:$0x3FB4]  }
0x2f: {  	lr =	sadd.s32 s0, s3;
	s0 =	sld [smem:$0x3FAB]  }
0x30: {  	s3 =	sld [smem:$0x3FAE]  }
0x31: {  	[smem:$0x3FB7] =	sst s10  }
0x32: {  	s10 =	sld [smem:$0x3FB5];
	_ =	sdelay $0x3  }
0x33: {  	p0 =	seq.s32 s10, $0x1;
	s10 =	sld [smem:$0x3FB7];
	_ =	sdelay $0x3  }
0x34: {  	[smem:$0x3FB7] =	sst s10  }
0x35: {  	s10 =	sld [smem:$0x3FB6];
	_ =	sdelay $0x3  }
0x36: {  	p1 =	seq.s32 s10, $0x1;
	s10 =	sld [smem:$0x3FB7];
	_ =	sdelay $0x3  }
0x37: {  	[smem:$0x3FB7] =	sst s10  }
0x38: {  	s10 =	sld [smem:$0x3FB8]  }
0x39: {  	_ = 	snop;
	(pc) =	sbr.ind lr, $3  }
0x3a: {  	_ = 	snop  }
0x3b: {  	_ = 	snop  }
0x3c: {  	p2 =	seq.s32 s10, $0x1;
	s10 =	sld [smem:$0x3FB7]  }
0x3d: {  	_ =	shalt  }
0x3e: {  	_ =	shalt  }
0x3f: {  	_ =	shalt  }
0x40: {  	_ =	shalt  }
0x41: {  	_ =	shalt  }
0x42: {  	_ =	shalt  }
0x43: {  	_ =	shalt  }
0x44: {  	_ =	shalt  }
0x45: {  	_ =	shalt  }
0x46: {  	_ =	shalt  }
0x47: {  	_ =	shalt  }
0x48: {  	_ =	shalt  }
0x49: {  	_ =	shalt  }
0x4a: {  	_ =	shalt  }
0x4b: {  	_ =	shalt  }
0x4c: {  	_ =	shalt  }
0x4d: {  	_ =	shalt  }
0x4e: {  	_ =	shalt  }
0x4f: {  	_ =	shalt  }
0x50: {  	_ =	shalt  }
0x51: {  	_ =	shalt  }
0x52: {  	_ =	shalt  }
0x53: {  	_ =	shalt  }
0x54: {  	_ =	shalt  }
0x55: {  	_ =	shalt  }
0x56: {  	_ =	shalt  }
0x57: {  	_ =	shalt  }
0x58: {  	_ =	shalt  }
0x59: {  	_ =	shalt  }
0x5a: {  	_ =	shalt  }
0x5b: {  	_ =	shalt  }
0x5c: {  	_ =	shalt  }
0x5d: {  	_ =	shalt  }
0x5e: {  	_ =	shalt  }
0x5f: {  	_ =	shalt  }
0x60: {  	_ =	shalt  }
0x61: {  	_ =	shalt  }
0x62: {  	_ =	shalt  }
0x63: {  	_ =	shalt  }
0x64: {  	_ =	shalt  }
0x65: {  	_ =	shalt  }
0x66: {  	_ =	shalt  }
0x67: {  	_ =	shalt  }
0x68: {  	_ =	shalt  }
0x69: {  	_ =	shalt  }
0x6a: {  	_ =	shalt  }
0x6b: {  	_ =	shalt  }
0x6c: {  	_ =	shalt  }
0x6d: {  	_ =	shalt  }
0x6e: {  	_ =	shalt  }
0x6f: {  	_ =	shalt  }
0x70: {  	_ =	shalt  }
0x71: {  	_ =	shalt  }
0x72: {  	_ =	shalt  }
0x73: {  	_ =	shalt  }
0x74: {  	_ =	shalt  }
0x75: {  	_ =	shalt  }
0x76: {  	_ =	shalt  }
0x77: {  	_ =	shalt  }
0x78: {  	_ =	shalt  }
0x79: {  	_ =	shalt  }
0x7a: {  	_ =	shalt  }
0x7b: {  	_ =	shalt  }
0x7c: {  	_ =	shalt  }
0x7d: {  	_ =	shalt  }
0x7e: {  	_ =	shalt  }
0x7f: {  	_ =	shalt  }
0x80: {  	_ =	shalt  }
0x81: {  	_ =	shalt  }
0x82: {  	_ =	shalt  }
0x83: {  	_ =	shalt  }
0x84: {  	_ =	shalt  }
0x85: {  	_ =	shalt  }
0x86: {  	_ =	shalt  }
0x87: {  	_ =	shalt  }
.Lfunc_end0:
.L_simem_size_0:
called_computation_lowered:
.L_overlay_start_0:
0x88: {  	s2 =	sld [smem:$0x3FD9]  }
0x89: {  	s3 =	sld [smem:$0x3FFE];
	_ =	sdelay $0x1  }
0x8a: {  	s1 =	srdreg.scid  }
0x8b: {  	s0 =	sand.u32 $0x1, s1  }
0x8c: {  	s17 =	sshll.u32 s0, $0xA;
	s2 =	sadd.s32 s3, s2  }
0x8d: {  	s2 =	sadd.s32 s2, s17  }
0x8e: {  	[smem:$0x3FC3] =	sst s2  }
0x8f: {  	_ = 	snop  }
0x90: {  	s2 =	sld [smem:$0x3FC7];
	(tm) =	ssettm $0x1  }
0x91: {  	s18 =	sld [smem:$0x3FFB];
	_ =	sdelay $0x3  }
0x92: {  	_ =	strace s18  }
0x93: {  	s3 =	sld [smem:$0x3FFC];
	_ =	sdelay $0x3  }
0x94: {  	_ =	strace s3  }
0x95: {  	s3 =	sld [smem:$0x3FFD];
	_ =	sdelay $0x3  }
0x96: {  	_ =	strace s3  }
0x97: {  	_ =	strace $0x8FFFFFFF  }
0x98: {  	s19 =	sld [smem:$0x3FDB];
	_ =	sdelay $0x1  }
0x99: {  	s4 =	simm.s32 $_scs_section_size  }
0x9a: {  	s5 =	simm.s32 $_size__tile_overlayer_lowered;
	s6 =	simm.s32 $_tile_overlayer_lowered  }
0x9b: {  	s22 =	simm.s32 $0x1BFF;
	s21 =	sshll.u32 s6, $0x1;
	s3 =	sadd.s32 s4, s19  }
0x9c: {  	s7 =	simm.s32 $0x0;
	s20 =	sshll.u32 s5, $0x1;
	s5 =	sadd.s32 s21, s3  }
0x9d: {  	[timem:s7], [sflag:s22] =	dma.local [hbm:s5], s20  }
0x9e: {  	_ =	swait.ge [sflag:s22], s20  }
0x9f: {  	s4 =	ssub.s32 $0x0, s20;
	[sflag:s22] =	ssyncset.done $0x0  }
0xa0: {  	[sflag:s22] =	ssyncadd.s32 s4;
	_ =	sdelay $0x1  }
0xa1: {  	s23 =	simm.s32 $0x1B8B  }
0xa2: {  	_ =	swait.ge [sflag:s23], $0x1  }
0xa3: {  	[sflag:s23] =	ssyncset.done $0x0  }
0xa4: {  	s25 =	simm.s32 $0x1B8E;
	s24 =	sld [smem:$0x3FFE];
	[sflag:s23] =	ssyncadd.s32 $0xFFFFFFFF  }
0xa5: {  	s26 =	simm.s32 $execute0_lowered;
	[smem:$0x3FD2] =	sst s25  }
0xa6: {  	s5 =	sshll.u32 s26, $0x1;
	_ =	strace $0x80000046;
	[dreg:$0x1] =	wrdreg $0xFFFFFFFF  }
0xa7: {  	s28 =	simm.s32 $_size_execute0_lowered;
	s3 =	sadd.s32 s3, s5;
	[dreg:$0x0] =	wrdreg $0x0  }
0xa8: {  	s5 =	sshll.u32 s28, $0x1;
	[dreg:$0x2] =	wrdreg s3  }
0xa9: {  	[dreg:$0x3] =	wrdreg s5  }
0xaa: {  	[dreg:$0x4] =	wrdreg $0xC0  }
0xab: {  	_ =	task [dreg:s7], $0x5FFFF  }
0xac: {  	[dreg:$0x1] =	wrdreg $0xFFFFFFFF  }
0xad: {  	[dreg:$0x0] =	wrdreg $0x60  }
0xae: {  	[dreg:$0x2] =	wrdreg s2  }
0xaf: {  	[dreg:$0x3] =	wrdreg s24  }
0xb0: {  	[dreg:$0x4] =	wrdreg $0x9  }
0xb1: {  	_ =	task.clear_ibuf [dreg:s7], $0x5FFFF;
	_ =	strace $0x90000046  }
0xb2: {  	s29 =	simm.s32 $0x9;
	_ =	strace $0x80000048  }
0xb3: {  	_ =	swait.ge [sflag:s29], $0x1  }
0xb4: {  	[sflag:s29] =	ssyncadd.s32 $0xFFFFFFFF  }
0xb5: {  	_ =	strace $0x90000048  }
0xb6: {  	_ =	sfence  }
0xb7: {  	s30 =	sld [smem:$0x0];
	_ =	sdelay $0x2  }
0xb8: {  	s31 =	sshll.u32 s1, $0xD;
	s1 =	sshrl.u32 s1, $0x2  }
0xb9: {  	s3 =	sand.u32 $0x4000, s31;
	s1 =	sadd.s32 s1, s30  }
0xba: {  	s0 =	sor.u32 s3, s0;
	s1 =	sshll.u32 s1, $0x11  }
0xbb: {  	s0 =	sor.u32 s1, s0  }
0xbc: {  	s0 =	sadd.s32 $0x8F2B, s0  }
0xbd: {  	[sflag:s0] =	ssyncadd.remote.s32 $0x1  }
0xbe: {  	_ =	sfence.sel $0xFFFF  }
0xbf: {  	[dreg:$0x0] =	wrdreg $0xFFFFFFFF;
	(pc) =	sbr.abs _section_cstart, $3  }
0xc0: {  	[dreg:$0x1] =	wrdreg $0xFFFFFFFF  }
0xc1: {  	_ =	task.clear_ibuf [dreg:s7], $0x2FFFF;
	_ =	strace $0x9FFFFFFF  }
0xc2: {  	(tm) =	ssettm $0x7FFFFFFF  }
0xc3: {  	_ =	shalt  }
tec
execute0_lowered:
.L_overlay_start_1:
0x0: {  	(tag) =	ssettag $0x1  }
0x1: {  	s4 =	rddreg [dreg:$0x0]  }
0x2: {  	s5 =	rddreg [dreg:$0x1];
	s3 =	srdreg.scid  }
0x3: {  	s2 =	simm.s32 $0x0;
	s0 =	stileid.u32;
	s9 =	simm.s32 $0x600  }
0x4: {  	s10 =	simm.s32 $0xA00;
	s11 =	simm.s32 $0xE00;
	s12 =	simm.s32 $0x1200  }
0x5: {  	s13 =	simm.s32 $0x1600;
	s14 =	simm.s32 $0x1A00;
	s15 =	simm.s32 $0x1E00  }
0x6: {  	s16 =	simm.s32 $0x2200;
	s17 =	simm.s32 $0x2600;
	s18 =	simm.s32 $0x2A00  }
0x7: {  	s19 =	simm.s32 $0x2E00;
	s20 =	simm.s32 $0x3200;
	s21 =	simm.s32 $0x3600  }
0x8: {  	s22 =	simm.s32 $0x3A00;
	s23 =	simm.s32 $0x3E00;
	s24 =	simm.s32 $0x1  }
0x9: {  	s25 =	simm.s32 $0x8200;
	s26 =	simm.s32 $0x0;
	s6 =	sand.u32 $0x1, s3  }
0xa: {  	[smem:$0x7FF] =	sst s2;
	s30 =	sshll.u32 s0, $0xA;
	s3 =	sadd.s32 $0xA00, s5  }
.Ltmp0:
0xb: {  	s7 =	sshll.u32 s6, $0x9;
	s6 =	ssub.s32 $0x2, s6;
	(pc) =	sbr.rel .LBB2_1-.Ltmp0, $4  }
0xc: {  	_ =	strace $0x80000047;
	s7 =	sor.u32 s7, s30;
	s31 =	sshrl.u32 s6, $0x1  }
0xd: {  	s8 =	sshll.u32 s7, $0x4;
	s7 =	sshrl.u32 s7, $0x3;
	s6 =	ssub.s32 s6, s31  }
0xe: {  	s5 =	sadd.s32 s8, s5;
	s4 =	sadd.s32 s4, s7;
	s6 =	smax.u32 s6, $0x1  }
0xf: {  	s7 =	simm.s32 $0x2;
	s8 =	simm.s32 $0x200;
	s5 =	sadd.s32 $0xF42E00, s5  }
.LBB2_5:
0x10: {  	s26 =	sadd.s32 $0x1, s26  }
0x11: {  	p0 =	sne.s32 s26, s6  }
.Ltmp1:
0x12: {  	_ = 	snop;
	(pc) =	sbr.rel @!p0 .LBB2_6-.Ltmp1, $4  }
0x13: {  	[hbm4b:s5+s2] =	stream.linear.scatter [tilespmem:s25], [sflag:$0x2], $0x10000, $0x38;
	[tilespmem:$0x18200] =	vst v63  }
0x14: {  	_ =	swait.ge [sflag:s7], $0x10000  }
0x15: {  	[sflag:s7] =	ssyncset.done $0x0  }
0x16: {  	[sflag:s7] =	ssyncadd.s32 $0xFFFF0000  }
.LBB2_1:
0x17: {  	[tilespmem:s2], [sflag:$0x2] =	stream.linear.gather [hbm4b:s4+s2], $0x200, $0x38;
	[tilespmem:$0x18200] =	vst v63  }
0x18: {  	_ =	swait.ge [sflag:s7], $0x200  }
0x19: {  	[sflag:s7] =	ssyncset.done $0x0  }
0x1a: {  	[sflag:s7] =	ssyncadd.s32 $0xFFFFFE00  }
0x1b: {  	v0 =	vld [tilespmem:$0x0];
	_ =	sdelay $0x4  }
0x1c: {  	v0 =	vshrl.u32 v0, $0x3  }
0x1d: {  	v0 =	vshll.u32 v0, $0x7  }
0x1e: {  	(v2sf) =	vpush v0, $0x0;
	_ =	sdelay $0x3  }
0x1f: {  	(v2sf) =	vpush v0, $0x1;
	_ =	sdelay $0x3  }
0x20: {  	(v2sf) =	vpush v0, $0x2;
	_ =	sdelay $0x3  }
0x21: {  	(v2sf) =	vpush v0, $0x3;
	_ =	sdelay $0x2  }
0x22: {  	s28 =	spop (v2sf)  }
0x23: {  	(v2sf) =	vpush v0, $0x4;
	s28 =	sand.u32 $0x1FFFFF80, s28  }
0x24: {  	s28 =	sadd.s32 s3, s28  }
0x25: {  	[tilespmem:s8], [sflag:$0x1] =	stream.linear.gather [hbm4b:s28+s2], $0x400, $0x38;
	[tilespmem:$0x18200] =	vst v63  }
0x26: {  	s28 =	spop (v2sf)  }
0x27: {  	(v2sf) =	vpush v0, $0x5;
	s28 =	sand.u32 $0x1FFFFF80, s28  }
0x28: {  	s28 =	sadd.s32 s3, s28  }
0x29: {  	[tilespmem:s9], [sflag:$0x1] =	stream.linear.gather [hbm4b:s28+s2], $0x400, $0x38;
	[tilespmem:$0x18200] =	vst v63  }
0x2a: {  	s28 =	spop (v2sf)  }
0x2b: {  	(v2sf) =	vpush v0, $0x6;
	s28 =	sand.u32 $0x1FFFFF80, s28  }
0x2c: {  	s28 =	sadd.s32 s3, s28  }
0x2d: {  	[tilespmem:s10], [sflag:$0x1] =	stream.linear.gather [hbm4b:s28+s2], $0x400, $0x38;
	[tilespmem:$0x18200] =	vst v63  }
0x2e: {  	s28 =	spop (v2sf)  }
0x2f: {  	(v2sf) =	vpush v0, $0x7;
	s28 =	sand.u32 $0x1FFFFF80, s28  }
0x30: {  	s28 =	sadd.s32 s3, s28  }
0x31: {  	[tilespmem:s11], [sflag:$0x1] =	stream.linear.gather [hbm4b:s28+s2], $0x400, $0x38;
	[tilespmem:$0x18200] =	vst v63  }
0x32: {  	s28 =	spop (v2sf)  }
0x33: {  	(v2sf) =	vpush v0, $0x8;
	s28 =	sand.u32 $0x1FFFFF80, s28  }
0x34: {  	s28 =	sadd.s32 s3, s28  }
0x35: {  	[tilespmem:s12], [sflag:$0x1] =	stream.linear.gather [hbm4b:s28+s2], $0x400, $0x38;
	[tilespmem:$0x18200] =	vst v63  }
0x36: {  	s28 =	spop (v2sf)  }
0x37: {  	(v2sf) =	vpush v0, $0x9;
	s28 =	sand.u32 $0x1FFFFF80, s28  }
0x38: {  	s28 =	sadd.s32 s3, s28  }
0x39: {  	[tilespmem:s13], [sflag:$0x1] =	stream.linear.gather [hbm4b:s28+s2], $0x400, $0x38;
	[tilespmem:$0x18200] =	vst v63  }
0x3a: {  	s28 =	spop (v2sf)  }
0x3b: {  	(v2sf) =	vpush v0, $0xA;
	s28 =	sand.u32 $0x1FFFFF80, s28  }
0x3c: {  	s28 =	sadd.s32 s3, s28  }
0x3d: {  	(v2sf) =	vpush v0, $0xB;
	[tilespmem:s14], [sflag:$0x1] =	stream.linear.gather [hbm4b:s28+s2], $0x400, $0x38;
	[tilespmem:$0x18200] =	vst v63  }
0x3e: {  	s28 =	spop (v2sf)  }
0x3f: {  	s28 =	sand.u32 $0x1FFFFF80, s28  }
0x40: {  	(v2sf) =	vpush v0, $0xC;
	s28 =	sadd.s32 s3, s28  }
0x41: {  	[tilespmem:s15], [sflag:$0x1] =	stream.linear.gather [hbm4b:s28+s2], $0x400, $0x38;
	[tilespmem:$0x18200] =	vst v63  }
0x42: {  	s28 =	spop (v2sf)  }
0x43: {  	s28 =	sand.u32 $0x1FFFFF80, s28  }
0x44: {  	s28 =	sadd.s32 s3, s28  }
0x45: {  	(v2sf) =	vpush v0, $0xD;
	[tilespmem:s16], [sflag:$0x1] =	stream.linear.gather [hbm4b:s28+s2], $0x400, $0x38;
	[tilespmem:$0x18200] =	vst v63  }
0x46: {  	s28 =	spop (v2sf)  }
0x47: {  	(v2sf) =	vpush v0, $0xE;
	s28 =	sand.u32 $0x1FFFFF80, s28  }
0x48: {  	s28 =	sadd.s32 s3, s28  }
0x49: {  	[tilespmem:s17], [sflag:$0x1] =	stream.linear.gather [hbm4b:s28+s2], $0x400, $0x38;
	[tilespmem:$0x18200] =	vst v63  }
0x4a: {  	s28 =	spop (v2sf)  }
0x4b: {  	s28 =	sand.u32 $0x1FFFFF80, s28  }
0x4c: {  	(v2sf) =	vpush v0, $0xF;
	s29 =	spop (v2sf);
	s28 =	sadd.s32 s3, s28  }
0x4d: {  	[tilespmem:s18], [sflag:$0x1] =	stream.linear.gather [hbm4b:s28+s2], $0x400, $0x38;
	[tilespmem:$0x18200] =	vst v63  }
0x4e: {  	s28 =	sand.u32 $0x1FFFFF80, s29  }
0x4f: {  	s29 =	spop (v2sf);
	s28 =	sadd.s32 s3, s28  }
0x50: {  	[tilespmem:s19], [sflag:$0x1] =	stream.linear.gather [hbm4b:s28+s2], $0x400, $0x38;
	[tilespmem:$0x18200] =	vst v63  }
0x51: {  	s28 =	sand.u32 $0x1FFFFF80, s29  }
0x52: {  	s28 =	sadd.s32 s3, s28  }
0x53: {  	[tilespmem:s20], [sflag:$0x1] =	stream.linear.gather [hbm4b:s28+s2], $0x400, $0x38;
	[tilespmem:$0x18200] =	vst v63  }
0x54: {  	s29 =	spop (v2sf)  }
0x55: {  	s28 =	sand.u32 $0x1FFFFF80, s29  }
0x56: {  	s28 =	sadd.s32 s3, s28;
	s29 =	spop (v2sf)  }
0x57: {  	[tilespmem:s21], [sflag:$0x1] =	stream.linear.gather [hbm4b:s28+s2], $0x400, $0x38;
	[tilespmem:$0x18200] =	vst v63  }
0x58: {  	s28 =	sand.u32 $0x1FFFFF80, s29  }
0x59: {  	s28 =	sadd.s32 s3, s28  }
0x5a: {  	[tilespmem:s22], [sflag:$0x1] =	stream.linear.gather [hbm4b:s28+s2], $0x400, $0x38;
	[tilespmem:$0x18200] =	vst v63  }
.Ltmp2:
0x5b: {  	s28 =	spop (v2sf);
	(pc) =	sbr.rel .LBB2_2-.Ltmp2, $4  }
0x5c: {  	s28 =	sand.u32 $0x1FFFFF80, s28  }
0x5d: {  	s28 =	sadd.s32 s3, s28  }
0x5e: {  	[tilespmem:s23], [sflag:$0x1] =	stream.linear.gather [hbm4b:s28+s2], $0x400, $0x38;
	[tilespmem:$0x18200] =	vst v63  }
0x5f: {  	s30 =	simm.s32 $0x0;
	s29 =	simm.s32 $0x10;
	s28 =	simm.s32 $0x8600  }
.LBB2_4:
0x60: {  	v0 =	vld [tilespmem:s29+$0xFFFFFFF0];
	_ =	sdelay $0x4  }
0x61: {  	v0 =	vand.u32 $0x7, v0  }
0x62: {  	s0 =	sadd.s32 $0x200, s31;
	v0 =	vshll.u32 v0, $0x7  }
0x63: {  	v0 =	vadd.s32 s0, v0  }
0x64: {  	(v2sf) =	vpush v0, $0x0;
	_ =	sdelay $0xe  }
0x65: {  	s1 =	spop (v2sf)  }
0x66: {  	v1 =	vld [tilespmem:s1+$0x0];
	_ =	sdelay $0x4  }
0x67: {  	[tilespmem:s28+$0xFFFFFC00] =	vst v1  }
0x68: {  	v1 =	vld [tilespmem:s1+$0x10];
	_ =	sdelay $0x1  }
0x69: {  	(v2sf) =	vpush v0, $0x1;
	_ =	sdelay $0x2  }
0x6a: {  	[tilespmem:s28+$0xFFFFFC10] =	vst v1  }
0x6b: {  	v1 =	vld [tilespmem:s1+$0x20];
	_ =	sdelay $0x4  }
0x6c: {  	[tilespmem:s28+$0xFFFFFC20] =	vst v1  }
0x6d: {  	v1 =	vld [tilespmem:s1+$0x30];
	_ =	sdelay $0x4  }
0x6e: {  	s31 =	spop (v2sf);
	[tilespmem:s28+$0xFFFFFC30] =	vst v1  }
0x6f: {  	v1 =	vld [tilespmem:s31+$0x400];
	_ =	sdelay $0x4  }
0x70: {  	[tilespmem:s28+$0xFFFFFC80] =	vst v1  }
0x71: {  	v1 =	vld [tilespmem:s31+$0x410];
	_ =	sdelay $0x1  }
0x72: {  	(v2sf) =	vpush v0, $0x2;
	_ =	sdelay $0x2  }
0x73: {  	[tilespmem:s28+$0xFFFFFC90] =	vst v1  }
0x74: {  	v1 =	vld [tilespmem:s31+$0x420];
	_ =	sdelay $0x4  }
0x75: {  	[tilespmem:s28+$0xFFFFFCA0] =	vst v1  }
0x76: {  	v1 =	vld [tilespmem:s31+$0x430];
	_ =	sdelay $0x4  }
0x77: {  	s1 =	spop (v2sf);
	[tilespmem:s28+$0xFFFFFCB0] =	vst v1  }
0x78: {  	v1 =	vld [tilespmem:s1+$0x800];
	_ =	sdelay $0x4  }
0x79: {  	[tilespmem:s28+$0xFFFFFD00] =	vst v1  }
0x7a: {  	v1 =	vld [tilespmem:s1+$0x810];
	_ =	sdelay $0x1  }
0x7b: {  	(v2sf) =	vpush v0, $0x3;
	_ =	sdelay $0x2  }
0x7c: {  	[tilespmem:s28+$0xFFFFFD10] =	vst v1  }
0x7d: {  	v1 =	vld [tilespmem:s1+$0x820];
	_ =	sdelay $0x4  }
0x7e: {  	[tilespmem:s28+$0xFFFFFD20] =	vst v1  }
0x7f: {  	v1 =	vld [tilespmem:s1+$0x830];
	_ =	sdelay $0x4  }
0x80: {  	s31 =	spop (v2sf);
	[tilespmem:s28+$0xFFFFFD30] =	vst v1  }
0x81: {  	v1 =	vld [tilespmem:s31+$0xC00];
	_ =	sdelay $0x4  }
0x82: {  	[tilespmem:s28+$0xFFFFFD80] =	vst v1  }
0x83: {  	v1 =	vld [tilespmem:s31+$0xC10];
	_ =	sdelay $0x1  }
0x84: {  	(v2sf) =	vpush v0, $0x4;
	_ =	sdelay $0x2  }
0x85: {  	[tilespmem:s28+$0xFFFFFD90] =	vst v1  }
0x86: {  	v1 =	vld [tilespmem:s31+$0xC20];
	_ =	sdelay $0x4  }
0x87: {  	[tilespmem:s28+$0xFFFFFDA0] =	vst v1  }
0x88: {  	v1 =	vld [tilespmem:s31+$0xC30];
	_ =	sdelay $0x4  }
0x89: {  	s1 =	spop (v2sf);
	[tilespmem:s28+$0xFFFFFDB0] =	vst v1  }
0x8a: {  	v1 =	vld [tilespmem:s1+$0x1000];
	_ =	sdelay $0x4  }
0x8b: {  	[tilespmem:s28+$0xFFFFFE00] =	vst v1  }
0x8c: {  	v1 =	vld [tilespmem:s1+$0x1010];
	_ =	sdelay $0x1  }
0x8d: {  	(v2sf) =	vpush v0, $0x5;
	_ =	sdelay $0x2  }
0x8e: {  	[tilespmem:s28+$0xFFFFFE10] =	vst v1  }
0x8f: {  	v1 =	vld [tilespmem:s1+$0x1020];
	_ =	sdelay $0x4  }
0x90: {  	[tilespmem:s28+$0xFFFFFE20] =	vst v1  }
0x91: {  	v1 =	vld [tilespmem:s1+$0x1030];
	_ =	sdelay $0x4  }
0x92: {  	s31 =	spop (v2sf);
	[tilespmem:s28+$0xFFFFFE30] =	vst v1  }
0x93: {  	v1 =	vld [tilespmem:s31+$0x1400];
	_ =	sdelay $0x4  }
0x94: {  	[tilespmem:s28+$0xFFFFFE80] =	vst v1  }
0x95: {  	v1 =	vld [tilespmem:s31+$0x1410];
	_ =	sdelay $0x1  }
0x96: {  	(v2sf) =	vpush v0, $0x6;
	_ =	sdelay $0x2  }
0x97: {  	[tilespmem:s28+$0xFFFFFE90] =	vst v1  }
0x98: {  	v1 =	vld [tilespmem:s31+$0x1420];
	_ =	sdelay $0x4  }
0x99: {  	[tilespmem:s28+$0xFFFFFEA0] =	vst v1  }
0x9a: {  	v1 =	vld [tilespmem:s31+$0x1430];
	_ =	sdelay $0x4  }
0x9b: {  	s1 =	spop (v2sf);
	[tilespmem:s28+$0xFFFFFEB0] =	vst v1  }
0x9c: {  	v1 =	vld [tilespmem:s1+$0x1800];
	_ =	sdelay $0x4  }
0x9d: {  	[tilespmem:s28+$0xFFFFFF00] =	vst v1  }
0x9e: {  	v1 =	vld [tilespmem:s1+$0x1810];
	_ =	sdelay $0x1  }
0x9f: {  	(v2sf) =	vpush v0, $0x7;
	_ =	sdelay $0x2  }
0xa0: {  	[tilespmem:s28+$0xFFFFFF10] =	vst v1  }
0xa1: {  	v1 =	vld [tilespmem:s1+$0x1820];
	_ =	sdelay $0x4  }
0xa2: {  	[tilespmem:s28+$0xFFFFFF20] =	vst v1  }
0xa3: {  	v1 =	vld [tilespmem:s1+$0x1830];
	_ =	sdelay $0x4  }
0xa4: {  	s31 =	spop (v2sf);
	[tilespmem:s28+$0xFFFFFF30] =	vst v1  }
0xa5: {  	v1 =	vld [tilespmem:s31+$0x1C00];
	_ =	sdelay $0x4  }
0xa6: {  	[tilespmem:s28+$0xFFFFFF80] =	vst v1  }
0xa7: {  	v1 =	vld [tilespmem:s31+$0x1C10];
	_ =	sdelay $0x1  }
0xa8: {  	(v2sf) =	vpush v0, $0x8;
	_ =	sdelay $0x2  }
0xa9: {  	[tilespmem:s28+$0xFFFFFF90] =	vst v1  }
0xaa: {  	v1 =	vld [tilespmem:s31+$0x1C20];
	_ =	sdelay $0x4  }
0xab: {  	[tilespmem:s28+$0xFFFFFFA0] =	vst v1  }
0xac: {  	v1 =	vld [tilespmem:s31+$0x1C30];
	_ =	sdelay $0x4  }
0xad: {  	s1 =	spop (v2sf);
	[tilespmem:s28+$0xFFFFFFB0] =	vst v1  }
0xae: {  	v1 =	vld [tilespmem:s1+$0x2000];
	_ =	sdelay $0x4  }
0xaf: {  	[tilespmem:s28+$0x0] =	vst v1  }
0xb0: {  	v1 =	vld [tilespmem:s1+$0x2010];
	_ =	sdelay $0x1  }
0xb1: {  	(v2sf) =	vpush v0, $0x9;
	_ =	sdelay $0x2  }
0xb2: {  	[tilespmem:s28+$0x10] =	vst v1  }
0xb3: {  	v1 =	vld [tilespmem:s1+$0x2020];
	_ =	sdelay $0x4  }
0xb4: {  	[tilespmem:s28+$0x20] =	vst v1  }
0xb5: {  	v1 =	vld [tilespmem:s1+$0x2030];
	_ =	sdelay $0x4  }
0xb6: {  	s31 =	spop (v2sf);
	[tilespmem:s28+$0x30] =	vst v1  }
0xb7: {  	v1 =	vld [tilespmem:s31+$0x2400];
	_ =	sdelay $0x4  }
0xb8: {  	[tilespmem:s28+$0x80] =	vst v1  }
0xb9: {  	v1 =	vld [tilespmem:s31+$0x2410];
	_ =	sdelay $0x1  }
0xba: {  	(v2sf) =	vpush v0, $0xA;
	_ =	sdelay $0x2  }
0xbb: {  	[tilespmem:s28+$0x90] =	vst v1  }
0xbc: {  	v1 =	vld [tilespmem:s31+$0x2420];
	_ =	sdelay $0x4  }
0xbd: {  	[tilespmem:s28+$0xA0] =	vst v1  }
0xbe: {  	v1 =	vld [tilespmem:s31+$0x2430];
	_ =	sdelay $0x4  }
0xbf: {  	s1 =	spop (v2sf);
	[tilespmem:s28+$0xB0] =	vst v1  }
0xc0: {  	v1 =	vld [tilespmem:s1+$0x2800];
	_ =	sdelay $0x4  }
0xc1: {  	[tilespmem:s28+$0x100] =	vst v1  }
0xc2: {  	v1 =	vld [tilespmem:s1+$0x2810];
	_ =	sdelay $0x1  }
0xc3: {  	(v2sf) =	vpush v0, $0xB;
	_ =	sdelay $0x2  }
0xc4: {  	[tilespmem:s28+$0x110] =	vst v1  }
0xc5: {  	v1 =	vld [tilespmem:s1+$0x2820];
	_ =	sdelay $0x4  }
0xc6: {  	[tilespmem:s28+$0x120] =	vst v1  }
0xc7: {  	v1 =	vld [tilespmem:s1+$0x2830];
	_ =	sdelay $0x4  }
0xc8: {  	s31 =	spop (v2sf);
	[tilespmem:s28+$0x130] =	vst v1  }
0xc9: {  	v1 =	vld [tilespmem:s31+$0x2C00];
	_ =	sdelay $0x4  }
0xca: {  	[tilespmem:s28+$0x180] =	vst v1  }
0xcb: {  	v1 =	vld [tilespmem:s31+$0x2C10];
	_ =	sdelay $0x1  }
0xcc: {  	(v2sf) =	vpush v0, $0xC;
	_ =	sdelay $0x2  }
0xcd: {  	[tilespmem:s28+$0x190] =	vst v1  }
0xce: {  	v1 =	vld [tilespmem:s31+$0x2C20];
	_ =	sdelay $0x4  }
0xcf: {  	[tilespmem:s28+$0x1A0] =	vst v1  }
0xd0: {  	v1 =	vld [tilespmem:s31+$0x2C30];
	_ =	sdelay $0x4  }
0xd1: {  	s1 =	spop (v2sf);
	[tilespmem:s28+$0x1B0] =	vst v1  }
0xd2: {  	v1 =	vld [tilespmem:s1+$0x3000];
	_ =	sdelay $0x4  }
0xd3: {  	[tilespmem:s28+$0x200] =	vst v1  }
0xd4: {  	v1 =	vld [tilespmem:s1+$0x3010];
	_ =	sdelay $0x1  }
0xd5: {  	(v2sf) =	vpush v0, $0xD;
	_ =	sdelay $0x2  }
0xd6: {  	[tilespmem:s28+$0x210] =	vst v1  }
0xd7: {  	v1 =	vld [tilespmem:s1+$0x3020];
	_ =	sdelay $0x4  }
0xd8: {  	[tilespmem:s28+$0x220] =	vst v1  }
0xd9: {  	v1 =	vld [tilespmem:s1+$0x3030];
	_ =	sdelay $0x4  }
0xda: {  	s31 =	spop (v2sf);
	[tilespmem:s28+$0x230] =	vst v1  }
0xdb: {  	v1 =	vld [tilespmem:s31+$0x3400];
	_ =	sdelay $0x4  }
0xdc: {  	[tilespmem:s28+$0x280] =	vst v1  }
0xdd: {  	v1 =	vld [tilespmem:s31+$0x3410];
	_ =	sdelay $0x1  }
0xde: {  	(v2sf) =	vpush v0, $0xE;
	_ =	sdelay $0x2  }
0xdf: {  	[tilespmem:s28+$0x290] =	vst v1  }
0xe0: {  	v1 =	vld [tilespmem:s31+$0x3420];
	_ =	sdelay $0x4  }
0xe1: {  	[tilespmem:s28+$0x2A0] =	vst v1  }
0xe2: {  	v1 =	vld [tilespmem:s31+$0x3430];
	_ =	sdelay $0x4  }
0xe3: {  	s1 =	spop (v2sf);
	[tilespmem:s28+$0x2B0] =	vst v1  }
0xe4: {  	v1 =	vld [tilespmem:s1+$0x3800];
	_ =	sdelay $0x4  }
0xe5: {  	[tilespmem:s28+$0x300] =	vst v1  }
0xe6: {  	v1 =	vld [tilespmem:s1+$0x3810];
	_ =	sdelay $0x1  }
0xe7: {  	(v2sf) =	vpush v0, $0xF;
	_ =	sdelay $0x2  }
0xe8: {  	[tilespmem:s28+$0x310] =	vst v1  }
0xe9: {  	v63 =	vld [tilespmem:s1+$0x3820];
	_ =	sdelay $0x4  }
0xea: {  	[tilespmem:s28+$0x320] =	vst v63  }
0xeb: {  	v0 =	vld [tilespmem:s1+$0x3830];
	_ =	sdelay $0x4  }
0xec: {  	s31 =	spop (v2sf);
	[tilespmem:s28+$0x330] =	vst v0  }
0xed: {  	v0 =	vld [tilespmem:s31+$0x3C00];
	_ =	sdelay $0x4  }
0xee: {  	[tilespmem:s28+$0x380] =	vst v0  }
0xef: {  	v0 =	vld [tilespmem:s31+$0x3C10];
	_ =	sdelay $0x4  }
0xf0: {  	[tilespmem:s28+$0x390] =	vst v0  }
0xf1: {  	v0 =	vld [tilespmem:s31+$0x3C20];
	_ =	sdelay $0x4  }
0xf2: {  	s30 =	sadd.s32 $0x4000, s30;
	[tilespmem:s28+$0x3A0] =	vst v0  }
0xf3: {  	p0 =	sne.s32 s30, $0x80000;
	v0 =	vld [tilespmem:s31+$0x3C30]  }
.Ltmp3:
0xf4: {  	_ = 	snop;
	(pc) =	sbr.rel @!p0 .LBB2_5-.Ltmp3, $2  }
0xf5: {  	_ =	sdelay $0x2  }
0xf6: {  	s29 =	sadd.s32 $0x10, s29;
	[tilespmem:s28+$0x3B0] =	vst v0;
	s28 =	sadd.s32 $0x800, s28  }
.LBB2_2:
0xf7: {  	_ =	swait.ge [sflag:s24], $0x400  }
0xf8: {  	[sflag:s24] =	ssyncset.done $0x0  }
0xf9: {  	[sflag:s24] =	ssyncadd.s32 $0xFFFFFC00  }
0xfa: {  	_ =	swait.ge [sflag:s24], $0x400  }
0xfb: {  	[sflag:s24] =	ssyncset.done $0x0  }
0xfc: {  	[sflag:s24] =	ssyncadd.s32 $0xFFFFFC00  }
0xfd: {  	_ =	swait.ge [sflag:s24], $0x400  }
0xfe: {  	[sflag:s24] =	ssyncset.done $0x0  }
0xff: {  	[sflag:s24] =	ssyncadd.s32 $0xFFFFFC00  }
0x100: {  	_ =	swait.ge [sflag:s24], $0x400  }
0x101: {  	[sflag:s24] =	ssyncset.done $0x0  }
0x102: {  	[sflag:s24] =	ssyncadd.s32 $0xFFFFFC00  }
0x103: {  	_ =	swait.ge [sflag:s24], $0x400  }
0x104: {  	[sflag:s24] =	ssyncset.done $0x0  }
0x105: {  	[sflag:s24] =	ssyncadd.s32 $0xFFFFFC00  }
0x106: {  	_ =	swait.ge [sflag:s24], $0x400  }
0x107: {  	[sflag:s24] =	ssyncset.done $0x0  }
0x108: {  	[sflag:s24] =	ssyncadd.s32 $0xFFFFFC00  }
0x109: {  	_ =	swait.ge [sflag:s24], $0x400  }
0x10a: {  	[sflag:s24] =	ssyncset.done $0x0  }
0x10b: {  	[sflag:s24] =	ssyncadd.s32 $0xFFFFFC00  }
0x10c: {  	_ =	swait.ge [sflag:s24], $0x400  }
0x10d: {  	[sflag:s24] =	ssyncset.done $0x0  }
0x10e: {  	[sflag:s24] =	ssyncadd.s32 $0xFFFFFC00  }
0x10f: {  	_ =	swait.ge [sflag:s24], $0x400  }
0x110: {  	[sflag:s24] =	ssyncset.done $0x0  }
0x111: {  	[sflag:s24] =	ssyncadd.s32 $0xFFFFFC00  }
0x112: {  	_ =	swait.ge [sflag:s24], $0x400  }
0x113: {  	[sflag:s24] =	ssyncset.done $0x0  }
0x114: {  	[sflag:s24] =	ssyncadd.s32 $0xFFFFFC00  }
0x115: {  	_ =	swait.ge [sflag:s24], $0x400  }
0x116: {  	[sflag:s24] =	ssyncset.done $0x0  }
0x117: {  	[sflag:s24] =	ssyncadd.s32 $0xFFFFFC00  }
0x118: {  	_ =	swait.ge [sflag:s24], $0x400  }
0x119: {  	[sflag:s24] =	ssyncset.done $0x0  }
0x11a: {  	[sflag:s24] =	ssyncadd.s32 $0xFFFFFC00  }
0x11b: {  	_ =	swait.ge [sflag:s24], $0x400  }
0x11c: {  	[sflag:s24] =	ssyncset.done $0x0  }
0x11d: {  	[sflag:s24] =	ssyncadd.s32 $0xFFFFFC00  }
0x11e: {  	_ =	swait.ge [sflag:s24], $0x400  }
0x11f: {  	[sflag:s24] =	ssyncset.done $0x0  }
0x120: {  	[sflag:s24] =	ssyncadd.s32 $0xFFFFFC00  }
0x121: {  	p0 =	seq.s32 s30, $0x7C000;
	_ =	swait.ge [sflag:s24], $0x400  }
.Ltmp4:
0x122: {  	[sflag:s24] =	ssyncset.done $0x0;
	(pc) =	sbr.rel @p0 .LBB2_4-.Ltmp4, $4  }
0x123: {  	[sflag:s24] =	ssyncadd.s32 $0xFFFFFC00  }
0x124: {  	_ =	swait.ge [sflag:s24], $0x400  }
0x125: {  	[sflag:s24] =	ssyncset.done $0x0  }
0x126: {  	s31 =	simm.s32 $0x4000;
	[sflag:s24] =	ssyncadd.s32 $0xFFFFFC00  }
0x127: {  	v0 =	vld [tilespmem:s29+$0x0];
	_ =	sdelay $0x4  }
0x128: {  	v0 =	vshrl.u32 v0, $0x3  }
0x129: {  	v0 =	vshll.u32 v0, $0x7  }
0x12a: {  	(v2sf) =	vpush v0, $0x0;
	_ =	sdelay $0x3  }
0x12b: {  	(v2sf) =	vpush v0, $0x1;
	_ =	sdelay $0x3  }
0x12c: {  	(v2sf) =	vpush v0, $0x2;
	_ =	sdelay $0x3  }
0x12d: {  	(v2sf) =	vpush v0, $0x3;
	_ =	sdelay $0x2  }
0x12e: {  	s0 =	spop (v2sf)  }
0x12f: {  	s31 =	sand.u32 $0x4000, s30;
	(v2sf) =	vpush v0, $0x4;
	s0 =	sand.u32 $0x1FFFFF80, s0  }
0x130: {  	s1 =	sxor.u32 $0x4200, s31;
	s0 =	sadd.s32 s3, s0  }
0x131: {  	[tilespmem:s1], [sflag:$0x1] =	stream.linear.gather [hbm4b:s0+s2], $0x400, $0x38;
	[tilespmem:$0x18200] =	vst v63  }
0x132: {  	s1 =	spop (v2sf)  }
0x133: {  	(v2sf) =	vpush v0, $0x5;
	s0 =	sand.u32 $0x1FFFFF80, s1  }
0x134: {  	s1 =	sxor.u32 $0x4600, s31;
	s0 =	sadd.s32 s3, s0  }
0x135: {  	[tilespmem:s1], [sflag:$0x1] =	stream.linear.gather [hbm4b:s0+s2], $0x400, $0x38;
	[tilespmem:$0x18200] =	vst v63  }
0x136: {  	s1 =	spop (v2sf)  }
0x137: {  	(v2sf) =	vpush v0, $0x6;
	s0 =	sand.u32 $0x1FFFFF80, s1  }
0x138: {  	s1 =	sxor.u32 $0x4A00, s31;
	s0 =	sadd.s32 s3, s0  }
0x139: {  	[tilespmem:s1], [sflag:$0x1] =	stream.linear.gather [hbm4b:s0+s2], $0x400, $0x38;
	[tilespmem:$0x18200] =	vst v63  }
0x13a: {  	s1 =	spop (v2sf)  }
0x13b: {  	(v2sf) =	vpush v0, $0x7;
	s0 =	sand.u32 $0x1FFFFF80, s1  }
0x13c: {  	s1 =	sxor.u32 $0x4E00, s31;
	s0 =	sadd.s32 s3, s0  }
0x13d: {  	[tilespmem:s1], [sflag:$0x1] =	stream.linear.gather [hbm4b:s0+s2], $0x400, $0x38;
	[tilespmem:$0x18200] =	vst v63  }
0x13e: {  	s1 =	spop (v2sf)  }
0x13f: {  	(v2sf) =	vpush v0, $0x8;
	s0 =	sand.u32 $0x1FFFFF80, s1  }
0x140: {  	s1 =	sxor.u32 $0x5200, s31;
	s0 =	sadd.s32 s3, s0  }
0x141: {  	[tilespmem:s1], [sflag:$0x1] =	stream.linear.gather [hbm4b:s0+s2], $0x400, $0x38;
	[tilespmem:$0x18200] =	vst v63  }
0x142: {  	s1 =	spop (v2sf)  }
0x143: {  	(v2sf) =	vpush v0, $0x9;
	s0 =	sand.u32 $0x1FFFFF80, s1  }
0x144: {  	s1 =	sxor.u32 $0x5600, s31;
	s0 =	sadd.s32 s3, s0  }
0x145: {  	[tilespmem:s1], [sflag:$0x1] =	stream.linear.gather [hbm4b:s0+s2], $0x400, $0x38;
	[tilespmem:$0x18200] =	vst v63  }
0x146: {  	s1 =	spop (v2sf)  }
0x147: {  	(v2sf) =	vpush v0, $0xA;
	s0 =	sand.u32 $0x1FFFFF80, s1  }
0x148: {  	s1 =	sxor.u32 $0x5A00, s31;
	s0 =	sadd.s32 s3, s0  }
0x149: {  	[tilespmem:s1], [sflag:$0x1] =	stream.linear.gather [hbm4b:s0+s2], $0x400, $0x38;
	[tilespmem:$0x18200] =	vst v63  }
0x14a: {  	s1 =	spop (v2sf)  }
0x14b: {  	(v2sf) =	vpush v0, $0xB;
	s0 =	sand.u32 $0x1FFFFF80, s1  }
0x14c: {  	s1 =	sxor.u32 $0x5E00, s31;
	s0 =	sadd.s32 s3, s0  }
0x14d: {  	[tilespmem:s1], [sflag:$0x1] =	stream.linear.gather [hbm4b:s0+s2], $0x400, $0x38;
	[tilespmem:$0x18200] =	vst v63  }
0x14e: {  	s1 =	spop (v2sf)  }
0x14f: {  	(v2sf) =	vpush v0, $0xC;
	s0 =	sand.u32 $0x1FFFFF80, s1  }
0x150: {  	s1 =	sxor.u32 $0x6200, s31;
	s0 =	sadd.s32 s3, s0  }
0x151: {  	[tilespmem:s1], [sflag:$0x1] =	stream.linear.gather [hbm4b:s0+s2], $0x400, $0x38;
	[tilespmem:$0x18200] =	vst v63  }
0x152: {  	s1 =	spop (v2sf)  }
0x153: {  	(v2sf) =	vpush v0, $0xD;
	s0 =	sand.u32 $0x1FFFFF80, s1  }
0x154: {  	s1 =	sxor.u32 $0x6600, s31;
	s0 =	sadd.s32 s3, s0  }
0x155: {  	[tilespmem:s1], [sflag:$0x1] =	stream.linear.gather [hbm4b:s0+s2], $0x400, $0x38;
	[tilespmem:$0x18200] =	vst v63  }
0x156: {  	s1 =	spop (v2sf)  }
0x157: {  	(v2sf) =	vpush v0, $0xE;
	s0 =	sand.u32 $0x1FFFFF80, s1  }
0x158: {  	s1 =	sxor.u32 $0x6A00, s31;
	s0 =	sadd.s32 s3, s0  }
0x159: {  	[tilespmem:s1], [sflag:$0x1] =	stream.linear.gather [hbm4b:s0+s2], $0x400, $0x38;
	[tilespmem:$0x18200] =	vst v63  }
0x15a: {  	s1 =	spop (v2sf)  }
0x15b: {  	s0 =	sand.u32 $0x1FFFFF80, s1  }
0x15c: {  	(v2sf) =	vpush v0, $0xF;
	s1 =	sxor.u32 $0x6E00, s31;
	s0 =	sadd.s32 s3, s0  }
0x15d: {  	[tilespmem:s1], [sflag:$0x1] =	stream.linear.gather [hbm4b:s0+s2], $0x400, $0x38;
	[tilespmem:$0x18200] =	vst v63  }
0x15e: {  	s1 =	spop (v2sf)  }
0x15f: {  	s0 =	sand.u32 $0x1FFFFF80, s1  }
0x160: {  	s1 =	sxor.u32 $0x7200, s31;
	s0 =	sadd.s32 s3, s0  }
0x161: {  	[tilespmem:s1], [sflag:$0x1] =	stream.linear.gather [hbm4b:s0+s2], $0x400, $0x38;
	[tilespmem:$0x18200] =	vst v63  }
0x162: {  	s1 =	spop (v2sf)  }
0x163: {  	s0 =	sand.u32 $0x1FFFFF80, s1  }
0x164: {  	s1 =	sxor.u32 $0x7600, s31;
	s0 =	sadd.s32 s3, s0  }
0x165: {  	[tilespmem:s1], [sflag:$0x1] =	stream.linear.gather [hbm4b:s0+s2], $0x400, $0x38;
	[tilespmem:$0x18200] =	vst v63  }
0x166: {  	s1 =	spop (v2sf)  }
0x167: {  	s0 =	sand.u32 $0x1FFFFF80, s1  }
0x168: {  	s1 =	sxor.u32 $0x7A00, s31;
	s0 =	sadd.s32 s3, s0  }
0x169: {  	[tilespmem:s1], [sflag:$0x1] =	stream.linear.gather [hbm4b:s0+s2], $0x400, $0x38;
	[tilespmem:$0x18200] =	vst v63  }
.Ltmp5:
0x16a: {  	_ = 	snop;
	(pc) =	sbr.rel .LBB2_4-.Ltmp5, $4  }
0x16b: {  	s0 =	spop (v2sf)  }
0x16c: {  	s1 =	sxor.u32 $0x7C00, s31;
	s0 =	sand.u32 $0x1FFFFF80, s0  }
0x16d: {  	s1 =	sor.u32 $0x200, s1;
	s0 =	sadd.s32 s3, s0  }
0x16e: {  	[tilespmem:s1], [sflag:$0x1] =	stream.linear.gather [hbm4b:s0+s2], $0x400, $0x38;
	[tilespmem:$0x18200] =	vst v63  }
.LBB2_6:
0x16f: {  	_ =	sfence.sel $0x180000  }
0x170: {  	[bflag:$0x0] =	sbarrier.arrive $0xFFFF  }
0x171: {  	_ =	strace $0x90000047  }
0x172: {  	s0 =	stileid.u32;
	[bflag:$0x2] =	sbarrier.arrive $0xFFFF  }
0x173: {  	p0 =	sne.s32 s0, $0x0;
	s0 =	rddreg [dreg:$0x2]  }
0x174: {  	s0 =	sadd.s32 @!p0 $0x100000, s0  }
0x175: {  	[sflag:s0] =	ssyncadd.tile.s32 @!p0 $0x1;
	_ =	shalt  }
.Lfunc_end2:
_tile_overlayer_lowered:
.L_overlay_start_2:
0x176: {  	(tag) =	ssettag $0x2  }
0x177: {  	s0 =	rddreg [dreg:$0x0];
	s2 =	stileid.u32  }
0x178: {  	s1 =	rddreg [dreg:$0x1];
	p0 =	sne.s32 s2, $0x0  }
0x179: {  	s3 =	rddreg [dreg:$0x2];
	[bflag:$0x3] =	sbarrier.arrive $0xFFFF;
	s2 =	simm.s32 @!p0 $0x1C02  }
0x17a: {  	[timem:s3], [sflag:s2] =	dma.local @!p0 [hbm:s0], s1  }
0x17b: {  	s0 =	simm.s32 @!p0 $0x2  }
0x17c: {  	_ =	swait.ge @!p0 [sflag:s0], s1  }
0x17d: {  	s1 =	ssub.s32 @!p0 $0x0, s1;
	[sflag:s0] =	ssyncset.done @!p0 $0x0  }
0x17e: {  	[sflag:s0] =	ssyncadd.s32 @!p0 s1  }
0x17f: {  	[bflag:$0x3] =	sbarrier.arrive $0xFFFF  }
0x180: {  	_ =	shalt  }

</sc_bundles>
